<compile_context>
chip_gen: v7x
topology: tpu7x:2x2x1
jax: 0.10.2.dev20260603
libtpu: 0.0.44.dev20260713+nightly
codegen_flags: <defaults>
</compile_context>

<pallas_src>
import functools

import jax
import jax.numpy as jnp
from jax import lax
from jax.experimental import pallas as pl
from jax.experimental.pallas import tpu as pltpu
from jax.experimental.pallas import tpu_sc as plsc

N = 10000
NP = 10240
E = 320000
EP = 327680
D_IN = 128
D_H = 128
D_OUT = 64

NC = 2
NS = 16
NW = NC * NS
EPW = EP // NW
RPT = NP // NS
NR = 4


def _sc_mesh():
    return plsc.VectorSubcoreMesh(core_axis_name="c", subcore_axis_name="s")


_SC_PARAMS = pltpu.CompilerParams(use_tc_tiling_on_sc=False)


DEG_K = 256
DEG_NCH = EPW // DEG_K


def _make_deg_kernel():
    @functools.partial(
        pl.kernel,
        out_type=(
            jax.ShapeDtypeStruct((NC, NP), jnp.float32),
            jax.ShapeDtypeStruct((NC, NP), jnp.float32),
        ),
        mesh=_sc_mesh(),
        scratch_types=(
            [pltpu.VMEM((DEG_K,), jnp.int32) for _ in range(2 * NR)]
            + [pltpu.VMEM((DEG_K,), jnp.float32),
               pltpu.VMEM_SHARED((NP,), jnp.float32),
               pltpu.VMEM_SHARED((NP,), jnp.float32)]
            + [pltpu.SemaphoreType.DMA for _ in range(NR + 1)]
        ),
        compiler_params=_SC_PARAMS,
    )
    def deg_kernel(src_hbm, dst_hbm, zeros_hbm, dout_hbm, din_hbm, *refs):
        sidx = refs[0:NR]
        didx = refs[NR:2 * NR]
        ones_v, dsrc_sh, ddst_sh = refs[2 * NR:2 * NR + 3]
        isem = refs[2 * NR + 3:2 * NR + 3 + NR]
        ssem = refs[2 * NR + 3 + NR]
        c = lax.axis_index("c")
        s = lax.axis_index("s")
        wid = c * NS + s
        base_n = s * RPT
        pltpu.sync_copy(zeros_hbm.at[pl.ds(base_n, RPT)],
                        dsrc_sh.at[pl.ds(base_n, RPT)])
        pltpu.sync_copy(zeros_hbm.at[pl.ds(base_n, RPT)],
                        ddst_sh.at[pl.ds(base_n, RPT)])
        for i in range(DEG_K // 16):
            ones_v[pl.ds(i * 16, 16)] = jnp.ones((16,), jnp.float32)
        plsc.subcore_barrier()

        def start_idx(j, m):
            base_e = wid * EPW + jnp.minimum(j, DEG_NCH - 1) * DEG_K
            pltpu.async_copy(src_hbm.at[pl.ds(base_e, DEG_K)], sidx[m],
                             isem[m])
            pltpu.async_copy(dst_hbm.at[pl.ds(base_e, DEG_K)], didx[m],
                             isem[m])

        def wait_idx(m):
            pltpu.make_async_copy(src_hbm.at[pl.ds(0, DEG_K)], sidx[m],
                                  isem[m]).wait()
            pltpu.make_async_copy(dst_hbm.at[pl.ds(0, DEG_K)], didx[m],
                                  isem[m]).wait()

        start_idx(0, 0)
        start_idx(1, 1)

        def body(g, carry):
            for p in range(NR):
                j = g * NR + p
                wait_idx(p)
                start_idx(j + 2, (p + 2) % NR)
                pltpu.async_copy(ones_v, dsrc_sh.at[sidx[p]], ssem, add=True)
                pltpu.sync_copy(ones_v, ddst_sh.at[didx[p]], add=True)
                pltpu.make_async_copy(zeros_hbm.at[pl.ds(0, DEG_K)], ones_v,
                                      ssem).wait()
            return carry

        lax.fori_loop(0, DEG_NCH // NR, body, 0)
        wait_idx(DEG_NCH % NR)
        wait_idx((DEG_NCH + 1) % NR)
        plsc.subcore_barrier()
        pltpu.sync_copy(dsrc_sh.at[pl.ds(base_n, RPT)],
                        dout_hbm.at[c, pl.ds(base_n, RPT)])
        pltpu.sync_copy(ddst_sh.at[pl.ds(base_n, RPT)],
                        din_hbm.at[c, pl.ds(base_n, RPT)])

    return deg_kernel


def _make_agg_kernel(d, k):
    nch = EPW // k
    assert nch % NR == 0

    @functools.partial(
        pl.kernel,
        out_type=jax.ShapeDtypeStruct((NC, NP, d), jnp.bfloat16),
        mesh=_sc_mesh(),
        scratch_types=(
            [pltpu.VMEM((k,), jnp.int32) for _ in range(2 * NR)]
            + [pltpu.VMEM((k, d), jnp.bfloat16) for _ in range(NR)]
            + [pltpu.VMEM_SHARED((NP, d), jnp.bfloat16)]
            + [pltpu.SemaphoreType.DMA for _ in range(3 * NR)]
        ),
        compiler_params=_SC_PARAMS,
    )
    def agg_kernel(src_hbm, dst_hbm, h_hbm, zeros_hbm, out_hbm, *refs):
        sidx = refs[0:NR]
        didx = refs[NR:2 * NR]
        rows = refs[2 * NR:3 * NR]
        agg_sh = refs[3 * NR]
        isem = refs[3 * NR + 1:3 * NR + 1 + NR]
        gsem = refs[3 * NR + 1 + NR:3 * NR + 1 + 2 * NR]
        ssem = refs[3 * NR + 1 + 2 * NR:3 * NR + 1 + 3 * NR]
        c = lax.axis_index("c")
        s = lax.axis_index("s")
        wid = c * NS + s
        base_n = s * RPT
        pltpu.sync_copy(zeros_hbm.at[pl.ds(base_n, RPT)],
                        agg_sh.at[pl.ds(base_n, RPT)])

        def start_idx(j, m):
            base_e = wid * EPW + jnp.minimum(j, nch - 1) * k
            pltpu.async_copy(src_hbm.at[pl.ds(base_e, k)], sidx[m], isem[m])
            pltpu.async_copy(dst_hbm.at[pl.ds(base_e, k)], didx[m], isem[m])

        def wait_idx(m):
            pltpu.make_async_copy(src_hbm.at[pl.ds(0, k)], sidx[m],
                                  isem[m]).wait()
            pltpu.make_async_copy(dst_hbm.at[pl.ds(0, k)], didx[m],
                                  isem[m]).wait()

        def start_gather(m):
            pltpu.async_copy(h_hbm.at[sidx[m]], rows[m], gsem[m])

        def wait_gather(m):
            pltpu.make_async_copy(h_hbm.at[pl.ds(0, k)], rows[m],
                                  gsem[m]).wait()

        def start_scatter(m):
            pltpu.async_copy(rows[m], agg_sh.at[didx[m]], ssem[m], add=True)

        def wait_scatter(m):
            pltpu.make_async_copy(h_hbm.at[pl.ds(0, k)], rows[m],
                                  ssem[m]).wait()

        def phase(j, p):
            p1 = (p + 1) % NR
            p2 = (p + 2) % NR
            wait_gather(p)
            if not (isinstance(j, int) and j < 2):
                wait_scatter(p2)
            wait_idx(p1)
            start_gather(p1)
            start_idx(j + 2, p2)
            start_scatter(p)

        plsc.subcore_barrier()
        start_idx(0, 0)
        start_idx(1, 1)
        wait_idx(0)
        start_gather(0)
        for j in range(NR):
            phase(j, j)

        def body(g, carry):
            for p in range(NR):
                phase(NR + g * NR + p, p)
            return carry

        lax.fori_loop(0, (nch - NR) // NR, body, 0)
        wait_gather(nch % NR)
        wait_idx((nch + 1) % NR)
        wait_scatter((nch - 2) % NR)
        wait_scatter((nch - 1) % NR)
        plsc.subcore_barrier()
        pltpu.sync_copy(agg_sh.at[pl.ds(base_n, RPT)],
                        out_hbm.at[c, pl.ds(base_n, RPT)])

    return agg_kernel


BLK = 2048


def _xw_body(x_ref, w_ref, xw_ref):
    xw_ref[...] = jnp.dot(x_ref[...], w_ref[...],
                          preferred_element_type=jnp.float32)


def _tc_xw(x_pad, W1):
    return pl.pallas_call(
        _xw_body,
        grid=(NP // BLK,),
        in_specs=[
            pl.BlockSpec((BLK, D_IN), lambda i: (i, 0)),
            pl.BlockSpec((D_IN, D_H), lambda i: (0, 0)),
        ],
        out_specs=pl.BlockSpec((BLK, D_H), lambda i: (i, 0)),
        out_shape=jax.ShapeDtypeStruct((NP, D_H), jnp.float32),
    )(x_pad, W1)


def _layer1_body(dout_ref, din_ref, xw_ref, so_ref, si_ref, h_ref):
    deg_out = jnp.maximum(dout_ref[0, :] + dout_ref[1, :], 1.0)
    deg_in = jnp.maximum(din_ref[0, :] + din_ref[1, :], 1.0)
    so = lax.rsqrt(deg_out)
    si = lax.rsqrt(deg_in)
    so_ref[...] = so
    si_ref[...] = si
    h_ref[...] = (xw_ref[...] * so[:, None]).astype(jnp.bfloat16)


def _tc_layer1(dout_p, din_p, xw):
    return pl.pallas_call(
        _layer1_body,
        grid=(NP // BLK,),
        in_specs=[
            pl.BlockSpec((NC, BLK), lambda i: (0, i)),
            pl.BlockSpec((NC, BLK), lambda i: (0, i)),
            pl.BlockSpec((BLK, D_H), lambda i: (i, 0)),
        ],
        out_specs=[
            pl.BlockSpec((BLK,), lambda i: (i,)),
            pl.BlockSpec((BLK,), lambda i: (i,)),
            pl.BlockSpec((BLK, D_H), lambda i: (i, 0)),
        ],
        out_shape=[
            jax.ShapeDtypeStruct((NP,), jnp.float32),
            jax.ShapeDtypeStruct((NP,), jnp.float32),
            jax.ShapeDtypeStruct((NP, D_H), jnp.bfloat16),
        ],
    )(dout_p, din_p, xw)


def _layer2_body(agg_ref, si_ref, so_ref, b_ref, w_ref, h_ref):
    agg = (agg_ref[0, :, :].astype(jnp.float32)
           + agg_ref[1, :, :].astype(jnp.float32))
    h = agg * si_ref[...][:, None] + b_ref[...][None, :]
    h = jnp.maximum(h, 0.0)
    h_ref[...] = jnp.dot(h * so_ref[...][:, None], w_ref[...],
                         preferred_element_type=jnp.float32
                         ).astype(jnp.bfloat16)


def _tc_layer2(aggp1, si, so, b1, W2):
    return pl.pallas_call(
        _layer2_body,
        grid=(NP // BLK,),
        in_specs=[
            pl.BlockSpec((NC, BLK, D_H), lambda i: (0, i, 0)),
            pl.BlockSpec((BLK,), lambda i: (i,)),
            pl.BlockSpec((BLK,), lambda i: (i,)),
            pl.BlockSpec((D_H,), lambda i: (0,)),
            pl.BlockSpec((D_H, D_OUT), lambda i: (0, 0)),
        ],
        out_specs=pl.BlockSpec((BLK, D_OUT), lambda i: (i, 0)),
        out_shape=jax.ShapeDtypeStruct((NP, D_OUT), jnp.bfloat16),
    )(aggp1, si, so, b1, W2)


def _final_body(agg_ref, si_ref, b_ref, out_ref):
    agg = (agg_ref[0, :, :].astype(jnp.float32)
           + agg_ref[1, :, :].astype(jnp.float32))
    out_ref[...] = agg * si_ref[...][:, None] + b_ref[...][None, :]


def _tc_final(aggp2, si, b2):
    return pl.pallas_call(
        _final_body,
        grid=(NP // BLK,),
        in_specs=[
            pl.BlockSpec((NC, BLK, D_OUT), lambda i: (0, i, 0)),
            pl.BlockSpec((BLK,), lambda i: (i,)),
            pl.BlockSpec((D_OUT,), lambda i: (0,)),
        ],
        out_specs=pl.BlockSpec((BLK, D_OUT), lambda i: (i, 0)),
        out_shape=jax.ShapeDtypeStruct((NP, D_OUT), jnp.float32),
    )(aggp2, si, b2)


def kernel(features, edge_index, W1, b1, W2, b2):
    pad_nodes = N + jax.lax.rem(jnp.arange(EP - E, dtype=jnp.int32),
                                jnp.int32(NP - N))
    epad = jnp.stack([pad_nodes, pad_nodes])
    ei = jnp.concatenate([edge_index, epad], axis=1)
    src = ei[0]
    dst = ei[1]
    x_pad = jnp.pad(features, ((0, NP - N), (0, 0)))
    zeros_n = jnp.zeros((NP,), jnp.float32)
    zeros_h = jnp.zeros((NP, D_H), jnp.bfloat16)
    zeros_o = jnp.zeros((NP, D_OUT), jnp.bfloat16)

    xw = _tc_xw(x_pad, W1)
    dout_p, din_p = _make_deg_kernel()(src, dst, zeros_n)
    so, si, h1 = _tc_layer1(dout_p, din_p, xw)
    aggp1 = _make_agg_kernel(D_H, 320)(src, dst, h1, zeros_h)
    h2 = _tc_layer2(aggp1, si, so, b1, W2)
    aggp2 = _make_agg_kernel(D_OUT, 512)(src, dst, h2, zeros_o)
    return _tc_final(aggp2, si, b2)[:N]

# --- scband reference (transcript-rebuilt; emitter-appended) ---
"""Pipeline reference for scband-gnnmodel-67327907332268 (READ-ONLY COPY).

The authoritative reference and input builder live on the scoring server;
editing this copy changes nothing except your own understanding.
"""

import jax, jax.numpy as jnp
import numpy as np

N = 10000
E = 320000
D_IN = 128
D_H = 128
D_OUT = 64


def setup_inputs(seed: int = 0) -> dict:
    key = jax.random.key(seed)
    k1, k2, k3, k4 = jax.random.split(key, 4)
    features = jax.random.normal(k1, (N, D_IN), dtype=jnp.float32)
    edge_index = jax.random.randint(k2, (2, E), 0, N, dtype=jnp.int32)
    # GraphConv layer 1: in=128 -> out=128 (layer_dim)
    W1 = jax.random.normal(k3, (D_IN, D_H), dtype=jnp.float32) * 0.05
    b1 = jnp.zeros((D_H,), dtype=jnp.float32)
    # GraphConv layer 2: in=128 -> out=64 (n_classes)
    W2 = jax.random.normal(k4, (D_H, D_OUT), dtype=jnp.float32) * 0.05
    b2 = jnp.zeros((D_OUT,), dtype=jnp.float32)
    return {"features": features, "edge_index": edge_index, "W1": W1, "b1": b1, "W2": W2, "b2": b2}


def _gcn_conv(x, src, dst, W, b):
    # DGL GraphConv with norm='both', allow_zero_in_degree=True:
    # h = D_in^{-1/2} A D_out^{-1/2} (x W) + b   (degrees clamped to min 1)
    deg_out = jnp.clip(jnp.bincount(src, length=N), 1).astype(x.dtype)
    deg_in = jnp.clip(jnp.bincount(dst, length=N), 1).astype(x.dtype)
    h = x * jnp.power(deg_out, -0.5)[:, None]
    h = h @ W  # in_feats >= out_feats: multiply weight first, then aggregate
    msg = jnp.take(h, src, axis=0)
    agg = jax.ops.segment_sum(msg, dst, num_segments=N)
    out = agg * jnp.power(deg_in, -0.5)[:, None] + b
    return out


def reference(features, edge_index, W1, b1, W2, b2):
    src = edge_index[0]
    dst = edge_index[1]
    h = _gcn_conv(features, src, dst, W1, b1)
    h = jax.nn.relu(h)
    out = _gcn_conv(h, src, dst, W2, b2)
    return out

if __name__ == "__main__":
    import jax
    _d = setup_inputs()
    print(jax.jit(kernel)(*tuple(_d.values())))

</pallas_src>

<mosaic_0001>
#map = affine_map<(d0, d1) -> (0)>
#map1 = affine_map<(d0, d1) -> (0, 0)>
#map2 = affine_map<(d0, d1) -> (0, 0, 0)>
module attributes {stable_mosaic.version = 14 : i64} {
  func.func @agg_kernel(%arg0: i32, %arg1: i32, %arg2: memref<327680xi32, #tpu.memory_space<hbm>>, %arg3: memref<327680xi32, #tpu.memory_space<hbm>>, %arg4: memref<10240x128xbf16, #tpu.memory_space<hbm>>, %arg5: memref<10240x128xbf16, #tpu.memory_space<hbm>>, %arg6: memref<2x10240x128xbf16, #tpu.memory_space<hbm>>, %arg7: memref<320xi32, #tpu.memory_space<vmem>>, %arg8: memref<320xi32, #tpu.memory_space<vmem>>, %arg9: memref<320xi32, #tpu.memory_space<vmem>>, %arg10: memref<320xi32, #tpu.memory_space<vmem>>, %arg11: memref<320xi32, #tpu.memory_space<vmem>>, %arg12: memref<320xi32, #tpu.memory_space<vmem>>, %arg13: memref<320xi32, #tpu.memory_space<vmem>>, %arg14: memref<320xi32, #tpu.memory_space<vmem>>, %arg15: memref<320x128xbf16, #tpu.memory_space<vmem>>, %arg16: memref<320x128xbf16, #tpu.memory_space<vmem>>, %arg17: memref<320x128xbf16, #tpu.memory_space<vmem>>, %arg18: memref<320x128xbf16, #tpu.memory_space<vmem>>, %arg19: memref<10240x128xbf16, #tpu.memory_space<vmem_shared>>, %arg20: memref<!tpu.dma_semaphore, #tpu.memory_space<semaphore_mem>>, %arg21: memref<!tpu.dma_semaphore, #tpu.memory_space<semaphore_mem>>, %arg22: memref<!tpu.dma_semaphore, #tpu.memory_space<semaphore_mem>>, %arg23: memref<!tpu.dma_semaphore, #tpu.memory_space<semaphore_mem>>, %arg24: memref<!tpu.dma_semaphore, #tpu.memory_space<semaphore_mem>>, %arg25: memref<!tpu.dma_semaphore, #tpu.memory_space<semaphore_mem>>, %arg26: memref<!tpu.dma_semaphore, #tpu.memory_space<semaphore_mem>>, %arg27: memref<!tpu.dma_semaphore, #tpu.memory_space<semaphore_mem>>, %arg28: memref<!tpu.dma_semaphore, #tpu.memory_space<semaphore_mem>>, %arg29: memref<!tpu.dma_semaphore, #tpu.memory_space<semaphore_mem>>, %arg30: memref<!tpu.dma_semaphore, #tpu.memory_space<semaphore_mem>>, %arg31: memref<!tpu.dma_semaphore, #tpu.memory_space<semaphore_mem>>) attributes {dimension_semantics = [#tpu.dimension_semantics<core_parallel>, #tpu.dimension_semantics<subcore_parallel>], iteration_bounds = array<i64: 2, 16>, scalar_prefetch = 0 : i64, scratch_operands = 25 : i64, tpu.core_type = #tpu.core_type<sc_vector_subcore>, window_params = [{transform_indices = #map}, {transform_indices = #map}, {transform_indices = #map1}, {transform_indices = #map1}, {transform_indices = #map2}]} {
    %mul3A = arith.constant 16 : i32
    %mul3A_0 = arith.muli %arg0, %mul3A : i32
    %add3A = arith.addi %mul3A_0, %arg1 : i32
    %mul3A_1 = arith.constant 640 : i32
    %mul3A_2 = arith.muli %arg1, %mul3A_1 : i32
    "tpu.region"() ({
      %run_scoped3A = tpu.sem_alloc : memref<!tpu.dma_semaphore, #tpu.memory_space<semaphore_mem>>
      %dma_start3A_207 = arith.constant 0 : i32
      %dma_start3A_208 = tpu.memref_slice %arg19[%mul3A_2, %dma_start3A_207] : memref<10240x128xbf16, #tpu.memory_space<vmem_shared>> -> memref<640x128xbf16, #tpu.memory_space<vmem_shared>>
      %dma_start3A_209 = arith.constant 0 : i32
      %dma_start3A_210 = tpu.memref_slice %arg5[%mul3A_2, %dma_start3A_209] : memref<10240x128xbf16, #tpu.memory_space<hbm>> -> memref<640x128xbf16, #tpu.memory_space<hbm>>
      tpu.enqueue_dma source(%dma_start3A_210 : memref<640x128xbf16, #tpu.memory_space<hbm>>) target(%dma_start3A_208 : memref<640x128xbf16, #tpu.memory_space<vmem_shared>>) target_semaphore(%run_scoped3A : memref<!tpu.dma_semaphore, #tpu.memory_space<semaphore_mem>>)
      %dma_wait3A_211 = arith.constant 0 : i32
      %dma_wait3A_212 = tpu.memref_slice %arg19[%mul3A_2, %dma_wait3A_211] : memref<10240x128xbf16, #tpu.memory_space<vmem_shared>> -> memref<640x128xbf16, #tpu.memory_space<vmem_shared>>
      %dma_wait3A_213 = arith.constant 0 : i32
      %dma_wait3A_214 = tpu.memref_slice %arg5[%mul3A_2, %dma_wait3A_213] : memref<10240x128xbf16, #tpu.memory_space<hbm>> -> memref<640x128xbf16, #tpu.memory_space<hbm>>
      tpu.wait_dma2 semaphore(%run_scoped3A : memref<!tpu.dma_semaphore, #tpu.memory_space<semaphore_mem>>) src(%dma_wait3A_214 : memref<640x128xbf16, #tpu.memory_space<hbm>>) dst(%dma_wait3A_212 : memref<640x128xbf16, #tpu.memory_space<vmem_shared>>)
      tpu.yield
    }) : () -> ()
    %barrier3A = arith.constant 0 : index
    tpu.barrier barrier_id(%barrier3A)
    %mul3A_3 = arith.constant 10240 : i32
    %mul3A_4 = arith.muli %add3A, %mul3A_3 : i32
    %min3A = arith.constant 0 : i32
    %min3A_5 = arith.constant 31 : i32
    %min3A_6 = arith.minsi %min3A, %min3A_5 : i32
    %mul3A_7 = arith.constant 320 : i32
    %mul3A_8 = arith.muli %min3A_6, %mul3A_7 : i32
    %add3A_9 = arith.addi %mul3A_4, %mul3A_8 : i32
    %dma_start3A = tpu.memref_slice %arg2[%add3A_9] : memref<327680xi32, #tpu.memory_space<hbm>> -> memref<320xi32, #tpu.memory_space<hbm>>
    %dma_start3A_10 = tpu.memref_slice %arg2[%add3A_9] : memref<327680xi32, #tpu.memory_space<hbm>> -> memref<320xi32, #tpu.memory_space<hbm>>
    tpu.enqueue_dma source(%dma_start3A_10 : memref<320xi32, #tpu.memory_space<hbm>>) target(%arg7 : memref<320xi32, #tpu.memory_space<vmem>>) target_semaphore(%arg20 : memref<!tpu.dma_semaphore, #tpu.memory_space<semaphore_mem>>)
    %dma_start3A_11 = tpu.memref_slice %arg3[%add3A_9] : memref<327680xi32, #tpu.memory_space<hbm>> -> memref<320xi32, #tpu.memory_space<hbm>>
    %dma_start3A_12 = tpu.memref_slice %arg3[%add3A_9] : memref<327680xi32, #tpu.memory_space<hbm>> -> memref<320xi32, #tpu.memory_space<hbm>>
    tpu.enqueue_dma source(%dma_start3A_12 : memref<320xi32, #tpu.memory_space<hbm>>) target(%arg11 : memref<320xi32, #tpu.memory_space<vmem>>) target_semaphore(%arg20 : memref<!tpu.dma_semaphore, #tpu.memory_space<semaphore_mem>>)
    %mul3A_13 = arith.constant 10240 : i32
    %mul3A_14 = arith.muli %add3A, %mul3A_13 : i32
    %min3A_15 = arith.constant 1 : i32
    %min3A_16 = arith.constant 31 : i32
    %min3A_17 = arith.minsi %min3A_15, %min3A_16 : i32
    %mul3A_18 = arith.constant 320 : i32
    %mul3A_19 = arith.muli %min3A_17, %mul3A_18 : i32
    %add3A_20 = arith.addi %mul3A_14, %mul3A_19 : i32
    %dma_start3A_21 = tpu.memref_slice %arg2[%add3A_20] : memref<327680xi32, #tpu.memory_space<hbm>> -> memref<320xi32, #tpu.memory_space<hbm>>
    %dma_start3A_22 = tpu.memref_slice %arg2[%add3A_20] : memref<327680xi32, #tpu.memory_space<hbm>> -> memref<320xi32, #tpu.memory_space<hbm>>
    tpu.enqueue_dma source(%dma_start3A_22 : memref<320xi32, #tpu.memory_space<hbm>>) target(%arg8 : memref<320xi32, #tpu.memory_space<vmem>>) target_semaphore(%arg21 : memref<!tpu.dma_semaphore, #tpu.memory_space<semaphore_mem>>)
    %dma_start3A_23 = tpu.memref_slice %arg3[%add3A_20] : memref<327680xi32, #tpu.memory_space<hbm>> -> memref<320xi32, #tpu.memory_space<hbm>>
    %dma_start3A_24 = tpu.memref_slice %arg3[%add3A_20] : memref<327680xi32, #tpu.memory_space<hbm>> -> memref<320xi32, #tpu.memory_space<hbm>>
    tpu.enqueue_dma source(%dma_start3A_24 : memref<320xi32, #tpu.memory_space<hbm>>) target(%arg12 : memref<320xi32, #tpu.memory_space<vmem>>) target_semaphore(%arg21 : memref<!tpu.dma_semaphore, #tpu.memory_space<semaphore_mem>>)
    %dma_wait3A = arith.constant 0 : i32
    %dma_wait3A_25 = tpu.memref_slice %arg2[%dma_wait3A] : memref<327680xi32, #tpu.memory_space<hbm>> -> memref<320xi32, #tpu.memory_space<hbm>>
    %dma_wait3A_26 = arith.constant 0 : i32
    %dma_wait3A_27 = tpu.memref_slice %arg2[%dma_wait3A_26] : memref<327680xi32, #tpu.memory_space<hbm>> -> memref<320xi32, #tpu.memory_space<hbm>>
    tpu.wait_dma2 semaphore(%arg20 : memref<!tpu.dma_semaphore, #tpu.memory_space<semaphore_mem>>) src(%dma_wait3A_27 : memref<320xi32, #tpu.memory_space<hbm>>) dst(%arg7 : memref<320xi32, #tpu.memory_space<vmem>>)
    %dma_wait3A_28 = arith.constant 0 : i32
    %dma_wait3A_29 = tpu.memref_slice %arg3[%dma_wait3A_28] : memref<327680xi32, #tpu.memory_space<hbm>> -> memref<320xi32, #tpu.memory_space<hbm>>
    %dma_wait3A_30 = arith.constant 0 : i32
    %dma_wait3A_31 = tpu.memref_slice %arg3[%dma_wait3A_30] : memref<327680xi32, #tpu.memory_space<hbm>> -> memref<320xi32, #tpu.memory_space<hbm>>
    tpu.wait_dma2 semaphore(%arg20 : memref<!tpu.dma_semaphore, #tpu.memory_space<semaphore_mem>>) src(%dma_wait3A_31 : memref<320xi32, #tpu.memory_space<hbm>>) dst(%arg11 : memref<320xi32, #tpu.memory_space<vmem>>)
    %dma_start3A_32 = arith.constant 0 : i32
    %dma_start3A_33 = arith.constant 0 : i32
    %dma_start3A_34 = tpu.memref_slice %arg4[%dma_start3A_32, %dma_start3A_33] : memref<10240x128xbf16, #tpu.memory_space<hbm>> -> memref<10240x128xbf16, #tpu.memory_space<hbm>>
    tpu.enqueue_indirect_dma source(%dma_start3A_34 : memref<10240x128xbf16, #tpu.memory_space<hbm>>) target(%arg15 : memref<320x128xbf16, #tpu.memory_space<vmem>>) offsets(%arg7 : memref<320xi32, #tpu.memory_space<vmem>>) semaphore(%arg24 : memref<!tpu.dma_semaphore, #tpu.memory_space<semaphore_mem>>)
    %dma_wait3A_35 = arith.constant 0 : i32
    %dma_wait3A_36 = arith.constant 0 : i32
    %dma_wait3A_37 = tpu.memref_slice %arg4[%dma_wait3A_35, %dma_wait3A_36] : memref<10240x128xbf16, #tpu.memory_space<hbm>> -> memref<320x128xbf16, #tpu.memory_space<hbm>>
    %dma_wait3A_38 = arith.constant 0 : i32
    %dma_wait3A_39 = arith.constant 0 : i32
    %dma_wait3A_40 = tpu.memref_slice %arg4[%dma_wait3A_38, %dma_wait3A_39] : memref<10240x128xbf16, #tpu.memory_space<hbm>> -> memref<320x128xbf16, #tpu.memory_space<hbm>>
    tpu.wait_dma2 semaphore(%arg24 : memref<!tpu.dma_semaphore, #tpu.memory_space<semaphore_mem>>) src(%dma_wait3A_40 : memref<320x128xbf16, #tpu.memory_space<hbm>>) dst(%arg15 : memref<320x128xbf16, #tpu.memory_space<vmem>>)
    %dma_wait3A_41 = arith.constant 0 : i32
    %dma_wait3A_42 = tpu.memref_slice %arg2[%dma_wait3A_41] : memref<327680xi32, #tpu.memory_space<hbm>> -> memref<320xi32, #tpu.memory_space<hbm>>
    %dma_wait3A_43 = arith.constant 0 : i32
    %dma_wait3A_44 = tpu.memref_slice %arg2[%dma_wait3A_43] : memref<327680xi32, #tpu.memory_space<hbm>> -> memref<320xi32, #tpu.memory_space<hbm>>
    tpu.wait_dma2 semaphore(%arg21 : memref<!tpu.dma_semaphore, #tpu.memory_space<semaphore_mem>>) src(%dma_wait3A_44 : memref<320xi32, #tpu.memory_space<hbm>>) dst(%arg8 : memref<320xi32, #tpu.memory_space<vmem>>)
    %dma_wait3A_45 = arith.constant 0 : i32
    %dma_wait3A_46 = tpu.memref_slice %arg3[%dma_wait3A_45] : memref<327680xi32, #tpu.memory_space<hbm>> -> memref<320xi32, #tpu.memory_space<hbm>>
    %dma_wait3A_47 = arith.constant 0 : i32
    %dma_wait3A_48 = tpu.memref_slice %arg3[%dma_wait3A_47] : memref<327680xi32, #tpu.memory_space<hbm>> -> memref<320xi32, #tpu.memory_space<hbm>>
    tpu.wait_dma2 semaphore(%arg21 : memref<!tpu.dma_semaphore, #tpu.memory_space<semaphore_mem>>) src(%dma_wait3A_48 : memref<320xi32, #tpu.memory_space<hbm>>) dst(%arg12 : memref<320xi32, #tpu.memory_space<vmem>>)
    %dma_start3A_49 = arith.constant 0 : i32
    %dma_start3A_50 = arith.constant 0 : i32
    %dma_start3A_51 = tpu.memref_slice %arg4[%dma_start3A_49, %dma_start3A_50] : memref<10240x128xbf16, #tpu.memory_space<hbm>> -> memref<10240x128xbf16, #tpu.memory_space<hbm>>
    tpu.enqueue_indirect_dma source(%dma_start3A_51 : memref<10240x128xbf16, #tpu.memory_space<hbm>>) target(%arg16 : memref<320x128xbf16, #tpu.memory_space<vmem>>) offsets(%arg8 : memref<320xi32, #tpu.memory_space<vmem>>) semaphore(%arg25 : memref<!tpu.dma_semaphore, #tpu.memory_space<semaphore_mem>>)
    %mul3A_52 = arith.constant 10240 : i32
    %mul3A_53 = arith.muli %add3A, %mul3A_52 : i32
    %min3A_54 = arith.constant 2 : i32
    %min3A_55 = arith.constant 31 : i32
    %min3A_56 = arith.minsi %min3A_54, %min3A_55 : i32
    %mul3A_57 = arith.constant 320 : i32
    %mul3A_58 = arith.muli %min3A_56, %mul3A_57 : i32
    %add3A_59 = arith.addi %mul3A_53, %mul3A_58 : i32
    %dma_start3A_60 = tpu.memref_slice %arg2[%add3A_59] : memref<327680xi32, #tpu.memory_space<hbm>> -> memref<320xi32, #tpu.memory_space<hbm>>
    %dma_start3A_61 = tpu.memref_slice %arg2[%add3A_59] : memref<327680xi32, #tpu.memory_space<hbm>> -> memref<320xi32, #tpu.memory_space<hbm>>
    tpu.enqueue_dma source(%dma_start3A_61 : memref<320xi32, #tpu.memory_space<hbm>>) target(%arg9 : memref<320xi32, #tpu.memory_space<vmem>>) target_semaphore(%arg22 : memref<!tpu.dma_semaphore, #tpu.memory_space<semaphore_mem>>)
    %dma_start3A_62 = tpu.memref_slice %arg3[%add3A_59] : memref<327680xi32, #tpu.memory_space<hbm>> -> memref<320xi32, #tpu.memory_space<hbm>>
    %dma_start3A_63 = tpu.memref_slice %arg3[%add3A_59] : memref<327680xi32, #tpu.memory_space<hbm>> -> memref<320xi32, #tpu.memory_space<hbm>>
    tpu.enqueue_dma source(%dma_start3A_63 : memref<320xi32, #tpu.memory_space<hbm>>) target(%arg13 : memref<320xi32, #tpu.memory_space<vmem>>) target_semaphore(%arg22 : memref<!tpu.dma_semaphore, #tpu.memory_space<semaphore_mem>>)
    %dma_start3A_64 = arith.constant 0 : i32
    %dma_start3A_65 = arith.constant 0 : i32
    %dma_start3A_66 = tpu.memref_slice %arg19[%dma_start3A_64, %dma_start3A_65] : memref<10240x128xbf16, #tpu.memory_space<vmem_shared>> -> memref<10240x128xbf16, #tpu.memory_space<vmem_shared>>
    tpu.enqueue_indirect_dma source(%arg15 : memref<320x128xbf16, #tpu.memory_space<vmem>>) target(%dma_start3A_66 : memref<10240x128xbf16, #tpu.memory_space<vmem_shared>>) offsets(%arg11 : memref<320xi32, #tpu.memory_space<vmem>>) semaphore(%arg28 : memref<!tpu.dma_semaphore, #tpu.memory_space<semaphore_mem>>) {add = true}
    %dma_wait3A_67 = arith.constant 0 : i32
    %dma_wait3A_68 = arith.constant 0 : i32
    %dma_wait3A_69 = tpu.memref_slice %arg4[%dma_wait3A_67, %dma_wait3A_68] : memref<10240x128xbf16, #tpu.memory_space<hbm>> -> memref<320x128xbf16, #tpu.memory_space<hbm>>
    %dma_wait3A_70 = arith.constant 0 : i32
    %dma_wait3A_71 = arith.constant 0 : i32
    %dma_wait3A_72 = tpu.memref_slice %arg4[%dma_wait3A_70, %dma_wait3A_71] : memref<10240x128xbf16, #tpu.memory_space<hbm>> -> memref<320x128xbf16, #tpu.memory_space<hbm>>
    tpu.wait_dma2 semaphore(%arg25 : memref<!tpu.dma_semaphore, #tpu.memory_space<semaphore_mem>>) src(%dma_wait3A_72 : memref<320x128xbf16, #tpu.memory_space<hbm>>) dst(%arg16 : memref<320x128xbf16, #tpu.memory_space<vmem>>)
    %dma_wait3A_73 = arith.constant 0 : i32
    %dma_wait3A_74 = tpu.memref_slice %arg2[%dma_wait3A_73] : memref<327680xi32, #tpu.memory_space<hbm>> -> memref<320xi32, #tpu.memory_space<hbm>>
    %dma_wait3A_75 = arith.constant 0 : i32
    %dma_wait3A_76 = tpu.memref_slice %arg2[%dma_wait3A_75] : memref<327680xi32, #tpu.memory_space<hbm>> -> memref<320xi32, #tpu.memory_space<hbm>>
    tpu.wait_dma2 semaphore(%arg22 : memref<!tpu.dma_semaphore, #tpu.memory_space<semaphore_mem>>) src(%dma_wait3A_76 : memref<320xi32, #tpu.memory_space<hbm>>) dst(%arg9 : memref<320xi32, #tpu.memory_space<vmem>>)
    %dma_wait3A_77 = arith.constant 0 : i32
    %dma_wait3A_78 = tpu.memref_slice %arg3[%dma_wait3A_77] : memref<327680xi32, #tpu.memory_space<hbm>> -> memref<320xi32, #tpu.memory_space<hbm>>
    %dma_wait3A_79 = arith.constant 0 : i32
    %dma_wait3A_80 = tpu.memref_slice %arg3[%dma_wait3A_79] : memref<327680xi32, #tpu.memory_space<hbm>> -> memref<320xi32, #tpu.memory_space<hbm>>
    tpu.wait_dma2 semaphore(%arg22 : memref<!tpu.dma_semaphore, #tpu.memory_space<semaphore_mem>>) src(%dma_wait3A_80 : memref<320xi32, #tpu.memory_space<hbm>>) dst(%arg13 : memref<320xi32, #tpu.memory_space<vmem>>)
    %dma_start3A_81 = arith.constant 0 : i32
    %dma_start3A_82 = arith.constant 0 : i32
    %dma_start3A_83 = tpu.memref_slice %arg4[%dma_start3A_81, %dma_start3A_82] : memref<10240x128xbf16, #tpu.memory_space<hbm>> -> memref<10240x128xbf16, #tpu.memory_space<hbm>>
    tpu.enqueue_indirect_dma source(%dma_start3A_83 : memref<10240x128xbf16, #tpu.memory_space<hbm>>) target(%arg17 : memref<320x128xbf16, #tpu.memory_space<vmem>>) offsets(%arg9 : memref<320xi32, #tpu.memory_space<vmem>>) semaphore(%arg26 : memref<!tpu.dma_semaphore, #tpu.memory_space<semaphore_mem>>)
    %mul3A_84 = arith.constant 10240 : i32
    %mul3A_85 = arith.muli %add3A, %mul3A_84 : i32
    %min3A_86 = arith.constant 3 : i32
    %min3A_87 = arith.constant 31 : i32
    %min3A_88 = arith.minsi %min3A_86, %min3A_87 : i32
    %mul3A_89 = arith.constant 320 : i32
    %mul3A_90 = arith.muli %min3A_88, %mul3A_89 : i32
    %add3A_91 = arith.addi %mul3A_85, %mul3A_90 : i32
    %dma_start3A_92 = tpu.memref_slice %arg2[%add3A_91] : memref<327680xi32, #tpu.memory_space<hbm>> -> memref<320xi32, #tpu.memory_space<hbm>>
    %dma_start3A_93 = tpu.memref_slice %arg2[%add3A_91] : memref<327680xi32, #tpu.memory_space<hbm>> -> memref<320xi32, #tpu.memory_space<hbm>>
    tpu.enqueue_dma source(%dma_start3A_93 : memref<320xi32, #tpu.memory_space<hbm>>) target(%arg10 : memref<320xi32, #tpu.memory_space<vmem>>) target_semaphore(%arg23 : memref<!tpu.dma_semaphore, #tpu.memory_space<semaphore_mem>>)
    %dma_start3A_94 = tpu.memref_slice %arg3[%add3A_91] : memref<327680xi32, #tpu.memory_space<hbm>> -> memref<320xi32, #tpu.memory_space<hbm>>
    %dma_start3A_95 = tpu.memref_slice %arg3[%add3A_91] : memref<327680xi32, #tpu.memory_space<hbm>> -> memref<320xi32, #tpu.memory_space<hbm>>
    tpu.enqueue_dma source(%dma_start3A_95 : memref<320xi32, #tpu.memory_space<hbm>>) target(%arg14 : memref<320xi32, #tpu.memory_space<vmem>>) target_semaphore(%arg23 : memref<!tpu.dma_semaphore, #tpu.memory_space<semaphore_mem>>)
    %dma_start3A_96 = arith.constant 0 : i32
    %dma_start3A_97 = arith.constant 0 : i32
    %dma_start3A_98 = tpu.memref_slice %arg19[%dma_start3A_96, %dma_start3A_97] : memref<10240x128xbf16, #tpu.memory_space<vmem_shared>> -> memref<10240x128xbf16, #tpu.memory_space<vmem_shared>>
    tpu.enqueue_indirect_dma source(%arg16 : memref<320x128xbf16, #tpu.memory_space<vmem>>) target(%dma_start3A_98 : memref<10240x128xbf16, #tpu.memory_space<vmem_shared>>) offsets(%arg12 : memref<320xi32, #tpu.memory_space<vmem>>) semaphore(%arg29 : memref<!tpu.dma_semaphore, #tpu.memory_space<semaphore_mem>>) {add = true}
    %dma_wait3A_99 = arith.constant 0 : i32
    %dma_wait3A_100 = arith.constant 0 : i32
    %dma_wait3A_101 = tpu.memref_slice %arg4[%dma_wait3A_99, %dma_wait3A_100] : memref<10240x128xbf16, #tpu.memory_space<hbm>> -> memref<320x128xbf16, #tpu.memory_space<hbm>>
    %dma_wait3A_102 = arith.constant 0 : i32
    %dma_wait3A_103 = arith.constant 0 : i32
    %dma_wait3A_104 = tpu.memref_slice %arg4[%dma_wait3A_102, %dma_wait3A_103] : memref<10240x128xbf16, #tpu.memory_space<hbm>> -> memref<320x128xbf16, #tpu.memory_space<hbm>>
    tpu.wait_dma2 semaphore(%arg26 : memref<!tpu.dma_semaphore, #tpu.memory_space<semaphore_mem>>) src(%dma_wait3A_104 : memref<320x128xbf16, #tpu.memory_space<hbm>>) dst(%arg17 : memref<320x128xbf16, #tpu.memory_space<vmem>>)
    %dma_wait3A_105 = arith.constant 0 : i32
    %dma_wait3A_106 = arith.constant 0 : i32
    %dma_wait3A_107 = tpu.memref_slice %arg4[%dma_wait3A_105, %dma_wait3A_106] : memref<10240x128xbf16, #tpu.memory_space<hbm>> -> memref<320x128xbf16, #tpu.memory_space<hbm>>
    %dma_wait3A_108 = arith.constant 0 : i32
    %dma_wait3A_109 = arith.constant 0 : i32
    %dma_wait3A_110 = tpu.memref_slice %arg4[%dma_wait3A_108, %dma_wait3A_109] : memref<10240x128xbf16, #tpu.memory_space<hbm>> -> memref<320x128xbf16, #tpu.memory_space<hbm>>
    tpu.wait_dma2 semaphore(%arg28 : memref<!tpu.dma_semaphore, #tpu.memory_space<semaphore_mem>>) src(%dma_wait3A_110 : memref<320x128xbf16, #tpu.memory_space<hbm>>) dst(%arg15 : memref<320x128xbf16, #tpu.memory_space<vmem>>)
    %dma_wait3A_111 = arith.constant 0 : i32
    %dma_wait3A_112 = tpu.memref_slice %arg2[%dma_wait3A_111] : memref<327680xi32, #tpu.memory_space<hbm>> -> memref<320xi32, #tpu.memory_space<hbm>>
    %dma_wait3A_113 = arith.constant 0 : i32
    %dma_wait3A_114 = tpu.memref_slice %arg2[%dma_wait3A_113] : memref<327680xi32, #tpu.memory_space<hbm>> -> memref<320xi32, #tpu.memory_space<hbm>>
    tpu.wait_dma2 semaphore(%arg23 : memref<!tpu.dma_semaphore, #tpu.memory_space<semaphore_mem>>) src(%dma_wait3A_114 : memref<320xi32, #tpu.memory_space<hbm>>) dst(%arg10 : memref<320xi32, #tpu.memory_space<vmem>>)
    %dma_wait3A_115 = arith.constant 0 : i32
    %dma_wait3A_116 = tpu.memref_slice %arg3[%dma_wait3A_115] : memref<327680xi32, #tpu.memory_space<hbm>> -> memref<320xi32, #tpu.memory_space<hbm>>
    %dma_wait3A_117 = arith.constant 0 : i32
    %dma_wait3A_118 = tpu.memref_slice %arg3[%dma_wait3A_117] : memref<327680xi32, #tpu.memory_space<hbm>> -> memref<320xi32, #tpu.memory_space<hbm>>
    tpu.wait_dma2 semaphore(%arg23 : memref<!tpu.dma_semaphore, #tpu.memory_space<semaphore_mem>>) src(%dma_wait3A_118 : memref<320xi32, #tpu.memory_space<hbm>>) dst(%arg14 : memref<320xi32, #tpu.memory_space<vmem>>)
    %dma_start3A_119 = arith.constant 0 : i32
    %dma_start3A_120 = arith.constant 0 : i32
    %dma_start3A_121 = tpu.memref_slice %arg4[%dma_start3A_119, %dma_start3A_120] : memref<10240x128xbf16, #tpu.memory_space<hbm>> -> memref<10240x128xbf16, #tpu.memory_space<hbm>>
    tpu.enqueue_indirect_dma source(%dma_start3A_121 : memref<10240x128xbf16, #tpu.memory_space<hbm>>) target(%arg18 : memref<320x128xbf16, #tpu.memory_space<vmem>>) offsets(%arg10 : memref<320xi32, #tpu.memory_space<vmem>>) semaphore(%arg27 : memref<!tpu.dma_semaphore, #tpu.memory_space<semaphore_mem>>)
    %mul3A_122 = arith.constant 10240 : i32
    %mul3A_123 = arith.muli %add3A, %mul3A_122 : i32
    %min3A_124 = arith.constant 4 : i32
    %min3A_125 = arith.constant 31 : i32
    %min3A_126 = arith.minsi %min3A_124, %min3A_125 : i32
    %mul3A_127 = arith.constant 320 : i32
    %mul3A_128 = arith.muli %min3A_126, %mul3A_127 : i32
    %add3A_129 = arith.addi %mul3A_123, %mul3A_128 : i32
    %dma_start3A_130 = tpu.memref_slice %arg2[%add3A_129] : memref<327680xi32, #tpu.memory_space<hbm>> -> memref<320xi32, #tpu.memory_space<hbm>>
    %dma_start3A_131 = tpu.memref_slice %arg2[%add3A_129] : memref<327680xi32, #tpu.memory_space<hbm>> -> memref<320xi32, #tpu.memory_space<hbm>>
    tpu.enqueue_dma source(%dma_start3A_131 : memref<320xi32, #tpu.memory_space<hbm>>) target(%arg7 : memref<320xi32, #tpu.memory_space<vmem>>) target_semaphore(%arg20 : memref<!tpu.dma_semaphore, #tpu.memory_space<semaphore_mem>>)
    %dma_start3A_132 = tpu.memref_slice %arg3[%add3A_129] : memref<327680xi32, #tpu.memory_space<hbm>> -> memref<320xi32, #tpu.memory_space<hbm>>
    %dma_start3A_133 = tpu.memref_slice %arg3[%add3A_129] : memref<327680xi32, #tpu.memory_space<hbm>> -> memref<320xi32, #tpu.memory_space<hbm>>
    tpu.enqueue_dma source(%dma_start3A_133 : memref<320xi32, #tpu.memory_space<hbm>>) target(%arg11 : memref<320xi32, #tpu.memory_space<vmem>>) target_semaphore(%arg20 : memref<!tpu.dma_semaphore, #tpu.memory_space<semaphore_mem>>)
    %dma_start3A_134 = arith.constant 0 : i32
    %dma_start3A_135 = arith.constant 0 : i32
    %dma_start3A_136 = tpu.memref_slice %arg19[%dma_start3A_134, %dma_start3A_135] : memref<10240x128xbf16, #tpu.memory_space<vmem_shared>> -> memref<10240x128xbf16, #tpu.memory_space<vmem_shared>>
    tpu.enqueue_indirect_dma source(%arg17 : memref<320x128xbf16, #tpu.memory_space<vmem>>) target(%dma_start3A_136 : memref<10240x128xbf16, #tpu.memory_space<vmem_shared>>) offsets(%arg13 : memref<320xi32, #tpu.memory_space<vmem>>) semaphore(%arg30 : memref<!tpu.dma_semaphore, #tpu.memory_space<semaphore_mem>>) {add = true}
    %dma_wait3A_137 = arith.constant 0 : i32
    %dma_wait3A_138 = arith.constant 0 : i32
    %dma_wait3A_139 = tpu.memref_slice %arg4[%dma_wait3A_137, %dma_wait3A_138] : memref<10240x128xbf16, #tpu.memory_space<hbm>> -> memref<320x128xbf16, #tpu.memory_space<hbm>>
    %dma_wait3A_140 = arith.constant 0 : i32
    %dma_wait3A_141 = arith.constant 0 : i32
    %dma_wait3A_142 = tpu.memref_slice %arg4[%dma_wait3A_140, %dma_wait3A_141] : memref<10240x128xbf16, #tpu.memory_space<hbm>> -> memref<320x128xbf16, #tpu.memory_space<hbm>>
    tpu.wait_dma2 semaphore(%arg27 : memref<!tpu.dma_semaphore, #tpu.memory_space<semaphore_mem>>) src(%dma_wait3A_142 : memref<320x128xbf16, #tpu.memory_space<hbm>>) dst(%arg18 : memref<320x128xbf16, #tpu.memory_space<vmem>>)
    %dma_wait3A_143 = arith.constant 0 : i32
    %dma_wait3A_144 = arith.constant 0 : i32
    %dma_wait3A_145 = tpu.memref_slice %arg4[%dma_wait3A_143, %dma_wait3A_144] : memref<10240x128xbf16, #tpu.memory_space<hbm>> -> memref<320x128xbf16, #tpu.memory_space<hbm>>
    %dma_wait3A_146 = arith.constant 0 : i32
    %dma_wait3A_147 = arith.constant 0 : i32
    %dma_wait3A_148 = tpu.memref_slice %arg4[%dma_wait3A_146, %dma_wait3A_147] : memref<10240x128xbf16, #tpu.memory_space<hbm>> -> memref<320x128xbf16, #tpu.memory_space<hbm>>
    tpu.wait_dma2 semaphore(%arg29 : memref<!tpu.dma_semaphore, #tpu.memory_space<semaphore_mem>>) src(%dma_wait3A_148 : memref<320x128xbf16, #tpu.memory_space<hbm>>) dst(%arg16 : memref<320x128xbf16, #tpu.memory_space<vmem>>)
    %dma_wait3A_149 = arith.constant 0 : i32
    %dma_wait3A_150 = tpu.memref_slice %arg2[%dma_wait3A_149] : memref<327680xi32, #tpu.memory_space<hbm>> -> memref<320xi32, #tpu.memory_space<hbm>>
    %dma_wait3A_151 = arith.constant 0 : i32
    %dma_wait3A_152 = tpu.memref_slice %arg2[%dma_wait3A_151] : memref<327680xi32, #tpu.memory_space<hbm>> -> memref<320xi32, #tpu.memory_space<hbm>>
    tpu.wait_dma2 semaphore(%arg20 : memref<!tpu.dma_semaphore, #tpu.memory_space<semaphore_mem>>) src(%dma_wait3A_152 : memref<320xi32, #tpu.memory_space<hbm>>) dst(%arg7 : memref<320xi32, #tpu.memory_space<vmem>>)
    %dma_wait3A_153 = arith.constant 0 : i32
    %dma_wait3A_154 = tpu.memref_slice %arg3[%dma_wait3A_153] : memref<327680xi32, #tpu.memory_space<hbm>> -> memref<320xi32, #tpu.memory_space<hbm>>
    %dma_wait3A_155 = arith.constant 0 : i32
    %dma_wait3A_156 = tpu.memref_slice %arg3[%dma_wait3A_155] : memref<327680xi32, #tpu.memory_space<hbm>> -> memref<320xi32, #tpu.memory_space<hbm>>
    tpu.wait_dma2 semaphore(%arg20 : memref<!tpu.dma_semaphore, #tpu.memory_space<semaphore_mem>>) src(%dma_wait3A_156 : memref<320xi32, #tpu.memory_space<hbm>>) dst(%arg11 : memref<320xi32, #tpu.memory_space<vmem>>)
    %dma_start3A_157 = arith.constant 0 : i32
    %dma_start3A_158 = arith.constant 0 : i32
    %dma_start3A_159 = tpu.memref_slice %arg4[%dma_start3A_157, %dma_start3A_158] : memref<10240x128xbf16, #tpu.memory_space<hbm>> -> memref<10240x128xbf16, #tpu.memory_space<hbm>>
    tpu.enqueue_indirect_dma source(%dma_start3A_159 : memref<10240x128xbf16, #tpu.memory_space<hbm>>) target(%arg15 : memref<320x128xbf16, #tpu.memory_space<vmem>>) offsets(%arg7 : memref<320xi32, #tpu.memory_space<vmem>>) semaphore(%arg24 : memref<!tpu.dma_semaphore, #tpu.memory_space<semaphore_mem>>)
    %mul3A_160 = arith.constant 10240 : i32
    %mul3A_161 = arith.muli %add3A, %mul3A_160 : i32
    %min3A_162 = arith.constant 5 : i32
    %min3A_163 = arith.constant 31 : i32
    %min3A_164 = arith.minsi %min3A_162, %min3A_163 : i32
    %mul3A_165 = arith.constant 320 : i32
    %mul3A_166 = arith.muli %min3A_164, %mul3A_165 : i32
    %add3A_167 = arith.addi %mul3A_161, %mul3A_166 : i32
    %dma_start3A_168 = tpu.memref_slice %arg2[%add3A_167] : memref<327680xi32, #tpu.memory_space<hbm>> -> memref<320xi32, #tpu.memory_space<hbm>>
    %dma_start3A_169 = tpu.memref_slice %arg2[%add3A_167] : memref<327680xi32, #tpu.memory_space<hbm>> -> memref<320xi32, #tpu.memory_space<hbm>>
    tpu.enqueue_dma source(%dma_start3A_169 : memref<320xi32, #tpu.memory_space<hbm>>) target(%arg8 : memref<320xi32, #tpu.memory_space<vmem>>) target_semaphore(%arg21 : memref<!tpu.dma_semaphore, #tpu.memory_space<semaphore_mem>>)
    %dma_start3A_170 = tpu.memref_slice %arg3[%add3A_167] : memref<327680xi32, #tpu.memory_space<hbm>> -> memref<320xi32, #tpu.memory_space<hbm>>
    %dma_start3A_171 = tpu.memref_slice %arg3[%add3A_167] : memref<327680xi32, #tpu.memory_space<hbm>> -> memref<320xi32, #tpu.memory_space<hbm>>
    tpu.enqueue_dma source(%dma_start3A_171 : memref<320xi32, #tpu.memory_space<hbm>>) target(%arg12 : memref<320xi32, #tpu.memory_space<vmem>>) target_semaphore(%arg21 : memref<!tpu.dma_semaphore, #tpu.memory_space<semaphore_mem>>)
    %dma_start3A_172 = arith.constant 0 : i32
    %dma_start3A_173 = arith.constant 0 : i32
    %dma_start3A_174 = tpu.memref_slice %arg19[%dma_start3A_172, %dma_start3A_173] : memref<10240x128xbf16, #tpu.memory_space<vmem_shared>> -> memref<10240x128xbf16, #tpu.memory_space<vmem_shared>>
    tpu.enqueue_indirect_dma source(%arg18 : memref<320x128xbf16, #tpu.memory_space<vmem>>) target(%dma_start3A_174 : memref<10240x128xbf16, #tpu.memory_space<vmem_shared>>) offsets(%arg14 : memref<320xi32, #tpu.memory_space<vmem>>) semaphore(%arg31 : memref<!tpu.dma_semaphore, #tpu.memory_space<semaphore_mem>>) {add = true}
    %scan3A = arith.constant 0 : i32
    %scan3A_175 = arith.constant 0 : i32
    %scan3A_176 = arith.constant 7 : i32
    %scan3A_177 = arith.addi %scan3A_175, %scan3A_176 : i32
    %scan3A_178 = arith.constant 1 : i32
    scf.for %scan3A_207 = %scan3A_175 to %scan3A_177 step %scan3A_178  : i32 {
      %mul3A_208 = arith.constant 4 : i32
      %mul3A_209 = arith.muli %scan3A_207, %mul3A_208 : i32
      %add3A_210 = arith.constant 4 : i32
      %add3A_211 = arith.addi %add3A_210, %mul3A_209 : i32
      %add3A_212 = arith.constant 0 : i32
      %add3A_213 = arith.addi %add3A_211, %add3A_212 : i32
      %dma_wait3A_214 = arith.constant 0 : i32
      %dma_wait3A_215 = arith.constant 0 : i32
      %dma_wait3A_216 = tpu.memref_slice %arg4[%dma_wait3A_214, %dma_wait3A_215] : memref<10240x128xbf16, #tpu.memory_space<hbm>> -> memref<320x128xbf16, #tpu.memory_space<hbm>>
      %dma_wait3A_217 = arith.constant 0 : i32
      %dma_wait3A_218 = arith.constant 0 : i32
      %dma_wait3A_219 = tpu.memref_slice %arg4[%dma_wait3A_217, %dma_wait3A_218] : memref<10240x128xbf16, #tpu.memory_space<hbm>> -> memref<320x128xbf16, #tpu.memory_space<hbm>>
      tpu.wait_dma2 semaphore(%arg24 : memref<!tpu.dma_semaphore, #tpu.memory_space<semaphore_mem>>) src(%dma_wait3A_219 : memref<320x128xbf16, #tpu.memory_space<hbm>>) dst(%arg15 : memref<320x128xbf16, #tpu.memory_space<vmem>>)
      %dma_wait3A_220 = arith.constant 0 : i32
      %dma_wait3A_221 = arith.constant 0 : i32
      %dma_wait3A_222 = tpu.memref_slice %arg4[%dma_wait3A_220, %dma_wait3A_221] : memref<10240x128xbf16, #tpu.memory_space<hbm>> -> memref<320x128xbf16, #tpu.memory_space<hbm>>
      %dma_wait3A_223 = arith.constant 0 : i32
      %dma_wait3A_224 = arith.constant 0 : i32
      %dma_wait3A_225 = tpu.memref_slice %arg4[%dma_wait3A_223, %dma_wait3A_224] : memref<10240x128xbf16, #tpu.memory_space<hbm>> -> memref<320x128xbf16, #tpu.memory_space<hbm>>
      tpu.wait_dma2 semaphore(%arg30 : memref<!tpu.dma_semaphore, #tpu.memory_space<semaphore_mem>>) src(%dma_wait3A_225 : memref<320x128xbf16, #tpu.memory_space<hbm>>) dst(%arg17 : memref<320x128xbf16, #tpu.memory_space<vmem>>)
      %dma_wait3A_226 = arith.constant 0 : i32
      %dma_wait3A_227 = tpu.memref_slice %arg2[%dma_wait3A_226] : memref<327680xi32, #tpu.memory_space<hbm>> -> memref<320xi32, #tpu.memory_space<hbm>>
      %dma_wait3A_228 = arith.constant 0 : i32
      %dma_wait3A_229 = tpu.memref_slice %arg2[%dma_wait3A_228] : memref<327680xi32, #tpu.memory_space<hbm>> -> memref<320xi32, #tpu.memory_space<hbm>>
      tpu.wait_dma2 semaphore(%arg21 : memref<!tpu.dma_semaphore, #tpu.memory_space<semaphore_mem>>) src(%dma_wait3A_229 : memref<320xi32, #tpu.memory_space<hbm>>) dst(%arg8 : memref<320xi32, #tpu.memory_space<vmem>>)
      %dma_wait3A_230 = arith.constant 0 : i32
      %dma_wait3A_231 = tpu.memref_slice %arg3[%dma_wait3A_230] : memref<327680xi32, #tpu.memory_space<hbm>> -> memref<320xi32, #tpu.memory_space<hbm>>
      %dma_wait3A_232 = arith.constant 0 : i32
      %dma_wait3A_233 = tpu.memref_slice %arg3[%dma_wait3A_232] : memref<327680xi32, #tpu.memory_space<hbm>> -> memref<320xi32, #tpu.memory_space<hbm>>
      tpu.wait_dma2 semaphore(%arg21 : memref<!tpu.dma_semaphore, #tpu.memory_space<semaphore_mem>>) src(%dma_wait3A_233 : memref<320xi32, #tpu.memory_space<hbm>>) dst(%arg12 : memref<320xi32, #tpu.memory_space<vmem>>)
      %dma_start3A_234 = arith.constant 0 : i32
      %dma_start3A_235 = arith.constant 0 : i32
      %dma_start3A_236 = tpu.memref_slice %arg4[%dma_start3A_234, %dma_start3A_235] : memref<10240x128xbf16, #tpu.memory_space<hbm>> -> memref<10240x128xbf16, #tpu.memory_space<hbm>>
      tpu.enqueue_indirect_dma source(%dma_start3A_236 : memref<10240x128xbf16, #tpu.memory_space<hbm>>) target(%arg16 : memref<320x128xbf16, #tpu.memory_space<vmem>>) offsets(%arg8 : memref<320xi32, #tpu.memory_space<vmem>>) semaphore(%arg25 : memref<!tpu.dma_semaphore, #tpu.memory_space<semaphore_mem>>)
      %add3A_237 = arith.constant 2 : i32
      %add3A_238 = arith.addi %add3A_213, %add3A_237 : i32
      %mul3A_239 = arith.constant 10240 : i32
      %mul3A_240 = arith.muli %add3A, %mul3A_239 : i32
      %min3A_241 = arith.constant 31 : i32
      %min3A_242 = arith.minsi %add3A_238, %min3A_241 : i32
      %mul3A_243 = arith.constant 320 : i32
      %mul3A_244 = arith.muli %min3A_242, %mul3A_243 : i32
      %add3A_245 = arith.addi %mul3A_240, %mul3A_244 : i32
      %dma_start3A_246 = tpu.memref_slice %arg2[%add3A_245] : memref<327680xi32, #tpu.memory_space<hbm>> -> memref<320xi32, #tpu.memory_space<hbm>>
      %dma_start3A_247 = tpu.memref_slice %arg2[%add3A_245] : memref<327680xi32, #tpu.memory_space<hbm>> -> memref<320xi32, #tpu.memory_space<hbm>>
      tpu.enqueue_dma source(%dma_start3A_247 : memref<320xi32, #tpu.memory_space<hbm>>) target(%arg9 : memref<320xi32, #tpu.memory_space<vmem>>) target_semaphore(%arg22 : memref<!tpu.dma_semaphore, #tpu.memory_space<semaphore_mem>>)
      %dma_start3A_248 = tpu.memref_slice %arg3[%add3A_245] : memref<327680xi32, #tpu.memory_space<hbm>> -> memref<320xi32, #tpu.memory_space<hbm>>
      %dma_start3A_249 = tpu.memref_slice %arg3[%add3A_245] : memref<327680xi32, #tpu.memory_space<hbm>> -> memref<320xi32, #tpu.memory_space<hbm>>
      tpu.enqueue_dma source(%dma_start3A_249 : memref<320xi32, #tpu.memory_space<hbm>>) target(%arg13 : memref<320xi32, #tpu.memory_space<vmem>>) target_semaphore(%arg22 : memref<!tpu.dma_semaphore, #tpu.memory_space<semaphore_mem>>)
      %dma_start3A_250 = arith.constant 0 : i32
      %dma_start3A_251 = arith.constant 0 : i32
      %dma_start3A_252 = tpu.memref_slice %arg19[%dma_start3A_250, %dma_start3A_251] : memref<10240x128xbf16, #tpu.memory_space<vmem_shared>> -> memref<10240x128xbf16, #tpu.memory_space<vmem_shared>>
      tpu.enqueue_indirect_dma source(%arg15 : memref<320x128xbf16, #tpu.memory_space<vmem>>) target(%dma_start3A_252 : memref<10240x128xbf16, #tpu.memory_space<vmem_shared>>) offsets(%arg11 : memref<320xi32, #tpu.memory_space<vmem>>) semaphore(%arg28 : memref<!tpu.dma_semaphore, #tpu.memory_space<semaphore_mem>>) {add = true}
      %mul3A_253 = arith.constant 4 : i32
      %mul3A_254 = arith.muli %scan3A_207, %mul3A_253 : i32
      %add3A_255 = arith.constant 4 : i32
      %add3A_256 = arith.addi %add3A_255, %mul3A_254 : i32
      %add3A_257 = arith.constant 1 : i32
      %add3A_258 = arith.addi %add3A_256, %add3A_257 : i32
      %dma_wait3A_259 = arith.constant 0 : i32
      %dma_wait3A_260 = arith.constant 0 : i32
      %dma_wait3A_261 = tpu.memref_slice %arg4[%dma_wait3A_259, %dma_wait3A_260] : memref<10240x128xbf16, #tpu.memory_space<hbm>> -> memref<320x128xbf16, #tpu.memory_space<hbm>>
      %dma_wait3A_262 = arith.constant 0 : i32
      %dma_wait3A_263 = arith.constant 0 : i32
      %dma_wait3A_264 = tpu.memref_slice %arg4[%dma_wait3A_262, %dma_wait3A_263] : memref<10240x128xbf16, #tpu.memory_space<hbm>> -> memref<320x128xbf16, #tpu.memory_space<hbm>>
      tpu.wait_dma2 semaphore(%arg25 : memref<!tpu.dma_semaphore, #tpu.memory_space<semaphore_mem>>) src(%dma_wait3A_264 : memref<320x128xbf16, #tpu.memory_space<hbm>>) dst(%arg16 : memref<320x128xbf16, #tpu.memory_space<vmem>>)
      %dma_wait3A_265 = arith.constant 0 : i32
      %dma_wait3A_266 = arith.constant 0 : i32
      %dma_wait3A_267 = tpu.memref_slice %arg4[%dma_wait3A_265, %dma_wait3A_266] : memref<10240x128xbf16, #tpu.memory_space<hbm>> -> memref<320x128xbf16, #tpu.memory_space<hbm>>
      %dma_wait3A_268 = arith.constant 0 : i32
      %dma_wait3A_269 = arith.constant 0 : i32
      %dma_wait3A_270 = tpu.memref_slice %arg4[%dma_wait3A_268, %dma_wait3A_269] : memref<10240x128xbf16, #tpu.memory_space<hbm>> -> memref<320x128xbf16, #tpu.memory_space<hbm>>
      tpu.wait_dma2 semaphore(%arg31 : memref<!tpu.dma_semaphore, #tpu.memory_space<semaphore_mem>>) src(%dma_wait3A_270 : memref<320x128xbf16, #tpu.memory_space<hbm>>) dst(%arg18 : memref<320x128xbf16, #tpu.memory_space<vmem>>)
      %dma_wait3A_271 = arith.constant 0 : i32
      %dma_wait3A_272 = tpu.memref_slice %arg2[%dma_wait3A_271] : memref<327680xi32, #tpu.memory_space<hbm>> -> memref<320xi32, #tpu.memory_space<hbm>>
      %dma_wait3A_273 = arith.constant 0 : i32
      %dma_wait3A_274 = tpu.memref_slice %arg2[%dma_wait3A_273] : memref<327680xi32, #tpu.memory_space<hbm>> -> memref<320xi32, #tpu.memory_space<hbm>>
      tpu.wait_dma2 semaphore(%arg22 : memref<!tpu.dma_semaphore, #tpu.memory_space<semaphore_mem>>) src(%dma_wait3A_274 : memref<320xi32, #tpu.memory_space<hbm>>) dst(%arg9 : memref<320xi32, #tpu.memory_space<vmem>>)
      %dma_wait3A_275 = arith.constant 0 : i32
      %dma_wait3A_276 = tpu.memref_slice %arg3[%dma_wait3A_275] : memref<327680xi32, #tpu.memory_space<hbm>> -> memref<320xi32, #tpu.memory_space<hbm>>
      %dma_wait3A_277 = arith.constant 0 : i32
      %dma_wait3A_278 = tpu.memref_slice %arg3[%dma_wait3A_277] : memref<327680xi32, #tpu.memory_space<hbm>> -> memref<320xi32, #tpu.memory_space<hbm>>
      tpu.wait_dma2 semaphore(%arg22 : memref<!tpu.dma_semaphore, #tpu.memory_space<semaphore_mem>>) src(%dma_wait3A_278 : memref<320xi32, #tpu.memory_space<hbm>>) dst(%arg13 : memref<320xi32, #tpu.memory_space<vmem>>)
      %dma_start3A_279 = arith.constant 0 : i32
      %dma_start3A_280 = arith.constant 0 : i32
      %dma_start3A_281 = tpu.memref_slice %arg4[%dma_start3A_279, %dma_start3A_280] : memref<10240x128xbf16, #tpu.memory_space<hbm>> -> memref<10240x128xbf16, #tpu.memory_space<hbm>>
      tpu.enqueue_indirect_dma source(%dma_start3A_281 : memref<10240x128xbf16, #tpu.memory_space<hbm>>) target(%arg17 : memref<320x128xbf16, #tpu.memory_space<vmem>>) offsets(%arg9 : memref<320xi32, #tpu.memory_space<vmem>>) semaphore(%arg26 : memref<!tpu.dma_semaphore, #tpu.memory_space<semaphore_mem>>)
      %add3A_282 = arith.constant 2 : i32
      %add3A_283 = arith.addi %add3A_258, %add3A_282 : i32
      %mul3A_284 = arith.constant 10240 : i32
      %mul3A_285 = arith.muli %add3A, %mul3A_284 : i32
      %min3A_286 = arith.constant 31 : i32
      %min3A_287 = arith.minsi %add3A_283, %min3A_286 : i32
      %mul3A_288 = arith.constant 320 : i32
      %mul3A_289 = arith.muli %min3A_287, %mul3A_288 : i32
      %add3A_290 = arith.addi %mul3A_285, %mul3A_289 : i32
      %dma_start3A_291 = tpu.memref_slice %arg2[%add3A_290] : memref<327680xi32, #tpu.memory_space<hbm>> -> memref<320xi32, #tpu.memory_space<hbm>>
      %dma_start3A_292 = tpu.memref_slice %arg2[%add3A_290] : memref<327680xi32, #tpu.memory_space<hbm>> -> memref<320xi32, #tpu.memory_space<hbm>>
      tpu.enqueue_dma source(%dma_start3A_292 : memref<320xi32, #tpu.memory_space<hbm>>) target(%arg10 : memref<320xi32, #tpu.memory_space<vmem>>) target_semaphore(%arg23 : memref<!tpu.dma_semaphore, #tpu.memory_space<semaphore_mem>>)
      %dma_start3A_293 = tpu.memref_slice %arg3[%add3A_290] : memref<327680xi32, #tpu.memory_space<hbm>> -> memref<320xi32, #tpu.memory_space<hbm>>
      %dma_start3A_294 = tpu.memref_slice %arg3[%add3A_290] : memref<327680xi32, #tpu.memory_space<hbm>> -> memref<320xi32, #tpu.memory_space<hbm>>
      tpu.enqueue_dma source(%dma_start3A_294 : memref<320xi32, #tpu.memory_space<hbm>>) target(%arg14 : memref<320xi32, #tpu.memory_space<vmem>>) target_semaphore(%arg23 : memref<!tpu.dma_semaphore, #tpu.memory_space<semaphore_mem>>)
      %dma_start3A_295 = arith.constant 0 : i32
      %dma_start3A_296 = arith.constant 0 : i32
      %dma_start3A_297 = tpu.memref_slice %arg19[%dma_start3A_295, %dma_start3A_296] : memref<10240x128xbf16, #tpu.memory_space<vmem_shared>> -> memref<10240x128xbf16, #tpu.memory_space<vmem_shared>>
      tpu.enqueue_indirect_dma source(%arg16 : memref<320x128xbf16, #tpu.memory_space<vmem>>) target(%dma_start3A_297 : memref<10240x128xbf16, #tpu.memory_space<vmem_shared>>) offsets(%arg12 : memref<320xi32, #tpu.memory_space<vmem>>) semaphore(%arg29 : memref<!tpu.dma_semaphore, #tpu.memory_space<semaphore_mem>>) {add = true}
      %mul3A_298 = arith.constant 4 : i32
      %mul3A_299 = arith.muli %scan3A_207, %mul3A_298 : i32
      %add3A_300 = arith.constant 4 : i32
      %add3A_301 = arith.addi %add3A_300, %mul3A_299 : i32
      %add3A_302 = arith.constant 2 : i32
      %add3A_303 = arith.addi %add3A_301, %add3A_302 : i32
      %dma_wait3A_304 = arith.constant 0 : i32
      %dma_wait3A_305 = arith.constant 0 : i32
      %dma_wait3A_306 = tpu.memref_slice %arg4[%dma_wait3A_304, %dma_wait3A_305] : memref<10240x128xbf16, #tpu.memory_space<hbm>> -> memref<320x128xbf16, #tpu.memory_space<hbm>>
      %dma_wait3A_307 = arith.constant 0 : i32
      %dma_wait3A_308 = arith.constant 0 : i32
      %dma_wait3A_309 = tpu.memref_slice %arg4[%dma_wait3A_307, %dma_wait3A_308] : memref<10240x128xbf16, #tpu.memory_space<hbm>> -> memref<320x128xbf16, #tpu.memory_space<hbm>>
      tpu.wait_dma2 semaphore(%arg26 : memref<!tpu.dma_semaphore, #tpu.memory_space<semaphore_mem>>) src(%dma_wait3A_309 : memref<320x128xbf16, #tpu.memory_space<hbm>>) dst(%arg17 : memref<320x128xbf16, #tpu.memory_space<vmem>>)
      %dma_wait3A_310 = arith.constant 0 : i32
      %dma_wait3A_311 = arith.constant 0 : i32
      %dma_wait3A_312 = tpu.memref_slice %arg4[%dma_wait3A_310, %dma_wait3A_311] : memref<10240x128xbf16, #tpu.memory_space<hbm>> -> memref<320x128xbf16, #tpu.memory_space<hbm>>
      %dma_wait3A_313 = arith.constant 0 : i32
      %dma_wait3A_314 = arith.constant 0 : i32
      %dma_wait3A_315 = tpu.memref_slice %arg4[%dma_wait3A_313, %dma_wait3A_314] : memref<10240x128xbf16, #tpu.memory_space<hbm>> -> memref<320x128xbf16, #tpu.memory_space<hbm>>
      tpu.wait_dma2 semaphore(%arg28 : memref<!tpu.dma_semaphore, #tpu.memory_space<semaphore_mem>>) src(%dma_wait3A_315 : memref<320x128xbf16, #tpu.memory_space<hbm>>) dst(%arg15 : memref<320x128xbf16, #tpu.memory_space<vmem>>)
      %dma_wait3A_316 = arith.constant 0 : i32
      %dma_wait3A_317 = tpu.memref_slice %arg2[%dma_wait3A_316] : memref<327680xi32, #tpu.memory_space<hbm>> -> memref<320xi32, #tpu.memory_space<hbm>>
      %dma_wait3A_318 = arith.constant 0 : i32
      %dma_wait3A_319 = tpu.memref_slice %arg2[%dma_wait3A_318] : memref<327680xi32, #tpu.memory_space<hbm>> -> memref<320xi32, #tpu.memory_space<hbm>>
      tpu.wait_dma2 semaphore(%arg23 : memref<!tpu.dma_semaphore, #tpu.memory_space<semaphore_mem>>) src(%dma_wait3A_319 : memref<320xi32, #tpu.memory_space<hbm>>) dst(%arg10 : memref<320xi32, #tpu.memory_space<vmem>>)
      %dma_wait3A_320 = arith.constant 0 : i32
      %dma_wait3A_321 = tpu.memref_slice %arg3[%dma_wait3A_320] : memref<327680xi32, #tpu.memory_space<hbm>> -> memref<320xi32, #tpu.memory_space<hbm>>
      %dma_wait3A_322 = arith.constant 0 : i32
      %dma_wait3A_323 = tpu.memref_slice %arg3[%dma_wait3A_322] : memref<327680xi32, #tpu.memory_space<hbm>> -> memref<320xi32, #tpu.memory_space<hbm>>
      tpu.wait_dma2 semaphore(%arg23 : memref<!tpu.dma_semaphore, #tpu.memory_space<semaphore_mem>>) src(%dma_wait3A_323 : memref<320xi32, #tpu.memory_space<hbm>>) dst(%arg14 : memref<320xi32, #tpu.memory_space<vmem>>)
      %dma_start3A_324 = arith.constant 0 : i32
      %dma_start3A_325 = arith.constant 0 : i32
      %dma_start3A_326 = tpu.memref_slice %arg4[%dma_start3A_324, %dma_start3A_325] : memref<10240x128xbf16, #tpu.memory_space<hbm>> -> memref<10240x128xbf16, #tpu.memory_space<hbm>>
      tpu.enqueue_indirect_dma source(%dma_start3A_326 : memref<10240x128xbf16, #tpu.memory_space<hbm>>) target(%arg18 : memref<320x128xbf16, #tpu.memory_space<vmem>>) offsets(%arg10 : memref<320xi32, #tpu.memory_space<vmem>>) semaphore(%arg27 : memref<!tpu.dma_semaphore, #tpu.memory_space<semaphore_mem>>)
      %add3A_327 = arith.constant 2 : i32
      %add3A_328 = arith.addi %add3A_303, %add3A_327 : i32
      %mul3A_329 = arith.constant 10240 : i32
      %mul3A_330 = arith.muli %add3A, %mul3A_329 : i32
      %min3A_331 = arith.constant 31 : i32
      %min3A_332 = arith.minsi %add3A_328, %min3A_331 : i32
      %mul3A_333 = arith.constant 320 : i32
      %mul3A_334 = arith.muli %min3A_332, %mul3A_333 : i32
      %add3A_335 = arith.addi %mul3A_330, %mul3A_334 : i32
      %dma_start3A_336 = tpu.memref_slice %arg2[%add3A_335] : memref<327680xi32, #tpu.memory_space<hbm>> -> memref<320xi32, #tpu.memory_space<hbm>>
      %dma_start3A_337 = tpu.memref_slice %arg2[%add3A_335] : memref<327680xi32, #tpu.memory_space<hbm>> -> memref<320xi32, #tpu.memory_space<hbm>>
      tpu.enqueue_dma source(%dma_start3A_337 : memref<320xi32, #tpu.memory_space<hbm>>) target(%arg7 : memref<320xi32, #tpu.memory_space<vmem>>) target_semaphore(%arg20 : memref<!tpu.dma_semaphore, #tpu.memory_space<semaphore_mem>>)
      %dma_start3A_338 = tpu.memref_slice %arg3[%add3A_335] : memref<327680xi32, #tpu.memory_space<hbm>> -> memref<320xi32, #tpu.memory_space<hbm>>
      %dma_start3A_339 = tpu.memref_slice %arg3[%add3A_335] : memref<327680xi32, #tpu.memory_space<hbm>> -> memref<320xi32, #tpu.memory_space<hbm>>
      tpu.enqueue_dma source(%dma_start3A_339 : memref<320xi32, #tpu.memory_space<hbm>>) target(%arg11 : memref<320xi32, #tpu.memory_space<vmem>>) target_semaphore(%arg20 : memref<!tpu.dma_semaphore, #tpu.memory_space<semaphore_mem>>)
      %dma_start3A_340 = arith.constant 0 : i32
      %dma_start3A_341 = arith.constant 0 : i32
      %dma_start3A_342 = tpu.memref_slice %arg19[%dma_start3A_340, %dma_start3A_341] : memref<10240x128xbf16, #tpu.memory_space<vmem_shared>> -> memref<10240x128xbf16, #tpu.memory_space<vmem_shared>>
      tpu.enqueue_indirect_dma source(%arg17 : memref<320x128xbf16, #tpu.memory_space<vmem>>) target(%dma_start3A_342 : memref<10240x128xbf16, #tpu.memory_space<vmem_shared>>) offsets(%arg13 : memref<320xi32, #tpu.memory_space<vmem>>) semaphore(%arg30 : memref<!tpu.dma_semaphore, #tpu.memory_space<semaphore_mem>>) {add = true}
      %mul3A_343 = arith.constant 4 : i32
      %mul3A_344 = arith.muli %scan3A_207, %mul3A_343 : i32
      %add3A_345 = arith.constant 4 : i32
      %add3A_346 = arith.addi %add3A_345, %mul3A_344 : i32
      %add3A_347 = arith.constant 3 : i32
      %add3A_348 = arith.addi %add3A_346, %add3A_347 : i32
      %dma_wait3A_349 = arith.constant 0 : i32
      %dma_wait3A_350 = arith.constant 0 : i32
      %dma_wait3A_351 = tpu.memref_slice %arg4[%dma_wait3A_349, %dma_wait3A_350] : memref<10240x128xbf16, #tpu.memory_space<hbm>> -> memref<320x128xbf16, #tpu.memory_space<hbm>>
      %dma_wait3A_352 = arith.constant 0 : i32
      %dma_wait3A_353 = arith.constant 0 : i32
      %dma_wait3A_354 = tpu.memref_slice %arg4[%dma_wait3A_352, %dma_wait3A_353] : memref<10240x128xbf16, #tpu.memory_space<hbm>> -> memref<320x128xbf16, #tpu.memory_space<hbm>>
      tpu.wait_dma2 semaphore(%arg27 : memref<!tpu.dma_semaphore, #tpu.memory_space<semaphore_mem>>) src(%dma_wait3A_354 : memref<320x128xbf16, #tpu.memory_space<hbm>>) dst(%arg18 : memref<320x128xbf16, #tpu.memory_space<vmem>>)
      %dma_wait3A_355 = arith.constant 0 : i32
      %dma_wait3A_356 = arith.constant 0 : i32
      %dma_wait3A_357 = tpu.memref_slice %arg4[%dma_wait3A_355, %dma_wait3A_356] : memref<10240x128xbf16, #tpu.memory_space<hbm>> -> memref<320x128xbf16, #tpu.memory_space<hbm>>
      %dma_wait3A_358 = arith.constant 0 : i32
      %dma_wait3A_359 = arith.constant 0 : i32
      %dma_wait3A_360 = tpu.memref_slice %arg4[%dma_wait3A_358, %dma_wait3A_359] : memref<10240x128xbf16, #tpu.memory_space<hbm>> -> memref<320x128xbf16, #tpu.memory_space<hbm>>
      tpu.wait_dma2 semaphore(%arg29 : memref<!tpu.dma_semaphore, #tpu.memory_space<semaphore_mem>>) src(%dma_wait3A_360 : memref<320x128xbf16, #tpu.memory_space<hbm>>) dst(%arg16 : memref<320x128xbf16, #tpu.memory_space<vmem>>)
      %dma_wait3A_361 = arith.constant 0 : i32
      %dma_wait3A_362 = tpu.memref_slice %arg2[%dma_wait3A_361] : memref<327680xi32, #tpu.memory_space<hbm>> -> memref<320xi32, #tpu.memory_space<hbm>>
      %dma_wait3A_363 = arith.constant 0 : i32
      %dma_wait3A_364 = tpu.memref_slice %arg2[%dma_wait3A_363] : memref<327680xi32, #tpu.memory_space<hbm>> -> memref<320xi32, #tpu.memory_space<hbm>>
      tpu.wait_dma2 semaphore(%arg20 : memref<!tpu.dma_semaphore, #tpu.memory_space<semaphore_mem>>) src(%dma_wait3A_364 : memref<320xi32, #tpu.memory_space<hbm>>) dst(%arg7 : memref<320xi32, #tpu.memory_space<vmem>>)
      %dma_wait3A_365 = arith.constant 0 : i32
      %dma_wait3A_366 = tpu.memref_slice %arg3[%dma_wait3A_365] : memref<327680xi32, #tpu.memory_space<hbm>> -> memref<320xi32, #tpu.memory_space<hbm>>
      %dma_wait3A_367 = arith.constant 0 : i32
      %dma_wait3A_368 = tpu.memref_slice %arg3[%dma_wait3A_367] : memref<327680xi32, #tpu.memory_space<hbm>> -> memref<320xi32, #tpu.memory_space<hbm>>
      tpu.wait_dma2 semaphore(%arg20 : memref<!tpu.dma_semaphore, #tpu.memory_space<semaphore_mem>>) src(%dma_wait3A_368 : memref<320xi32, #tpu.memory_space<hbm>>) dst(%arg11 : memref<320xi32, #tpu.memory_space<vmem>>)
      %dma_start3A_369 = arith.constant 0 : i32
      %dma_start3A_370 = arith.constant 0 : i32
      %dma_start3A_371 = tpu.memref_slice %arg4[%dma_start3A_369, %dma_start3A_370] : memref<10240x128xbf16, #tpu.memory_space<hbm>> -> memref<10240x128xbf16, #tpu.memory_space<hbm>>
      tpu.enqueue_indirect_dma source(%dma_start3A_371 : memref<10240x128xbf16, #tpu.memory_space<hbm>>) target(%arg15 : memref<320x128xbf16, #tpu.memory_space<vmem>>) offsets(%arg7 : memref<320xi32, #tpu.memory_space<vmem>>) semaphore(%arg24 : memref<!tpu.dma_semaphore, #tpu.memory_space<semaphore_mem>>)
      %add3A_372 = arith.constant 2 : i32
      %add3A_373 = arith.addi %add3A_348, %add3A_372 : i32
      %mul3A_374 = arith.constant 10240 : i32
      %mul3A_375 = arith.muli %add3A, %mul3A_374 : i32
      %min3A_376 = arith.constant 31 : i32
      %min3A_377 = arith.minsi %add3A_373, %min3A_376 : i32
      %mul3A_378 = arith.constant 320 : i32
      %mul3A_379 = arith.muli %min3A_377, %mul3A_378 : i32
      %add3A_380 = arith.addi %mul3A_375, %mul3A_379 : i32
      %dma_start3A_381 = tpu.memref_slice %arg2[%add3A_380] : memref<327680xi32, #tpu.memory_space<hbm>> -> memref<320xi32, #tpu.memory_space<hbm>>
      %dma_start3A_382 = tpu.memref_slice %arg2[%add3A_380] : memref<327680xi32, #tpu.memory_space<hbm>> -> memref<320xi32, #tpu.memory_space<hbm>>
      tpu.enqueue_dma source(%dma_start3A_382 : memref<320xi32, #tpu.memory_space<hbm>>) target(%arg8 : memref<320xi32, #tpu.memory_space<vmem>>) target_semaphore(%arg21 : memref<!tpu.dma_semaphore, #tpu.memory_space<semaphore_mem>>)
      %dma_start3A_383 = tpu.memref_slice %arg3[%add3A_380] : memref<327680xi32, #tpu.memory_space<hbm>> -> memref<320xi32, #tpu.memory_space<hbm>>
      %dma_start3A_384 = tpu.memref_slice %arg3[%add3A_380] : memref<327680xi32, #tpu.memory_space<hbm>> -> memref<320xi32, #tpu.memory_space<hbm>>
      tpu.enqueue_dma source(%dma_start3A_384 : memref<320xi32, #tpu.memory_space<hbm>>) target(%arg12 : memref<320xi32, #tpu.memory_space<vmem>>) target_semaphore(%arg21 : memref<!tpu.dma_semaphore, #tpu.memory_space<semaphore_mem>>)
      %dma_start3A_385 = arith.constant 0 : i32
      %dma_start3A_386 = arith.constant 0 : i32
      %dma_start3A_387 = tpu.memref_slice %arg19[%dma_start3A_385, %dma_start3A_386] : memref<10240x128xbf16, #tpu.memory_space<vmem_shared>> -> memref<10240x128xbf16, #tpu.memory_space<vmem_shared>>
      tpu.enqueue_indirect_dma source(%arg18 : memref<320x128xbf16, #tpu.memory_space<vmem>>) target(%dma_start3A_387 : memref<10240x128xbf16, #tpu.memory_space<vmem_shared>>) offsets(%arg14 : memref<320xi32, #tpu.memory_space<vmem>>) semaphore(%arg31 : memref<!tpu.dma_semaphore, #tpu.memory_space<semaphore_mem>>) {add = true}
    }
    %scan3A_179 = arith.constant 7 : i32
    %dma_wait3A_180 = arith.constant 0 : i32
    %dma_wait3A_181 = arith.constant 0 : i32
    %dma_wait3A_182 = tpu.memref_slice %arg4[%dma_wait3A_180, %dma_wait3A_181] : memref<10240x128xbf16, #tpu.memory_space<hbm>> -> memref<320x128xbf16, #tpu.memory_space<hbm>>
    %dma_wait3A_183 = arith.constant 0 : i32
    %dma_wait3A_184 = arith.constant 0 : i32
    %dma_wait3A_185 = tpu.memref_slice %arg4[%dma_wait3A_183, %dma_wait3A_184] : memref<10240x128xbf16, #tpu.memory_space<hbm>> -> memref<320x128xbf16, #tpu.memory_space<hbm>>
    tpu.wait_dma2 semaphore(%arg24 : memref<!tpu.dma_semaphore, #tpu.memory_space<semaphore_mem>>) src(%dma_wait3A_185 : memref<320x128xbf16, #tpu.memory_space<hbm>>) dst(%arg15 : memref<320x128xbf16, #tpu.memory_space<vmem>>)
    %dma_wait3A_186 = arith.constant 0 : i32
    %dma_wait3A_187 = tpu.memref_slice %arg2[%dma_wait3A_186] : memref<327680xi32, #tpu.memory_space<hbm>> -> memref<320xi32, #tpu.memory_space<hbm>>
    %dma_wait3A_188 = arith.constant 0 : i32
    %dma_wait3A_189 = tpu.memref_slice %arg2[%dma_wait3A_188] : memref<327680xi32, #tpu.memory_space<hbm>> -> memref<320xi32, #tpu.memory_space<hbm>>
    tpu.wait_dma2 semaphore(%arg21 : memref<!tpu.dma_semaphore, #tpu.memory_space<semaphore_mem>>) src(%dma_wait3A_189 : memref<320xi32, #tpu.memory_space<hbm>>) dst(%arg8 : memref<320xi32, #tpu.memory_space<vmem>>)
    %dma_wait3A_190 = arith.constant 0 : i32
    %dma_wait3A_191 = tpu.memref_slice %arg3[%dma_wait3A_190] : memref<327680xi32, #tpu.memory_space<hbm>> -> memref<320xi32, #tpu.memory_space<hbm>>
    %dma_wait3A_192 = arith.constant 0 : i32
    %dma_wait3A_193 = tpu.memref_slice %arg3[%dma_wait3A_192] : memref<327680xi32, #tpu.memory_space<hbm>> -> memref<320xi32, #tpu.memory_space<hbm>>
    tpu.wait_dma2 semaphore(%arg21 : memref<!tpu.dma_semaphore, #tpu.memory_space<semaphore_mem>>) src(%dma_wait3A_193 : memref<320xi32, #tpu.memory_space<hbm>>) dst(%arg12 : memref<320xi32, #tpu.memory_space<vmem>>)
    %dma_wait3A_194 = arith.constant 0 : i32
    %dma_wait3A_195 = arith.constant 0 : i32
    %dma_wait3A_196 = tpu.memref_slice %arg4[%dma_wait3A_194, %dma_wait3A_195] : memref<10240x128xbf16, #tpu.memory_space<hbm>> -> memref<320x128xbf16, #tpu.memory_space<hbm>>
    %dma_wait3A_197 = arith.constant 0 : i32
    %dma_wait3A_198 = arith.constant 0 : i32
    %dma_wait3A_199 = tpu.memref_slice %arg4[%dma_wait3A_197, %dma_wait3A_198] : memref<10240x128xbf16, #tpu.memory_space<hbm>> -> memref<320x128xbf16, #tpu.memory_space<hbm>>
    tpu.wait_dma2 semaphore(%arg30 : memref<!tpu.dma_semaphore, #tpu.memory_space<semaphore_mem>>) src(%dma_wait3A_199 : memref<320x128xbf16, #tpu.memory_space<hbm>>) dst(%arg17 : memref<320x128xbf16, #tpu.memory_space<vmem>>)
    %dma_wait3A_200 = arith.constant 0 : i32
    %dma_wait3A_201 = arith.constant 0 : i32
    %dma_wait3A_202 = tpu.memref_slice %arg4[%dma_wait3A_200, %dma_wait3A_201] : memref<10240x128xbf16, #tpu.memory_space<hbm>> -> memref<320x128xbf16, #tpu.memory_space<hbm>>
    %dma_wait3A_203 = arith.constant 0 : i32
    %dma_wait3A_204 = arith.constant 0 : i32
    %dma_wait3A_205 = tpu.memref_slice %arg4[%dma_wait3A_203, %dma_wait3A_204] : memref<10240x128xbf16, #tpu.memory_space<hbm>> -> memref<320x128xbf16, #tpu.memory_space<hbm>>
    tpu.wait_dma2 semaphore(%arg31 : memref<!tpu.dma_semaphore, #tpu.memory_space<semaphore_mem>>) src(%dma_wait3A_205 : memref<320x128xbf16, #tpu.memory_space<hbm>>) dst(%arg18 : memref<320x128xbf16, #tpu.memory_space<vmem>>)
    %barrier3A_206 = arith.constant 0 : index
    tpu.barrier barrier_id(%barrier3A_206)
    "tpu.region"() ({
      %run_scoped3A = tpu.sem_alloc : memref<!tpu.dma_semaphore, #tpu.memory_space<semaphore_mem>>
      %dma_start3A_207 = arith.constant 0 : i32
      %dma_start3A_208 = tpu.memref_slice %arg6[%arg0, %mul3A_2, %dma_start3A_207] : memref<2x10240x128xbf16, #tpu.memory_space<hbm>> -> memref<1x640x128xbf16, #tpu.memory_space<hbm>>
      %dma_start3A_209 = tpu.memref_squeeze %dma_start3A_208 : memref<1x640x128xbf16, #tpu.memory_space<hbm>> -> memref<640x128xbf16, #tpu.memory_space<hbm>>
      %dma_start3A_210 = arith.constant 0 : i32
      %dma_start3A_211 = tpu.memref_slice %arg19[%mul3A_2, %dma_start3A_210] : memref<10240x128xbf16, #tpu.memory_space<vmem_shared>> -> memref<640x128xbf16, #tpu.memory_space<vmem_shared>>
      tpu.enqueue_dma source(%dma_start3A_211 : memref<640x128xbf16, #tpu.memory_space<vmem_shared>>) target(%dma_start3A_209 : memref<640x128xbf16, #tpu.memory_space<hbm>>) target_semaphore(%run_scoped3A : memref<!tpu.dma_semaphore, #tpu.memory_space<semaphore_mem>>)
      %dma_wait3A_212 = arith.constant 0 : i32
      %dma_wait3A_213 = tpu.memref_slice %arg6[%arg0, %mul3A_2, %dma_wait3A_212] : memref<2x10240x128xbf16, #tpu.memory_space<hbm>> -> memref<1x640x128xbf16, #tpu.memory_space<hbm>>
      %dma_wait3A_214 = tpu.memref_squeeze %dma_wait3A_213 : memref<1x640x128xbf16, #tpu.memory_space<hbm>> -> memref<640x128xbf16, #tpu.memory_space<hbm>>
      %dma_wait3A_215 = arith.constant 0 : i32
      %dma_wait3A_216 = tpu.memref_slice %arg19[%mul3A_2, %dma_wait3A_215] : memref<10240x128xbf16, #tpu.memory_space<vmem_shared>> -> memref<640x128xbf16, #tpu.memory_space<vmem_shared>>
      tpu.wait_dma2 semaphore(%run_scoped3A : memref<!tpu.dma_semaphore, #tpu.memory_space<semaphore_mem>>) src(%dma_wait3A_216 : memref<640x128xbf16, #tpu.memory_space<vmem_shared>>) dst(%dma_wait3A_214 : memref<640x128xbf16, #tpu.memory_space<hbm>>)
      tpu.yield
    }) : () -> ()
    return
  }
}

#map = affine_map<(d0, d1) -> (0)>
#map1 = affine_map<(d0, d1) -> (0, 0)>
#map2 = affine_map<(d0, d1) -> (0, 0, 0)>
module attributes {stable_mosaic.version = 14 : i64} {
  func.func @agg_kernel(%arg0: i32, %arg1: i32, %arg2: memref<327680xi32, #tpu.memory_space<hbm>>, %arg3: memref<327680xi32, #tpu.memory_space<hbm>>, %arg4: memref<10240x64xbf16, #tpu.memory_space<hbm>>, %arg5: memref<10240x64xbf16, #tpu.memory_space<hbm>>, %arg6: memref<2x10240x64xbf16, #tpu.memory_space<hbm>>, %arg7: memref<512xi32, #tpu.memory_space<vmem>>, %arg8: memref<512xi32, #tpu.memory_space<vmem>>, %arg9: memref<512xi32, #tpu.memory_space<vmem>>, %arg10: memref<512xi32, #tpu.memory_space<vmem>>, %arg11: memref<512xi32, #tpu.memory_space<vmem>>, %arg12: memref<512xi32, #tpu.memory_space<vmem>>, %arg13: memref<512xi32, #tpu.memory_space<vmem>>, %arg14: memref<512xi32, #tpu.memory_space<vmem>>, %arg15: memref<512x64xbf16, #tpu.memory_space<vmem>>, %arg16: memref<512x64xbf16, #tpu.memory_space<vmem>>, %arg17: memref<512x64xbf16, #tpu.memory_space<vmem>>, %arg18: memref<512x64xbf16, #tpu.memory_space<vmem>>, %arg19: memref<10240x64xbf16, #tpu.memory_space<vmem_shared>>, %arg20: memref<!tpu.dma_semaphore, #tpu.memory_space<semaphore_mem>>, %arg21: memref<!tpu.dma_semaphore, #tpu.memory_space<semaphore_mem>>, %arg22: memref<!tpu.dma_semaphore, #tpu.memory_space<semaphore_mem>>, %arg23: memref<!tpu.dma_semaphore, #tpu.memory_space<semaphore_mem>>, %arg24: memref<!tpu.dma_semaphore, #tpu.memory_space<semaphore_mem>>, %arg25: memref<!tpu.dma_semaphore, #tpu.memory_space<semaphore_mem>>, %arg26: memref<!tpu.dma_semaphore, #tpu.memory_space<semaphore_mem>>, %arg27: memref<!tpu.dma_semaphore, #tpu.memory_space<semaphore_mem>>, %arg28: memref<!tpu.dma_semaphore, #tpu.memory_space<semaphore_mem>>, %arg29: memref<!tpu.dma_semaphore, #tpu.memory_space<semaphore_mem>>, %arg30: memref<!tpu.dma_semaphore, #tpu.memory_space<semaphore_mem>>, %arg31: memref<!tpu.dma_semaphore, #tpu.memory_space<semaphore_mem>>) attributes {dimension_semantics = [#tpu.dimension_semantics<core_parallel>, #tpu.dimension_semantics<subcore_parallel>], iteration_bounds = array<i64: 2, 16>, scalar_prefetch = 0 : i64, scratch_operands = 25 : i64, tpu.core_type = #tpu.core_type<sc_vector_subcore>, window_params = [{transform_indices = #map}, {transform_indices = #map}, {transform_indices = #map1}, {transform_indices = #map1}, {transform_indices = #map2}]} {
    %mul3A = arith.constant 16 : i32
    %mul3A_0 = arith.muli %arg0, %mul3A : i32
    %add3A = arith.addi %mul3A_0, %arg1 : i32
    %mul3A_1 = arith.constant 640 : i32
    %mul3A_2 = arith.muli %arg1, %mul3A_1 : i32
    "tpu.region"() ({
      %run_scoped3A = tpu.sem_alloc : memref<!tpu.dma_semaphore, #tpu.memory_space<semaphore_mem>>
      %dma_start3A_207 = arith.constant 0 : i32
      %dma_start3A_208 = tpu.memref_slice %arg19[%mul3A_2, %dma_start3A_207] : memref<10240x64xbf16, #tpu.memory_space<vmem_shared>> -> memref<640x64xbf16, #tpu.memory_space<vmem_shared>>
      %dma_start3A_209 = arith.constant 0 : i32
      %dma_start3A_210 = tpu.memref_slice %arg5[%mul3A_2, %dma_start3A_209] : memref<10240x64xbf16, #tpu.memory_space<hbm>> -> memref<640x64xbf16, #tpu.memory_space<hbm>>
      tpu.enqueue_dma source(%dma_start3A_210 : memref<640x64xbf16, #tpu.memory_space<hbm>>) target(%dma_start3A_208 : memref<640x64xbf16, #tpu.memory_space<vmem_shared>>) target_semaphore(%run_scoped3A : memref<!tpu.dma_semaphore, #tpu.memory_space<semaphore_mem>>)
      %dma_wait3A_211 = arith.constant 0 : i32
      %dma_wait3A_212 = tpu.memref_slice %arg19[%mul3A_2, %dma_wait3A_211] : memref<10240x64xbf16, #tpu.memory_space<vmem_shared>> -> memref<640x64xbf16, #tpu.memory_space<vmem_shared>>
      %dma_wait3A_213 = arith.constant 0 : i32
      %dma_wait3A_214 = tpu.memref_slice %arg5[%mul3A_2, %dma_wait3A_213] : memref<10240x64xbf16, #tpu.memory_space<hbm>> -> memref<640x64xbf16, #tpu.memory_space<hbm>>
      tpu.wait_dma2 semaphore(%run_scoped3A : memref<!tpu.dma_semaphore, #tpu.memory_space<semaphore_mem>>) src(%dma_wait3A_214 : memref<640x64xbf16, #tpu.memory_space<hbm>>) dst(%dma_wait3A_212 : memref<640x64xbf16, #tpu.memory_space<vmem_shared>>)
      tpu.yield
    }) : () -> ()
    %barrier3A = arith.constant 0 : index
    tpu.barrier barrier_id(%barrier3A)
    %mul3A_3 = arith.constant 10240 : i32
    %mul3A_4 = arith.muli %add3A, %mul3A_3 : i32
    %min3A = arith.constant 0 : i32
    %min3A_5 = arith.constant 19 : i32
    %min3A_6 = arith.minsi %min3A, %min3A_5 : i32
    %mul3A_7 = arith.constant 512 : i32
    %mul3A_8 = arith.muli %min3A_6, %mul3A_7 : i32
    %add3A_9 = arith.addi %mul3A_4, %mul3A_8 : i32
    %dma_start3A = tpu.memref_slice %arg2[%add3A_9] : memref<327680xi32, #tpu.memory_space<hbm>> -> memref<512xi32, #tpu.memory_space<hbm>>
    %dma_start3A_10 = tpu.memref_slice %arg2[%add3A_9] : memref<327680xi32, #tpu.memory_space<hbm>> -> memref<512xi32, #tpu.memory_space<hbm>>
    tpu.enqueue_dma source(%dma_start3A_10 : memref<512xi32, #tpu.memory_space<hbm>>) target(%arg7 : memref<512xi32, #tpu.memory_space<vmem>>) target_semaphore(%arg20 : memref<!tpu.dma_semaphore, #tpu.memory_space<semaphore_mem>>)
    %dma_start3A_11 = tpu.memref_slice %arg3[%add3A_9] : memref<327680xi32, #tpu.memory_space<hbm>> -> memref<512xi32, #tpu.memory_space<hbm>>
    %dma_start3A_12 = tpu.memref_slice %arg3[%add3A_9] : memref<327680xi32, #tpu.memory_space<hbm>> -> memref<512xi32, #tpu.memory_space<hbm>>
    tpu.enqueue_dma source(%dma_start3A_12 : memref<512xi32, #tpu.memory_space<hbm>>) target(%arg11 : memref<512xi32, #tpu.memory_space<vmem>>) target_semaphore(%arg20 : memref<!tpu.dma_semaphore, #tpu.memory_space<semaphore_mem>>)
    %mul3A_13 = arith.constant 10240 : i32
    %mul3A_14 = arith.muli %add3A, %mul3A_13 : i32
    %min3A_15 = arith.constant 1 : i32
    %min3A_16 = arith.constant 19 : i32
    %min3A_17 = arith.minsi %min3A_15, %min3A_16 : i32
    %mul3A_18 = arith.constant 512 : i32
    %mul3A_19 = arith.muli %min3A_17, %mul3A_18 : i32
    %add3A_20 = arith.addi %mul3A_14, %mul3A_19 : i32
    %dma_start3A_21 = tpu.memref_slice %arg2[%add3A_20] : memref<327680xi32, #tpu.memory_space<hbm>> -> memref<512xi32, #tpu.memory_space<hbm>>
    %dma_start3A_22 = tpu.memref_slice %arg2[%add3A_20] : memref<327680xi32, #tpu.memory_space<hbm>> -> memref<512xi32, #tpu.memory_space<hbm>>
    tpu.enqueue_dma source(%dma_start3A_22 : memref<512xi32, #tpu.memory_space<hbm>>) target(%arg8 : memref<512xi32, #tpu.memory_space<vmem>>) target_semaphore(%arg21 : memref<!tpu.dma_semaphore, #tpu.memory_space<semaphore_mem>>)
    %dma_start3A_23 = tpu.memref_slice %arg3[%add3A_20] : memref<327680xi32, #tpu.memory_space<hbm>> -> memref<512xi32, #tpu.memory_space<hbm>>
    %dma_start3A_24 = tpu.memref_slice %arg3[%add3A_20] : memref<327680xi32, #tpu.memory_space<hbm>> -> memref<512xi32, #tpu.memory_space<hbm>>
    tpu.enqueue_dma source(%dma_start3A_24 : memref<512xi32, #tpu.memory_space<hbm>>) target(%arg12 : memref<512xi32, #tpu.memory_space<vmem>>) target_semaphore(%arg21 : memref<!tpu.dma_semaphore, #tpu.memory_space<semaphore_mem>>)
    %dma_wait3A = arith.constant 0 : i32
    %dma_wait3A_25 = tpu.memref_slice %arg2[%dma_wait3A] : memref<327680xi32, #tpu.memory_space<hbm>> -> memref<512xi32, #tpu.memory_space<hbm>>
    %dma_wait3A_26 = arith.constant 0 : i32
    %dma_wait3A_27 = tpu.memref_slice %arg2[%dma_wait3A_26] : memref<327680xi32, #tpu.memory_space<hbm>> -> memref<512xi32, #tpu.memory_space<hbm>>
    tpu.wait_dma2 semaphore(%arg20 : memref<!tpu.dma_semaphore, #tpu.memory_space<semaphore_mem>>) src(%dma_wait3A_27 : memref<512xi32, #tpu.memory_space<hbm>>) dst(%arg7 : memref<512xi32, #tpu.memory_space<vmem>>)
    %dma_wait3A_28 = arith.constant 0 : i32
    %dma_wait3A_29 = tpu.memref_slice %arg3[%dma_wait3A_28] : memref<327680xi32, #tpu.memory_space<hbm>> -> memref<512xi32, #tpu.memory_space<hbm>>
    %dma_wait3A_30 = arith.constant 0 : i32
    %dma_wait3A_31 = tpu.memref_slice %arg3[%dma_wait3A_30] : memref<327680xi32, #tpu.memory_space<hbm>> -> memref<512xi32, #tpu.memory_space<hbm>>
    tpu.wait_dma2 semaphore(%arg20 : memref<!tpu.dma_semaphore, #tpu.memory_space<semaphore_mem>>) src(%dma_wait3A_31 : memref<512xi32, #tpu.memory_space<hbm>>) dst(%arg11 : memref<512xi32, #tpu.memory_space<vmem>>)
    %dma_start3A_32 = arith.constant 0 : i32
    %dma_start3A_33 = arith.constant 0 : i32
    %dma_start3A_34 = tpu.memref_slice %arg4[%dma_start3A_32, %dma_start3A_33] : memref<10240x64xbf16, #tpu.memory_space<hbm>> -> memref<10240x64xbf16, #tpu.memory_space<hbm>>
    tpu.enqueue_indirect_dma source(%dma_start3A_34 : memref<10240x64xbf16, #tpu.memory_space<hbm>>) target(%arg15 : memref<512x64xbf16, #tpu.memory_space<vmem>>) offsets(%arg7 : memref<512xi32, #tpu.memory_space<vmem>>) semaphore(%arg24 : memref<!tpu.dma_semaphore, #tpu.memory_space<semaphore_mem>>)
    %dma_wait3A_35 = arith.constant 0 : i32
    %dma_wait3A_36 = arith.constant 0 : i32
    %dma_wait3A_37 = tpu.memref_slice %arg4[%dma_wait3A_35, %dma_wait3A_36] : memref<10240x64xbf16, #tpu.memory_space<hbm>> -> memref<512x64xbf16, #tpu.memory_space<hbm>>
    %dma_wait3A_38 = arith.constant 0 : i32
    %dma_wait3A_39 = arith.constant 0 : i32
    %dma_wait3A_40 = tpu.memref_slice %arg4[%dma_wait3A_38, %dma_wait3A_39] : memref<10240x64xbf16, #tpu.memory_space<hbm>> -> memref<512x64xbf16, #tpu.memory_space<hbm>>
    tpu.wait_dma2 semaphore(%arg24 : memref<!tpu.dma_semaphore, #tpu.memory_space<semaphore_mem>>) src(%dma_wait3A_40 : memref<512x64xbf16, #tpu.memory_space<hbm>>) dst(%arg15 : memref<512x64xbf16, #tpu.memory_space<vmem>>)
    %dma_wait3A_41 = arith.constant 0 : i32
    %dma_wait3A_42 = tpu.memref_slice %arg2[%dma_wait3A_41] : memref<327680xi32, #tpu.memory_space<hbm>> -> memref<512xi32, #tpu.memory_space<hbm>>
    %dma_wait3A_43 = arith.constant 0 : i32
    %dma_wait3A_44 = tpu.memref_slice %arg2[%dma_wait3A_43] : memref<327680xi32, #tpu.memory_space<hbm>> -> memref<512xi32, #tpu.memory_space<hbm>>
    tpu.wait_dma2 semaphore(%arg21 : memref<!tpu.dma_semaphore, #tpu.memory_space<semaphore_mem>>) src(%dma_wait3A_44 : memref<512xi32, #tpu.memory_space<hbm>>) dst(%arg8 : memref<512xi32, #tpu.memory_space<vmem>>)
    %dma_wait3A_45 = arith.constant 0 : i32
    %dma_wait3A_46 = tpu.memref_slice %arg3[%dma_wait3A_45] : memref<327680xi32, #tpu.memory_space<hbm>> -> memref<512xi32, #tpu.memory_space<hbm>>
    %dma_wait3A_47 = arith.constant 0 : i32
    %dma_wait3A_48 = tpu.memref_slice %arg3[%dma_wait3A_47] : memref<327680xi32, #tpu.memory_space<hbm>> -> memref<512xi32, #tpu.memory_space<hbm>>
    tpu.wait_dma2 semaphore(%arg21 : memref<!tpu.dma_semaphore, #tpu.memory_space<semaphore_mem>>) src(%dma_wait3A_48 : memref<512xi32, #tpu.memory_space<hbm>>) dst(%arg12 : memref<512xi32, #tpu.memory_space<vmem>>)
    %dma_start3A_49 = arith.constant 0 : i32
    %dma_start3A_50 = arith.constant 0 : i32
    %dma_start3A_51 = tpu.memref_slice %arg4[%dma_start3A_49, %dma_start3A_50] : memref<10240x64xbf16, #tpu.memory_space<hbm>> -> memref<10240x64xbf16, #tpu.memory_space<hbm>>
    tpu.enqueue_indirect_dma source(%dma_start3A_51 : memref<10240x64xbf16, #tpu.memory_space<hbm>>) target(%arg16 : memref<512x64xbf16, #tpu.memory_space<vmem>>) offsets(%arg8 : memref<512xi32, #tpu.memory_space<vmem>>) semaphore(%arg25 : memref<!tpu.dma_semaphore, #tpu.memory_space<semaphore_mem>>)
    %mul3A_52 = arith.constant 10240 : i32
    %mul3A_53 = arith.muli %add3A, %mul3A_52 : i32
    %min3A_54 = arith.constant 2 : i32
    %min3A_55 = arith.constant 19 : i32
    %min3A_56 = arith.minsi %min3A_54, %min3A_55 : i32
    %mul3A_57 = arith.constant 512 : i32
    %mul3A_58 = arith.muli %min3A_56, %mul3A_57 : i32
    %add3A_59 = arith.addi %mul3A_53, %mul3A_58 : i32
    %dma_start3A_60 = tpu.memref_slice %arg2[%add3A_59] : memref<327680xi32, #tpu.memory_space<hbm>> -> memref<512xi32, #tpu.memory_space<hbm>>
    %dma_start3A_61 = tpu.memref_slice %arg2[%add3A_59] : memref<327680xi32, #tpu.memory_space<hbm>> -> memref<512xi32, #tpu.memory_space<hbm>>
    tpu.enqueue_dma source(%dma_start3A_61 : memref<512xi32, #tpu.memory_space<hbm>>) target(%arg9 : memref<512xi32, #tpu.memory_space<vmem>>) target_semaphore(%arg22 : memref<!tpu.dma_semaphore, #tpu.memory_space<semaphore_mem>>)
    %dma_start3A_62 = tpu.memref_slice %arg3[%add3A_59] : memref<327680xi32, #tpu.memory_space<hbm>> -> memref<512xi32, #tpu.memory_space<hbm>>
    %dma_start3A_63 = tpu.memref_slice %arg3[%add3A_59] : memref<327680xi32, #tpu.memory_space<hbm>> -> memref<512xi32, #tpu.memory_space<hbm>>
    tpu.enqueue_dma source(%dma_start3A_63 : memref<512xi32, #tpu.memory_space<hbm>>) target(%arg13 : memref<512xi32, #tpu.memory_space<vmem>>) target_semaphore(%arg22 : memref<!tpu.dma_semaphore, #tpu.memory_space<semaphore_mem>>)
    %dma_start3A_64 = arith.constant 0 : i32
    %dma_start3A_65 = arith.constant 0 : i32
    %dma_start3A_66 = tpu.memref_slice %arg19[%dma_start3A_64, %dma_start3A_65] : memref<10240x64xbf16, #tpu.memory_space<vmem_shared>> -> memref<10240x64xbf16, #tpu.memory_space<vmem_shared>>
    tpu.enqueue_indirect_dma source(%arg15 : memref<512x64xbf16, #tpu.memory_space<vmem>>) target(%dma_start3A_66 : memref<10240x64xbf16, #tpu.memory_space<vmem_shared>>) offsets(%arg11 : memref<512xi32, #tpu.memory_space<vmem>>) semaphore(%arg28 : memref<!tpu.dma_semaphore, #tpu.memory_space<semaphore_mem>>) {add = true}
    %dma_wait3A_67 = arith.constant 0 : i32
    %dma_wait3A_68 = arith.constant 0 : i32
    %dma_wait3A_69 = tpu.memref_slice %arg4[%dma_wait3A_67, %dma_wait3A_68] : memref<10240x64xbf16, #tpu.memory_space<hbm>> -> memref<512x64xbf16, #tpu.memory_space<hbm>>
    %dma_wait3A_70 = arith.constant 0 : i32
    %dma_wait3A_71 = arith.constant 0 : i32
    %dma_wait3A_72 = tpu.memref_slice %arg4[%dma_wait3A_70, %dma_wait3A_71] : memref<10240x64xbf16, #tpu.memory_space<hbm>> -> memref<512x64xbf16, #tpu.memory_space<hbm>>
    tpu.wait_dma2 semaphore(%arg25 : memref<!tpu.dma_semaphore, #tpu.memory_space<semaphore_mem>>) src(%dma_wait3A_72 : memref<512x64xbf16, #tpu.memory_space<hbm>>) dst(%arg16 : memref<512x64xbf16, #tpu.memory_space<vmem>>)
    %dma_wait3A_73 = arith.constant 0 : i32
    %dma_wait3A_74 = tpu.memref_slice %arg2[%dma_wait3A_73] : memref<327680xi32, #tpu.memory_space<hbm>> -> memref<512xi32, #tpu.memory_space<hbm>>
    %dma_wait3A_75 = arith.constant 0 : i32
    %dma_wait3A_76 = tpu.memref_slice %arg2[%dma_wait3A_75] : memref<327680xi32, #tpu.memory_space<hbm>> -> memref<512xi32, #tpu.memory_space<hbm>>
    tpu.wait_dma2 semaphore(%arg22 : memref<!tpu.dma_semaphore, #tpu.memory_space<semaphore_mem>>) src(%dma_wait3A_76 : memref<512xi32, #tpu.memory_space<hbm>>) dst(%arg9 : memref<512xi32, #tpu.memory_space<vmem>>)
    %dma_wait3A_77 = arith.constant 0 : i32
    %dma_wait3A_78 = tpu.memref_slice %arg3[%dma_wait3A_77] : memref<327680xi32, #tpu.memory_space<hbm>> -> memref<512xi32, #tpu.memory_space<hbm>>
    %dma_wait3A_79 = arith.constant 0 : i32
    %dma_wait3A_80 = tpu.memref_slice %arg3[%dma_wait3A_79] : memref<327680xi32, #tpu.memory_space<hbm>> -> memref<512xi32, #tpu.memory_space<hbm>>
    tpu.wait_dma2 semaphore(%arg22 : memref<!tpu.dma_semaphore, #tpu.memory_space<semaphore_mem>>) src(%dma_wait3A_80 : memref<512xi32, #tpu.memory_space<hbm>>) dst(%arg13 : memref<512xi32, #tpu.memory_space<vmem>>)
    %dma_start3A_81 = arith.constant 0 : i32
    %dma_start3A_82 = arith.constant 0 : i32
    %dma_start3A_83 = tpu.memref_slice %arg4[%dma_start3A_81, %dma_start3A_82] : memref<10240x64xbf16, #tpu.memory_space<hbm>> -> memref<10240x64xbf16, #tpu.memory_space<hbm>>
    tpu.enqueue_indirect_dma source(%dma_start3A_83 : memref<10240x64xbf16, #tpu.memory_space<hbm>>) target(%arg17 : memref<512x64xbf16, #tpu.memory_space<vmem>>) offsets(%arg9 : memref<512xi32, #tpu.memory_space<vmem>>) semaphore(%arg26 : memref<!tpu.dma_semaphore, #tpu.memory_space<semaphore_mem>>)
    %mul3A_84 = arith.constant 10240 : i32
    %mul3A_85 = arith.muli %add3A, %mul3A_84 : i32
    %min3A_86 = arith.constant 3 : i32
    %min3A_87 = arith.constant 19 : i32
    %min3A_88 = arith.minsi %min3A_86, %min3A_87 : i32
    %mul3A_89 = arith.constant 512 : i32
    %mul3A_90 = arith.muli %min3A_88, %mul3A_89 : i32
    %add3A_91 = arith.addi %mul3A_85, %mul3A_90 : i32
    %dma_start3A_92 = tpu.memref_slice %arg2[%add3A_91] : memref<327680xi32, #tpu.memory_space<hbm>> -> memref<512xi32, #tpu.memory_space<hbm>>
    %dma_start3A_93 = tpu.memref_slice %arg2[%add3A_91] : memref<327680xi32, #tpu.memory_space<hbm>> -> memref<512xi32, #tpu.memory_space<hbm>>
    tpu.enqueue_dma source(%dma_start3A_93 : memref<512xi32, #tpu.memory_space<hbm>>) target(%arg10 : memref<512xi32, #tpu.memory_space<vmem>>) target_semaphore(%arg23 : memref<!tpu.dma_semaphore, #tpu.memory_space<semaphore_mem>>)
    %dma_start3A_94 = tpu.memref_slice %arg3[%add3A_91] : memref<327680xi32, #tpu.memory_space<hbm>> -> memref<512xi32, #tpu.memory_space<hbm>>
    %dma_start3A_95 = tpu.memref_slice %arg3[%add3A_91] : memref<327680xi32, #tpu.memory_space<hbm>> -> memref<512xi32, #tpu.memory_space<hbm>>
    tpu.enqueue_dma source(%dma_start3A_95 : memref<512xi32, #tpu.memory_space<hbm>>) target(%arg14 : memref<512xi32, #tpu.memory_space<vmem>>) target_semaphore(%arg23 : memref<!tpu.dma_semaphore, #tpu.memory_space<semaphore_mem>>)
    %dma_start3A_96 = arith.constant 0 : i32
    %dma_start3A_97 = arith.constant 0 : i32
    %dma_start3A_98 = tpu.memref_slice %arg19[%dma_start3A_96, %dma_start3A_97] : memref<10240x64xbf16, #tpu.memory_space<vmem_shared>> -> memref<10240x64xbf16, #tpu.memory_space<vmem_shared>>
    tpu.enqueue_indirect_dma source(%arg16 : memref<512x64xbf16, #tpu.memory_space<vmem>>) target(%dma_start3A_98 : memref<10240x64xbf16, #tpu.memory_space<vmem_shared>>) offsets(%arg12 : memref<512xi32, #tpu.memory_space<vmem>>) semaphore(%arg29 : memref<!tpu.dma_semaphore, #tpu.memory_space<semaphore_mem>>) {add = true}
    %dma_wait3A_99 = arith.constant 0 : i32
    %dma_wait3A_100 = arith.constant 0 : i32
    %dma_wait3A_101 = tpu.memref_slice %arg4[%dma_wait3A_99, %dma_wait3A_100] : memref<10240x64xbf16, #tpu.memory_space<hbm>> -> memref<512x64xbf16, #tpu.memory_space<hbm>>
    %dma_wait3A_102 = arith.constant 0 : i32
    %dma_wait3A_103 = arith.constant 0 : i32
    %dma_wait3A_104 = tpu.memref_slice %arg4[%dma_wait3A_102, %dma_wait3A_103] : memref<10240x64xbf16, #tpu.memory_space<hbm>> -> memref<512x64xbf16, #tpu.memory_space<hbm>>
    tpu.wait_dma2 semaphore(%arg26 : memref<!tpu.dma_semaphore, #tpu.memory_space<semaphore_mem>>) src(%dma_wait3A_104 : memref<512x64xbf16, #tpu.memory_space<hbm>>) dst(%arg17 : memref<512x64xbf16, #tpu.memory_space<vmem>>)
    %dma_wait3A_105 = arith.constant 0 : i32
    %dma_wait3A_106 = arith.constant 0 : i32
    %dma_wait3A_107 = tpu.memref_slice %arg4[%dma_wait3A_105, %dma_wait3A_106] : memref<10240x64xbf16, #tpu.memory_space<hbm>> -> memref<512x64xbf16, #tpu.memory_space<hbm>>
    %dma_wait3A_108 = arith.constant 0 : i32
    %dma_wait3A_109 = arith.constant 0 : i32
    %dma_wait3A_110 = tpu.memref_slice %arg4[%dma_wait3A_108, %dma_wait3A_109] : memref<10240x64xbf16, #tpu.memory_space<hbm>> -> memref<512x64xbf16, #tpu.memory_space<hbm>>
    tpu.wait_dma2 semaphore(%arg28 : memref<!tpu.dma_semaphore, #tpu.memory_space<semaphore_mem>>) src(%dma_wait3A_110 : memref<512x64xbf16, #tpu.memory_space<hbm>>) dst(%arg15 : memref<512x64xbf16, #tpu.memory_space<vmem>>)
    %dma_wait3A_111 = arith.constant 0 : i32
    %dma_wait3A_112 = tpu.memref_slice %arg2[%dma_wait3A_111] : memref<327680xi32, #tpu.memory_space<hbm>> -> memref<512xi32, #tpu.memory_space<hbm>>
    %dma_wait3A_113 = arith.constant 0 : i32
    %dma_wait3A_114 = tpu.memref_slice %arg2[%dma_wait3A_113] : memref<327680xi32, #tpu.memory_space<hbm>> -> memref<512xi32, #tpu.memory_space<hbm>>
    tpu.wait_dma2 semaphore(%arg23 : memref<!tpu.dma_semaphore, #tpu.memory_space<semaphore_mem>>) src(%dma_wait3A_114 : memref<512xi32, #tpu.memory_space<hbm>>) dst(%arg10 : memref<512xi32, #tpu.memory_space<vmem>>)
    %dma_wait3A_115 = arith.constant 0 : i32
    %dma_wait3A_116 = tpu.memref_slice %arg3[%dma_wait3A_115] : memref<327680xi32, #tpu.memory_space<hbm>> -> memref<512xi32, #tpu.memory_space<hbm>>
    %dma_wait3A_117 = arith.constant 0 : i32
    %dma_wait3A_118 = tpu.memref_slice %arg3[%dma_wait3A_117] : memref<327680xi32, #tpu.memory_space<hbm>> -> memref<512xi32, #tpu.memory_space<hbm>>
    tpu.wait_dma2 semaphore(%arg23 : memref<!tpu.dma_semaphore, #tpu.memory_space<semaphore_mem>>) src(%dma_wait3A_118 : memref<512xi32, #tpu.memory_space<hbm>>) dst(%arg14 : memref<512xi32, #tpu.memory_space<vmem>>)
    %dma_start3A_119 = arith.constant 0 : i32
    %dma_start3A_120 = arith.constant 0 : i32
    %dma_start3A_121 = tpu.memref_slice %arg4[%dma_start3A_119, %dma_start3A_120] : memref<10240x64xbf16, #tpu.memory_space<hbm>> -> memref<10240x64xbf16, #tpu.memory_space<hbm>>
    tpu.enqueue_indirect_dma source(%dma_start3A_121 : memref<10240x64xbf16, #tpu.memory_space<hbm>>) target(%arg18 : memref<512x64xbf16, #tpu.memory_space<vmem>>) offsets(%arg10 : memref<512xi32, #tpu.memory_space<vmem>>) semaphore(%arg27 : memref<!tpu.dma_semaphore, #tpu.memory_space<semaphore_mem>>)
    %mul3A_122 = arith.constant 10240 : i32
    %mul3A_123 = arith.muli %add3A, %mul3A_122 : i32
    %min3A_124 = arith.constant 4 : i32
    %min3A_125 = arith.constant 19 : i32
    %min3A_126 = arith.minsi %min3A_124, %min3A_125 : i32
    %mul3A_127 = arith.constant 512 : i32
    %mul3A_128 = arith.muli %min3A_126, %mul3A_127 : i32
    %add3A_129 = arith.addi %mul3A_123, %mul3A_128 : i32
    %dma_start3A_130 = tpu.memref_slice %arg2[%add3A_129] : memref<327680xi32, #tpu.memory_space<hbm>> -> memref<512xi32, #tpu.memory_space<hbm>>
    %dma_start3A_131 = tpu.memref_slice %arg2[%add3A_129] : memref<327680xi32, #tpu.memory_space<hbm>> -> memref<512xi32, #tpu.memory_space<hbm>>
    tpu.enqueue_dma source(%dma_start3A_131 : memref<512xi32, #tpu.memory_space<hbm>>) target(%arg7 : memref<512xi32, #tpu.memory_space<vmem>>) target_semaphore(%arg20 : memref<!tpu.dma_semaphore, #tpu.memory_space<semaphore_mem>>)
    %dma_start3A_132 = tpu.memref_slice %arg3[%add3A_129] : memref<327680xi32, #tpu.memory_space<hbm>> -> memref<512xi32, #tpu.memory_space<hbm>>
    %dma_start3A_133 = tpu.memref_slice %arg3[%add3A_129] : memref<327680xi32, #tpu.memory_space<hbm>> -> memref<512xi32, #tpu.memory_space<hbm>>
    tpu.enqueue_dma source(%dma_start3A_133 : memref<512xi32, #tpu.memory_space<hbm>>) target(%arg11 : memref<512xi32, #tpu.memory_space<vmem>>) target_semaphore(%arg20 : memref<!tpu.dma_semaphore, #tpu.memory_space<semaphore_mem>>)
    %dma_start3A_134 = arith.constant 0 : i32
    %dma_start3A_135 = arith.constant 0 : i32
    %dma_start3A_136 = tpu.memref_slice %arg19[%dma_start3A_134, %dma_start3A_135] : memref<10240x64xbf16, #tpu.memory_space<vmem_shared>> -> memref<10240x64xbf16, #tpu.memory_space<vmem_shared>>
    tpu.enqueue_indirect_dma source(%arg17 : memref<512x64xbf16, #tpu.memory_space<vmem>>) target(%dma_start3A_136 : memref<10240x64xbf16, #tpu.memory_space<vmem_shared>>) offsets(%arg13 : memref<512xi32, #tpu.memory_space<vmem>>) semaphore(%arg30 : memref<!tpu.dma_semaphore, #tpu.memory_space<semaphore_mem>>) {add = true}
    %dma_wait3A_137 = arith.constant 0 : i32
    %dma_wait3A_138 = arith.constant 0 : i32
    %dma_wait3A_139 = tpu.memref_slice %arg4[%dma_wait3A_137, %dma_wait3A_138] : memref<10240x64xbf16, #tpu.memory_space<hbm>> -> memref<512x64xbf16, #tpu.memory_space<hbm>>
    %dma_wait3A_140 = arith.constant 0 : i32
    %dma_wait3A_141 = arith.constant 0 : i32
    %dma_wait3A_142 = tpu.memref_slice %arg4[%dma_wait3A_140, %dma_wait3A_141] : memref<10240x64xbf16, #tpu.memory_space<hbm>> -> memref<512x64xbf16, #tpu.memory_space<hbm>>
    tpu.wait_dma2 semaphore(%arg27 : memref<!tpu.dma_semaphore, #tpu.memory_space<semaphore_mem>>) src(%dma_wait3A_142 : memref<512x64xbf16, #tpu.memory_space<hbm>>) dst(%arg18 : memref<512x64xbf16, #tpu.memory_space<vmem>>)
    %dma_wait3A_143 = arith.constant 0 : i32
    %dma_wait3A_144 = arith.constant 0 : i32
    %dma_wait3A_145 = tpu.memref_slice %arg4[%dma_wait3A_143, %dma_wait3A_144] : memref<10240x64xbf16, #tpu.memory_space<hbm>> -> memref<512x64xbf16, #tpu.memory_space<hbm>>
    %dma_wait3A_146 = arith.constant 0 : i32
    %dma_wait3A_147 = arith.constant 0 : i32
    %dma_wait3A_148 = tpu.memref_slice %arg4[%dma_wait3A_146, %dma_wait3A_147] : memref<10240x64xbf16, #tpu.memory_space<hbm>> -> memref<512x64xbf16, #tpu.memory_space<hbm>>
    tpu.wait_dma2 semaphore(%arg29 : memref<!tpu.dma_semaphore, #tpu.memory_space<semaphore_mem>>) src(%dma_wait3A_148 : memref<512x64xbf16, #tpu.memory_space<hbm>>) dst(%arg16 : memref<512x64xbf16, #tpu.memory_space<vmem>>)
    %dma_wait3A_149 = arith.constant 0 : i32
    %dma_wait3A_150 = tpu.memref_slice %arg2[%dma_wait3A_149] : memref<327680xi32, #tpu.memory_space<hbm>> -> memref<512xi32, #tpu.memory_space<hbm>>
    %dma_wait3A_151 = arith.constant 0 : i32
    %dma_wait3A_152 = tpu.memref_slice %arg2[%dma_wait3A_151] : memref<327680xi32, #tpu.memory_space<hbm>> -> memref<512xi32, #tpu.memory_space<hbm>>
    tpu.wait_dma2 semaphore(%arg20 : memref<!tpu.dma_semaphore, #tpu.memory_space<semaphore_mem>>) src(%dma_wait3A_152 : memref<512xi32, #tpu.memory_space<hbm>>) dst(%arg7 : memref<512xi32, #tpu.memory_space<vmem>>)
    %dma_wait3A_153 = arith.constant 0 : i32
    %dma_wait3A_154 = tpu.memref_slice %arg3[%dma_wait3A_153] : memref<327680xi32, #tpu.memory_space<hbm>> -> memref<512xi32, #tpu.memory_space<hbm>>
    %dma_wait3A_155 = arith.constant 0 : i32
    %dma_wait3A_156 = tpu.memref_slice %arg3[%dma_wait3A_155] : memref<327680xi32, #tpu.memory_space<hbm>> -> memref<512xi32, #tpu.memory_space<hbm>>
    tpu.wait_dma2 semaphore(%arg20 : memref<!tpu.dma_semaphore, #tpu.memory_space<semaphore_mem>>) src(%dma_wait3A_156 : memref<512xi32, #tpu.memory_space<hbm>>) dst(%arg11 : memref<512xi32, #tpu.memory_space<vmem>>)
    %dma_start3A_157 = arith.constant 0 : i32
    %dma_start3A_158 = arith.constant 0 : i32
    %dma_start3A_159 = tpu.memref_slice %arg4[%dma_start3A_157, %dma_start3A_158] : memref<10240x64xbf16, #tpu.memory_space<hbm>> -> memref<10240x64xbf16, #tpu.memory_space<hbm>>
    tpu.enqueue_indirect_dma source(%dma_start3A_159 : memref<10240x64xbf16, #tpu.memory_space<hbm>>) target(%arg15 : memref<512x64xbf16, #tpu.memory_space<vmem>>) offsets(%arg7 : memref<512xi32, #tpu.memory_space<vmem>>) semaphore(%arg24 : memref<!tpu.dma_semaphore, #tpu.memory_space<semaphore_mem>>)
    %mul3A_160 = arith.constant 10240 : i32
    %mul3A_161 = arith.muli %add3A, %mul3A_160 : i32
    %min3A_162 = arith.constant 5 : i32
    %min3A_163 = arith.constant 19 : i32
    %min3A_164 = arith.minsi %min3A_162, %min3A_163 : i32
    %mul3A_165 = arith.constant 512 : i32
    %mul3A_166 = arith.muli %min3A_164, %mul3A_165 : i32
    %add3A_167 = arith.addi %mul3A_161, %mul3A_166 : i32
    %dma_start3A_168 = tpu.memref_slice %arg2[%add3A_167] : memref<327680xi32, #tpu.memory_space<hbm>> -> memref<512xi32, #tpu.memory_space<hbm>>
    %dma_start3A_169 = tpu.memref_slice %arg2[%add3A_167] : memref<327680xi32, #tpu.memory_space<hbm>> -> memref<512xi32, #tpu.memory_space<hbm>>
    tpu.enqueue_dma source(%dma_start3A_169 : memref<512xi32, #tpu.memory_space<hbm>>) target(%arg8 : memref<512xi32, #tpu.memory_space<vmem>>) target_semaphore(%arg21 : memref<!tpu.dma_semaphore, #tpu.memory_space<semaphore_mem>>)
    %dma_start3A_170 = tpu.memref_slice %arg3[%add3A_167] : memref<327680xi32, #tpu.memory_space<hbm>> -> memref<512xi32, #tpu.memory_space<hbm>>
    %dma_start3A_171 = tpu.memref_slice %arg3[%add3A_167] : memref<327680xi32, #tpu.memory_space<hbm>> -> memref<512xi32, #tpu.memory_space<hbm>>
    tpu.enqueue_dma source(%dma_start3A_171 : memref<512xi32, #tpu.memory_space<hbm>>) target(%arg12 : memref<512xi32, #tpu.memory_space<vmem>>) target_semaphore(%arg21 : memref<!tpu.dma_semaphore, #tpu.memory_space<semaphore_mem>>)
    %dma_start3A_172 = arith.constant 0 : i32
    %dma_start3A_173 = arith.constant 0 : i32
    %dma_start3A_174 = tpu.memref_slice %arg19[%dma_start3A_172, %dma_start3A_173] : memref<10240x64xbf16, #tpu.memory_space<vmem_shared>> -> memref<10240x64xbf16, #tpu.memory_space<vmem_shared>>
    tpu.enqueue_indirect_dma source(%arg18 : memref<512x64xbf16, #tpu.memory_space<vmem>>) target(%dma_start3A_174 : memref<10240x64xbf16, #tpu.memory_space<vmem_shared>>) offsets(%arg14 : memref<512xi32, #tpu.memory_space<vmem>>) semaphore(%arg31 : memref<!tpu.dma_semaphore, #tpu.memory_space<semaphore_mem>>) {add = true}
    %scan3A = arith.constant 0 : i32
    %scan3A_175 = arith.constant 0 : i32
    %scan3A_176 = arith.constant 4 : i32
    %scan3A_177 = arith.addi %scan3A_175, %scan3A_176 : i32
    %scan3A_178 = arith.constant 1 : i32
    scf.for %scan3A_207 = %scan3A_175 to %scan3A_177 step %scan3A_178  : i32 {
      %mul3A_208 = arith.constant 4 : i32
      %mul3A_209 = arith.muli %scan3A_207, %mul3A_208 : i32
      %add3A_210 = arith.constant 4 : i32
      %add3A_211 = arith.addi %add3A_210, %mul3A_209 : i32
      %add3A_212 = arith.constant 0 : i32
      %add3A_213 = arith.addi %add3A_211, %add3A_212 : i32
      %dma_wait3A_214 = arith.constant 0 : i32
      %dma_wait3A_215 = arith.constant 0 : i32
      %dma_wait3A_216 = tpu.memref_slice %arg4[%dma_wait3A_214, %dma_wait3A_215] : memref<10240x64xbf16, #tpu.memory_space<hbm>> -> memref<512x64xbf16, #tpu.memory_space<hbm>>
      %dma_wait3A_217 = arith.constant 0 : i32
      %dma_wait3A_218 = arith.constant 0 : i32
      %dma_wait3A_219 = tpu.memref_slice %arg4[%dma_wait3A_217, %dma_wait3A_218] : memref<10240x64xbf16, #tpu.memory_space<hbm>> -> memref<512x64xbf16, #tpu.memory_space<hbm>>
      tpu.wait_dma2 semaphore(%arg24 : memref<!tpu.dma_semaphore, #tpu.memory_space<semaphore_mem>>) src(%dma_wait3A_219 : memref<512x64xbf16, #tpu.memory_space<hbm>>) dst(%arg15 : memref<512x64xbf16, #tpu.memory_space<vmem>>)
      %dma_wait3A_220 = arith.constant 0 : i32
      %dma_wait3A_221 = arith.constant 0 : i32
      %dma_wait3A_222 = tpu.memref_slice %arg4[%dma_wait3A_220, %dma_wait3A_221] : memref<10240x64xbf16, #tpu.memory_space<hbm>> -> memref<512x64xbf16, #tpu.memory_space<hbm>>
      %dma_wait3A_223 = arith.constant 0 : i32
      %dma_wait3A_224 = arith.constant 0 : i32
      %dma_wait3A_225 = tpu.memref_slice %arg4[%dma_wait3A_223, %dma_wait3A_224] : memref<10240x64xbf16, #tpu.memory_space<hbm>> -> memref<512x64xbf16, #tpu.memory_space<hbm>>
      tpu.wait_dma2 semaphore(%arg30 : memref<!tpu.dma_semaphore, #tpu.memory_space<semaphore_mem>>) src(%dma_wait3A_225 : memref<512x64xbf16, #tpu.memory_space<hbm>>) dst(%arg17 : memref<512x64xbf16, #tpu.memory_space<vmem>>)
      %dma_wait3A_226 = arith.constant 0 : i32
      %dma_wait3A_227 = tpu.memref_slice %arg2[%dma_wait3A_226] : memref<327680xi32, #tpu.memory_space<hbm>> -> memref<512xi32, #tpu.memory_space<hbm>>
      %dma_wait3A_228 = arith.constant 0 : i32
      %dma_wait3A_229 = tpu.memref_slice %arg2[%dma_wait3A_228] : memref<327680xi32, #tpu.memory_space<hbm>> -> memref<512xi32, #tpu.memory_space<hbm>>
      tpu.wait_dma2 semaphore(%arg21 : memref<!tpu.dma_semaphore, #tpu.memory_space<semaphore_mem>>) src(%dma_wait3A_229 : memref<512xi32, #tpu.memory_space<hbm>>) dst(%arg8 : memref<512xi32, #tpu.memory_space<vmem>>)
      %dma_wait3A_230 = arith.constant 0 : i32
      %dma_wait3A_231 = tpu.memref_slice %arg3[%dma_wait3A_230] : memref<327680xi32, #tpu.memory_space<hbm>> -> memref<512xi32, #tpu.memory_space<hbm>>
      %dma_wait3A_232 = arith.constant 0 : i32
      %dma_wait3A_233 = tpu.memref_slice %arg3[%dma_wait3A_232] : memref<327680xi32, #tpu.memory_space<hbm>> -> memref<512xi32, #tpu.memory_space<hbm>>
      tpu.wait_dma2 semaphore(%arg21 : memref<!tpu.dma_semaphore, #tpu.memory_space<semaphore_mem>>) src(%dma_wait3A_233 : memref<512xi32, #tpu.memory_space<hbm>>) dst(%arg12 : memref<512xi32, #tpu.memory_space<vmem>>)
      %dma_start3A_234 = arith.constant 0 : i32
      %dma_start3A_235 = arith.constant 0 : i32
      %dma_start3A_236 = tpu.memref_slice %arg4[%dma_start3A_234, %dma_start3A_235] : memref<10240x64xbf16, #tpu.memory_space<hbm>> -> memref<10240x64xbf16, #tpu.memory_space<hbm>>
      tpu.enqueue_indirect_dma source(%dma_start3A_236 : memref<10240x64xbf16, #tpu.memory_space<hbm>>) target(%arg16 : memref<512x64xbf16, #tpu.memory_space<vmem>>) offsets(%arg8 : memref<512xi32, #tpu.memory_space<vmem>>) semaphore(%arg25 : memref<!tpu.dma_semaphore, #tpu.memory_space<semaphore_mem>>)
      %add3A_237 = arith.constant 2 : i32
      %add3A_238 = arith.addi %add3A_213, %add3A_237 : i32
      %mul3A_239 = arith.constant 10240 : i32
      %mul3A_240 = arith.muli %add3A, %mul3A_239 : i32
      %min3A_241 = arith.constant 19 : i32
      %min3A_242 = arith.minsi %add3A_238, %min3A_241 : i32
      %mul3A_243 = arith.constant 512 : i32
      %mul3A_244 = arith.muli %min3A_242, %mul3A_243 : i32
      %add3A_245 = arith.addi %mul3A_240, %mul3A_244 : i32
      %dma_start3A_246 = tpu.memref_slice %arg2[%add3A_245] : memref<327680xi32, #tpu.memory_space<hbm>> -> memref<512xi32, #tpu.memory_space<hbm>>
      %dma_start3A_247 = tpu.memref_slice %arg2[%add3A_245] : memref<327680xi32, #tpu.memory_space<hbm>> -> memref<512xi32, #tpu.memory_space<hbm>>
      tpu.enqueue_dma source(%dma_start3A_247 : memref<512xi32, #tpu.memory_space<hbm>>) target(%arg9 : memref<512xi32, #tpu.memory_space<vmem>>) target_semaphore(%arg22 : memref<!tpu.dma_semaphore, #tpu.memory_space<semaphore_mem>>)
      %dma_start3A_248 = tpu.memref_slice %arg3[%add3A_245] : memref<327680xi32, #tpu.memory_space<hbm>> -> memref<512xi32, #tpu.memory_space<hbm>>
      %dma_start3A_249 = tpu.memref_slice %arg3[%add3A_245] : memref<327680xi32, #tpu.memory_space<hbm>> -> memref<512xi32, #tpu.memory_space<hbm>>
      tpu.enqueue_dma source(%dma_start3A_249 : memref<512xi32, #tpu.memory_space<hbm>>) target(%arg13 : memref<512xi32, #tpu.memory_space<vmem>>) target_semaphore(%arg22 : memref<!tpu.dma_semaphore, #tpu.memory_space<semaphore_mem>>)
      %dma_start3A_250 = arith.constant 0 : i32
      %dma_start3A_251 = arith.constant 0 : i32
      %dma_start3A_252 = tpu.memref_slice %arg19[%dma_start3A_250, %dma_start3A_251] : memref<10240x64xbf16, #tpu.memory_space<vmem_shared>> -> memref<10240x64xbf16, #tpu.memory_space<vmem_shared>>
      tpu.enqueue_indirect_dma source(%arg15 : memref<512x64xbf16, #tpu.memory_space<vmem>>) target(%dma_start3A_252 : memref<10240x64xbf16, #tpu.memory_space<vmem_shared>>) offsets(%arg11 : memref<512xi32, #tpu.memory_space<vmem>>) semaphore(%arg28 : memref<!tpu.dma_semaphore, #tpu.memory_space<semaphore_mem>>) {add = true}
      %mul3A_253 = arith.constant 4 : i32
      %mul3A_254 = arith.muli %scan3A_207, %mul3A_253 : i32
      %add3A_255 = arith.constant 4 : i32
      %add3A_256 = arith.addi %add3A_255, %mul3A_254 : i32
      %add3A_257 = arith.constant 1 : i32
      %add3A_258 = arith.addi %add3A_256, %add3A_257 : i32
      %dma_wait3A_259 = arith.constant 0 : i32
      %dma_wait3A_260 = arith.constant 0 : i32
      %dma_wait3A_261 = tpu.memref_slice %arg4[%dma_wait3A_259, %dma_wait3A_260] : memref<10240x64xbf16, #tpu.memory_space<hbm>> -> memref<512x64xbf16, #tpu.memory_space<hbm>>
      %dma_wait3A_262 = arith.constant 0 : i32
      %dma_wait3A_263 = arith.constant 0 : i32
      %dma_wait3A_264 = tpu.memref_slice %arg4[%dma_wait3A_262, %dma_wait3A_263] : memref<10240x64xbf16, #tpu.memory_space<hbm>> -> memref<512x64xbf16, #tpu.memory_space<hbm>>
      tpu.wait_dma2 semaphore(%arg25 : memref<!tpu.dma_semaphore, #tpu.memory_space<semaphore_mem>>) src(%dma_wait3A_264 : memref<512x64xbf16, #tpu.memory_space<hbm>>) dst(%arg16 : memref<512x64xbf16, #tpu.memory_space<vmem>>)
      %dma_wait3A_265 = arith.constant 0 : i32
      %dma_wait3A_266 = arith.constant 0 : i32
      %dma_wait3A_267 = tpu.memref_slice %arg4[%dma_wait3A_265, %dma_wait3A_266] : memref<10240x64xbf16, #tpu.memory_space<hbm>> -> memref<512x64xbf16, #tpu.memory_space<hbm>>
      %dma_wait3A_268 = arith.constant 0 : i32
      %dma_wait3A_269 = arith.constant 0 : i32
      %dma_wait3A_270 = tpu.memref_slice %arg4[%dma_wait3A_268, %dma_wait3A_269] : memref<10240x64xbf16, #tpu.memory_space<hbm>> -> memref<512x64xbf16, #tpu.memory_space<hbm>>
      tpu.wait_dma2 semaphore(%arg31 : memref<!tpu.dma_semaphore, #tpu.memory_space<semaphore_mem>>) src(%dma_wait3A_270 : memref<512x64xbf16, #tpu.memory_space<hbm>>) dst(%arg18 : memref<512x64xbf16, #tpu.memory_space<vmem>>)
      %dma_wait3A_271 = arith.constant 0 : i32
      %dma_wait3A_272 = tpu.memref_slice %arg2[%dma_wait3A_271] : memref<327680xi32, #tpu.memory_space<hbm>> -> memref<512xi32, #tpu.memory_space<hbm>>
      %dma_wait3A_273 = arith.constant 0 : i32
      %dma_wait3A_274 = tpu.memref_slice %arg2[%dma_wait3A_273] : memref<327680xi32, #tpu.memory_space<hbm>> -> memref<512xi32, #tpu.memory_space<hbm>>
      tpu.wait_dma2 semaphore(%arg22 : memref<!tpu.dma_semaphore, #tpu.memory_space<semaphore_mem>>) src(%dma_wait3A_274 : memref<512xi32, #tpu.memory_space<hbm>>) dst(%arg9 : memref<512xi32, #tpu.memory_space<vmem>>)
      %dma_wait3A_275 = arith.constant 0 : i32
      %dma_wait3A_276 = tpu.memref_slice %arg3[%dma_wait3A_275] : memref<327680xi32, #tpu.memory_space<hbm>> -> memref<512xi32, #tpu.memory_space<hbm>>
      %dma_wait3A_277 = arith.constant 0 : i32
      %dma_wait3A_278 = tpu.memref_slice %arg3[%dma_wait3A_277] : memref<327680xi32, #tpu.memory_space<hbm>> -> memref<512xi32, #tpu.memory_space<hbm>>
      tpu.wait_dma2 semaphore(%arg22 : memref<!tpu.dma_semaphore, #tpu.memory_space<semaphore_mem>>) src(%dma_wait3A_278 : memref<512xi32, #tpu.memory_space<hbm>>) dst(%arg13 : memref<512xi32, #tpu.memory_space<vmem>>)
      %dma_start3A_279 = arith.constant 0 : i32
      %dma_start3A_280 = arith.constant 0 : i32
      %dma_start3A_281 = tpu.memref_slice %arg4[%dma_start3A_279, %dma_start3A_280] : memref<10240x64xbf16, #tpu.memory_space<hbm>> -> memref<10240x64xbf16, #tpu.memory_space<hbm>>
      tpu.enqueue_indirect_dma source(%dma_start3A_281 : memref<10240x64xbf16, #tpu.memory_space<hbm>>) target(%arg17 : memref<512x64xbf16, #tpu.memory_space<vmem>>) offsets(%arg9 : memref<512xi32, #tpu.memory_space<vmem>>) semaphore(%arg26 : memref<!tpu.dma_semaphore, #tpu.memory_space<semaphore_mem>>)
      %add3A_282 = arith.constant 2 : i32
      %add3A_283 = arith.addi %add3A_258, %add3A_282 : i32
      %mul3A_284 = arith.constant 10240 : i32
      %mul3A_285 = arith.muli %add3A, %mul3A_284 : i32
      %min3A_286 = arith.constant 19 : i32
      %min3A_287 = arith.minsi %add3A_283, %min3A_286 : i32
      %mul3A_288 = arith.constant 512 : i32
      %mul3A_289 = arith.muli %min3A_287, %mul3A_288 : i32
      %add3A_290 = arith.addi %mul3A_285, %mul3A_289 : i32
      %dma_start3A_291 = tpu.memref_slice %arg2[%add3A_290] : memref<327680xi32, #tpu.memory_space<hbm>> -> memref<512xi32, #tpu.memory_space<hbm>>
      %dma_start3A_292 = tpu.memref_slice %arg2[%add3A_290] : memref<327680xi32, #tpu.memory_space<hbm>> -> memref<512xi32, #tpu.memory_space<hbm>>
      tpu.enqueue_dma source(%dma_start3A_292 : memref<512xi32, #tpu.memory_space<hbm>>) target(%arg10 : memref<512xi32, #tpu.memory_space<vmem>>) target_semaphore(%arg23 : memref<!tpu.dma_semaphore, #tpu.memory_space<semaphore_mem>>)
      %dma_start3A_293 = tpu.memref_slice %arg3[%add3A_290] : memref<327680xi32, #tpu.memory_space<hbm>> -> memref<512xi32, #tpu.memory_space<hbm>>
      %dma_start3A_294 = tpu.memref_slice %arg3[%add3A_290] : memref<327680xi32, #tpu.memory_space<hbm>> -> memref<512xi32, #tpu.memory_space<hbm>>
      tpu.enqueue_dma source(%dma_start3A_294 : memref<512xi32, #tpu.memory_space<hbm>>) target(%arg14 : memref<512xi32, #tpu.memory_space<vmem>>) target_semaphore(%arg23 : memref<!tpu.dma_semaphore, #tpu.memory_space<semaphore_mem>>)
      %dma_start3A_295 = arith.constant 0 : i32
      %dma_start3A_296 = arith.constant 0 : i32
      %dma_start3A_297 = tpu.memref_slice %arg19[%dma_start3A_295, %dma_start3A_296] : memref<10240x64xbf16, #tpu.memory_space<vmem_shared>> -> memref<10240x64xbf16, #tpu.memory_space<vmem_shared>>
      tpu.enqueue_indirect_dma source(%arg16 : memref<512x64xbf16, #tpu.memory_space<vmem>>) target(%dma_start3A_297 : memref<10240x64xbf16, #tpu.memory_space<vmem_shared>>) offsets(%arg12 : memref<512xi32, #tpu.memory_space<vmem>>) semaphore(%arg29 : memref<!tpu.dma_semaphore, #tpu.memory_space<semaphore_mem>>) {add = true}
      %mul3A_298 = arith.constant 4 : i32
      %mul3A_299 = arith.muli %scan3A_207, %mul3A_298 : i32
      %add3A_300 = arith.constant 4 : i32
      %add3A_301 = arith.addi %add3A_300, %mul3A_299 : i32
      %add3A_302 = arith.constant 2 : i32
      %add3A_303 = arith.addi %add3A_301, %add3A_302 : i32
      %dma_wait3A_304 = arith.constant 0 : i32
      %dma_wait3A_305 = arith.constant 0 : i32
      %dma_wait3A_306 = tpu.memref_slice %arg4[%dma_wait3A_304, %dma_wait3A_305] : memref<10240x64xbf16, #tpu.memory_space<hbm>> -> memref<512x64xbf16, #tpu.memory_space<hbm>>
      %dma_wait3A_307 = arith.constant 0 : i32
      %dma_wait3A_308 = arith.constant 0 : i32
      %dma_wait3A_309 = tpu.memref_slice %arg4[%dma_wait3A_307, %dma_wait3A_308] : memref<10240x64xbf16, #tpu.memory_space<hbm>> -> memref<512x64xbf16, #tpu.memory_space<hbm>>
      tpu.wait_dma2 semaphore(%arg26 : memref<!tpu.dma_semaphore, #tpu.memory_space<semaphore_mem>>) src(%dma_wait3A_309 : memref<512x64xbf16, #tpu.memory_space<hbm>>) dst(%arg17 : memref<512x64xbf16, #tpu.memory_space<vmem>>)
      %dma_wait3A_310 = arith.constant 0 : i32
      %dma_wait3A_311 = arith.constant 0 : i32
      %dma_wait3A_312 = tpu.memref_slice %arg4[%dma_wait3A_310, %dma_wait3A_311] : memref<10240x64xbf16, #tpu.memory_space<hbm>> -> memref<512x64xbf16, #tpu.memory_space<hbm>>
      %dma_wait3A_313 = arith.constant 0 : i32
      %dma_wait3A_314 = arith.constant 0 : i32
      %dma_wait3A_315 = tpu.memref_slice %arg4[%dma_wait3A_313, %dma_wait3A_314] : memref<10240x64xbf16, #tpu.memory_space<hbm>> -> memref<512x64xbf16, #tpu.memory_space<hbm>>
      tpu.wait_dma2 semaphore(%arg28 : memref<!tpu.dma_semaphore, #tpu.memory_space<semaphore_mem>>) src(%dma_wait3A_315 : memref<512x64xbf16, #tpu.memory_space<hbm>>) dst(%arg15 : memref<512x64xbf16, #tpu.memory_space<vmem>>)
      %dma_wait3A_316 = arith.constant 0 : i32
      %dma_wait3A_317 = tpu.memref_slice %arg2[%dma_wait3A_316] : memref<327680xi32, #tpu.memory_space<hbm>> -> memref<512xi32, #tpu.memory_space<hbm>>
      %dma_wait3A_318 = arith.constant 0 : i32
      %dma_wait3A_319 = tpu.memref_slice %arg2[%dma_wait3A_318] : memref<327680xi32, #tpu.memory_space<hbm>> -> memref<512xi32, #tpu.memory_space<hbm>>
      tpu.wait_dma2 semaphore(%arg23 : memref<!tpu.dma_semaphore, #tpu.memory_space<semaphore_mem>>) src(%dma_wait3A_319 : memref<512xi32, #tpu.memory_space<hbm>>) dst(%arg10 : memref<512xi32, #tpu.memory_space<vmem>>)
      %dma_wait3A_320 = arith.constant 0 : i32
      %dma_wait3A_321 = tpu.memref_slice %arg3[%dma_wait3A_320] : memref<327680xi32, #tpu.memory_space<hbm>> -> memref<512xi32, #tpu.memory_space<hbm>>
      %dma_wait3A_322 = arith.constant 0 : i32
      %dma_wait3A_323 = tpu.memref_slice %arg3[%dma_wait3A_322] : memref<327680xi32, #tpu.memory_space<hbm>> -> memref<512xi32, #tpu.memory_space<hbm>>
      tpu.wait_dma2 semaphore(%arg23 : memref<!tpu.dma_semaphore, #tpu.memory_space<semaphore_mem>>) src(%dma_wait3A_323 : memref<512xi32, #tpu.memory_space<hbm>>) dst(%arg14 : memref<512xi32, #tpu.memory_space<vmem>>)
      %dma_start3A_324 = arith.constant 0 : i32
      %dma_start3A_325 = arith.constant 0 : i32
      %dma_start3A_326 = tpu.memref_slice %arg4[%dma_start3A_324, %dma_start3A_325] : memref<10240x64xbf16, #tpu.memory_space<hbm>> -> memref<10240x64xbf16, #tpu.memory_space<hbm>>
      tpu.enqueue_indirect_dma source(%dma_start3A_326 : memref<10240x64xbf16, #tpu.memory_space<hbm>>) target(%arg18 : memref<512x64xbf16, #tpu.memory_space<vmem>>) offsets(%arg10 : memref<512xi32, #tpu.memory_space<vmem>>) semaphore(%arg27 : memref<!tpu.dma_semaphore, #tpu.memory_space<semaphore_mem>>)
      %add3A_327 = arith.constant 2 : i32
      %add3A_328 = arith.addi %add3A_303, %add3A_327 : i32
      %mul3A_329 = arith.constant 10240 : i32
      %mul3A_330 = arith.muli %add3A, %mul3A_329 : i32
      %min3A_331 = arith.constant 19 : i32
      %min3A_332 = arith.minsi %add3A_328, %min3A_331 : i32
      %mul3A_333 = arith.constant 512 : i32
      %mul3A_334 = arith.muli %min3A_332, %mul3A_333 : i32
      %add3A_335 = arith.addi %mul3A_330, %mul3A_334 : i32
      %dma_start3A_336 = tpu.memref_slice %arg2[%add3A_335] : memref<327680xi32, #tpu.memory_space<hbm>> -> memref<512xi32, #tpu.memory_space<hbm>>
      %dma_start3A_337 = tpu.memref_slice %arg2[%add3A_335] : memref<327680xi32, #tpu.memory_space<hbm>> -> memref<512xi32, #tpu.memory_space<hbm>>
      tpu.enqueue_dma source(%dma_start3A_337 : memref<512xi32, #tpu.memory_space<hbm>>) target(%arg7 : memref<512xi32, #tpu.memory_space<vmem>>) target_semaphore(%arg20 : memref<!tpu.dma_semaphore, #tpu.memory_space<semaphore_mem>>)
      %dma_start3A_338 = tpu.memref_slice %arg3[%add3A_335] : memref<327680xi32, #tpu.memory_space<hbm>> -> memref<512xi32, #tpu.memory_space<hbm>>
      %dma_start3A_339 = tpu.memref_slice %arg3[%add3A_335] : memref<327680xi32, #tpu.memory_space<hbm>> -> memref<512xi32, #tpu.memory_space<hbm>>
      tpu.enqueue_dma source(%dma_start3A_339 : memref<512xi32, #tpu.memory_space<hbm>>) target(%arg11 : memref<512xi32, #tpu.memory_space<vmem>>) target_semaphore(%arg20 : memref<!tpu.dma_semaphore, #tpu.memory_space<semaphore_mem>>)
      %dma_start3A_340 = arith.constant 0 : i32
      %dma_start3A_341 = arith.constant 0 : i32
      %dma_start3A_342 = tpu.memref_slice %arg19[%dma_start3A_340, %dma_start3A_341] : memref<10240x64xbf16, #tpu.memory_space<vmem_shared>> -> memref<10240x64xbf16, #tpu.memory_space<vmem_shared>>
      tpu.enqueue_indirect_dma source(%arg17 : memref<512x64xbf16, #tpu.memory_space<vmem>>) target(%dma_start3A_342 : memref<10240x64xbf16, #tpu.memory_space<vmem_shared>>) offsets(%arg13 : memref<512xi32, #tpu.memory_space<vmem>>) semaphore(%arg30 : memref<!tpu.dma_semaphore, #tpu.memory_space<semaphore_mem>>) {add = true}
      %mul3A_343 = arith.constant 4 : i32
      %mul3A_344 = arith.muli %scan3A_207, %mul3A_343 : i32
      %add3A_345 = arith.constant 4 : i32
      %add3A_346 = arith.addi %add3A_345, %mul3A_344 : i32
      %add3A_347 = arith.constant 3 : i32
      %add3A_348 = arith.addi %add3A_346, %add3A_347 : i32
      %dma_wait3A_349 = arith.constant 0 : i32
      %dma_wait3A_350 = arith.constant 0 : i32
      %dma_wait3A_351 = tpu.memref_slice %arg4[%dma_wait3A_349, %dma_wait3A_350] : memref<10240x64xbf16, #tpu.memory_space<hbm>> -> memref<512x64xbf16, #tpu.memory_space<hbm>>
      %dma_wait3A_352 = arith.constant 0 : i32
      %dma_wait3A_353 = arith.constant 0 : i32
      %dma_wait3A_354 = tpu.memref_slice %arg4[%dma_wait3A_352, %dma_wait3A_353] : memref<10240x64xbf16, #tpu.memory_space<hbm>> -> memref<512x64xbf16, #tpu.memory_space<hbm>>
      tpu.wait_dma2 semaphore(%arg27 : memref<!tpu.dma_semaphore, #tpu.memory_space<semaphore_mem>>) src(%dma_wait3A_354 : memref<512x64xbf16, #tpu.memory_space<hbm>>) dst(%arg18 : memref<512x64xbf16, #tpu.memory_space<vmem>>)
      %dma_wait3A_355 = arith.constant 0 : i32
      %dma_wait3A_356 = arith.constant 0 : i32
      %dma_wait3A_357 = tpu.memref_slice %arg4[%dma_wait3A_355, %dma_wait3A_356] : memref<10240x64xbf16, #tpu.memory_space<hbm>> -> memref<512x64xbf16, #tpu.memory_space<hbm>>
      %dma_wait3A_358 = arith.constant 0 : i32
      %dma_wait3A_359 = arith.constant 0 : i32
      %dma_wait3A_360 = tpu.memref_slice %arg4[%dma_wait3A_358, %dma_wait3A_359] : memref<10240x64xbf16, #tpu.memory_space<hbm>> -> memref<512x64xbf16, #tpu.memory_space<hbm>>
      tpu.wait_dma2 semaphore(%arg29 : memref<!tpu.dma_semaphore, #tpu.memory_space<semaphore_mem>>) src(%dma_wait3A_360 : memref<512x64xbf16, #tpu.memory_space<hbm>>) dst(%arg16 : memref<512x64xbf16, #tpu.memory_space<vmem>>)
      %dma_wait3A_361 = arith.constant 0 : i32
      %dma_wait3A_362 = tpu.memref_slice %arg2[%dma_wait3A_361] : memref<327680xi32, #tpu.memory_space<hbm>> -> memref<512xi32, #tpu.memory_space<hbm>>
      %dma_wait3A_363 = arith.constant 0 : i32
      %dma_wait3A_364 = tpu.memref_slice %arg2[%dma_wait3A_363] : memref<327680xi32, #tpu.memory_space<hbm>> -> memref<512xi32, #tpu.memory_space<hbm>>
      tpu.wait_dma2 semaphore(%arg20 : memref<!tpu.dma_semaphore, #tpu.memory_space<semaphore_mem>>) src(%dma_wait3A_364 : memref<512xi32, #tpu.memory_space<hbm>>) dst(%arg7 : memref<512xi32, #tpu.memory_space<vmem>>)
      %dma_wait3A_365 = arith.constant 0 : i32
      %dma_wait3A_366 = tpu.memref_slice %arg3[%dma_wait3A_365] : memref<327680xi32, #tpu.memory_space<hbm>> -> memref<512xi32, #tpu.memory_space<hbm>>
      %dma_wait3A_367 = arith.constant 0 : i32
      %dma_wait3A_368 = tpu.memref_slice %arg3[%dma_wait3A_367] : memref<327680xi32, #tpu.memory_space<hbm>> -> memref<512xi32, #tpu.memory_space<hbm>>
      tpu.wait_dma2 semaphore(%arg20 : memref<!tpu.dma_semaphore, #tpu.memory_space<semaphore_mem>>) src(%dma_wait3A_368 : memref<512xi32, #tpu.memory_space<hbm>>) dst(%arg11 : memref<512xi32, #tpu.memory_space<vmem>>)
      %dma_start3A_369 = arith.constant 0 : i32
      %dma_start3A_370 = arith.constant 0 : i32
      %dma_start3A_371 = tpu.memref_slice %arg4[%dma_start3A_369, %dma_start3A_370] : memref<10240x64xbf16, #tpu.memory_space<hbm>> -> memref<10240x64xbf16, #tpu.memory_space<hbm>>
      tpu.enqueue_indirect_dma source(%dma_start3A_371 : memref<10240x64xbf16, #tpu.memory_space<hbm>>) target(%arg15 : memref<512x64xbf16, #tpu.memory_space<vmem>>) offsets(%arg7 : memref<512xi32, #tpu.memory_space<vmem>>) semaphore(%arg24 : memref<!tpu.dma_semaphore, #tpu.memory_space<semaphore_mem>>)
      %add3A_372 = arith.constant 2 : i32
      %add3A_373 = arith.addi %add3A_348, %add3A_372 : i32
      %mul3A_374 = arith.constant 10240 : i32
      %mul3A_375 = arith.muli %add3A, %mul3A_374 : i32
      %min3A_376 = arith.constant 19 : i32
      %min3A_377 = arith.minsi %add3A_373, %min3A_376 : i32
      %mul3A_378 = arith.constant 512 : i32
      %mul3A_379 = arith.muli %min3A_377, %mul3A_378 : i32
      %add3A_380 = arith.addi %mul3A_375, %mul3A_379 : i32
      %dma_start3A_381 = tpu.memref_slice %arg2[%add3A_380] : memref<327680xi32, #tpu.memory_space<hbm>> -> memref<512xi32, #tpu.memory_space<hbm>>
      %dma_start3A_382 = tpu.memref_slice %arg2[%add3A_380] : memref<327680xi32, #tpu.memory_space<hbm>> -> memref<512xi32, #tpu.memory_space<hbm>>
      tpu.enqueue_dma source(%dma_start3A_382 : memref<512xi32, #tpu.memory_space<hbm>>) target(%arg8 : memref<512xi32, #tpu.memory_space<vmem>>) target_semaphore(%arg21 : memref<!tpu.dma_semaphore, #tpu.memory_space<semaphore_mem>>)
      %dma_start3A_383 = tpu.memref_slice %arg3[%add3A_380] : memref<327680xi32, #tpu.memory_space<hbm>> -> memref<512xi32, #tpu.memory_space<hbm>>
      %dma_start3A_384 = tpu.memref_slice %arg3[%add3A_380] : memref<327680xi32, #tpu.memory_space<hbm>> -> memref<512xi32, #tpu.memory_space<hbm>>
      tpu.enqueue_dma source(%dma_start3A_384 : memref<512xi32, #tpu.memory_space<hbm>>) target(%arg12 : memref<512xi32, #tpu.memory_space<vmem>>) target_semaphore(%arg21 : memref<!tpu.dma_semaphore, #tpu.memory_space<semaphore_mem>>)
      %dma_start3A_385 = arith.constant 0 : i32
      %dma_start3A_386 = arith.constant 0 : i32
      %dma_start3A_387 = tpu.memref_slice %arg19[%dma_start3A_385, %dma_start3A_386] : memref<10240x64xbf16, #tpu.memory_space<vmem_shared>> -> memref<10240x64xbf16, #tpu.memory_space<vmem_shared>>
      tpu.enqueue_indirect_dma source(%arg18 : memref<512x64xbf16, #tpu.memory_space<vmem>>) target(%dma_start3A_387 : memref<10240x64xbf16, #tpu.memory_space<vmem_shared>>) offsets(%arg14 : memref<512xi32, #tpu.memory_space<vmem>>) semaphore(%arg31 : memref<!tpu.dma_semaphore, #tpu.memory_space<semaphore_mem>>) {add = true}
    }
    %scan3A_179 = arith.constant 4 : i32
    %dma_wait3A_180 = arith.constant 0 : i32
    %dma_wait3A_181 = arith.constant 0 : i32
    %dma_wait3A_182 = tpu.memref_slice %arg4[%dma_wait3A_180, %dma_wait3A_181] : memref<10240x64xbf16, #tpu.memory_space<hbm>> -> memref<512x64xbf16, #tpu.memory_space<hbm>>
    %dma_wait3A_183 = arith.constant 0 : i32
    %dma_wait3A_184 = arith.constant 0 : i32
    %dma_wait3A_185 = tpu.memref_slice %arg4[%dma_wait3A_183, %dma_wait3A_184] : memref<10240x64xbf16, #tpu.memory_space<hbm>> -> memref<512x64xbf16, #tpu.memory_space<hbm>>
    tpu.wait_dma2 semaphore(%arg24 : memref<!tpu.dma_semaphore, #tpu.memory_space<semaphore_mem>>) src(%dma_wait3A_185 : memref<512x64xbf16, #tpu.memory_space<hbm>>) dst(%arg15 : memref<512x64xbf16, #tpu.memory_space<vmem>>)
    %dma_wait3A_186 = arith.constant 0 : i32
    %dma_wait3A_187 = tpu.memref_slice %arg2[%dma_wait3A_186] : memref<327680xi32, #tpu.memory_space<hbm>> -> memref<512xi32, #tpu.memory_space<hbm>>
    %dma_wait3A_188 = arith.constant 0 : i32
    %dma_wait3A_189 = tpu.memref_slice %arg2[%dma_wait3A_188] : memref<327680xi32, #tpu.memory_space<hbm>> -> memref<512xi32, #tpu.memory_space<hbm>>
    tpu.wait_dma2 semaphore(%arg21 : memref<!tpu.dma_semaphore, #tpu.memory_space<semaphore_mem>>) src(%dma_wait3A_189 : memref<512xi32, #tpu.memory_space<hbm>>) dst(%arg8 : memref<512xi32, #tpu.memory_space<vmem>>)
    %dma_wait3A_190 = arith.constant 0 : i32
    %dma_wait3A_191 = tpu.memref_slice %arg3[%dma_wait3A_190] : memref<327680xi32, #tpu.memory_space<hbm>> -> memref<512xi32, #tpu.memory_space<hbm>>
    %dma_wait3A_192 = arith.constant 0 : i32
    %dma_wait3A_193 = tpu.memref_slice %arg3[%dma_wait3A_192] : memref<327680xi32, #tpu.memory_space<hbm>> -> memref<512xi32, #tpu.memory_space<hbm>>
    tpu.wait_dma2 semaphore(%arg21 : memref<!tpu.dma_semaphore, #tpu.memory_space<semaphore_mem>>) src(%dma_wait3A_193 : memref<512xi32, #tpu.memory_space<hbm>>) dst(%arg12 : memref<512xi32, #tpu.memory_space<vmem>>)
    %dma_wait3A_194 = arith.constant 0 : i32
    %dma_wait3A_195 = arith.constant 0 : i32
    %dma_wait3A_196 = tpu.memref_slice %arg4[%dma_wait3A_194, %dma_wait3A_195] : memref<10240x64xbf16, #tpu.memory_space<hbm>> -> memref<512x64xbf16, #tpu.memory_space<hbm>>
    %dma_wait3A_197 = arith.constant 0 : i32
    %dma_wait3A_198 = arith.constant 0 : i32
    %dma_wait3A_199 = tpu.memref_slice %arg4[%dma_wait3A_197, %dma_wait3A_198] : memref<10240x64xbf16, #tpu.memory_space<hbm>> -> memref<512x64xbf16, #tpu.memory_space<hbm>>
    tpu.wait_dma2 semaphore(%arg30 : memref<!tpu.dma_semaphore, #tpu.memory_space<semaphore_mem>>) src(%dma_wait3A_199 : memref<512x64xbf16, #tpu.memory_space<hbm>>) dst(%arg17 : memref<512x64xbf16, #tpu.memory_space<vmem>>)
    %dma_wait3A_200 = arith.constant 0 : i32
    %dma_wait3A_201 = arith.constant 0 : i32
    %dma_wait3A_202 = tpu.memref_slice %arg4[%dma_wait3A_200, %dma_wait3A_201] : memref<10240x64xbf16, #tpu.memory_space<hbm>> -> memref<512x64xbf16, #tpu.memory_space<hbm>>
    %dma_wait3A_203 = arith.constant 0 : i32
    %dma_wait3A_204 = arith.constant 0 : i32
    %dma_wait3A_205 = tpu.memref_slice %arg4[%dma_wait3A_203, %dma_wait3A_204] : memref<10240x64xbf16, #tpu.memory_space<hbm>> -> memref<512x64xbf16, #tpu.memory_space<hbm>>
    tpu.wait_dma2 semaphore(%arg31 : memref<!tpu.dma_semaphore, #tpu.memory_space<semaphore_mem>>) src(%dma_wait3A_205 : memref<512x64xbf16, #tpu.memory_space<hbm>>) dst(%arg18 : memref<512x64xbf16, #tpu.memory_space<vmem>>)
    %barrier3A_206 = arith.constant 0 : index
    tpu.barrier barrier_id(%barrier3A_206)
    "tpu.region"() ({
      %run_scoped3A = tpu.sem_alloc : memref<!tpu.dma_semaphore, #tpu.memory_space<semaphore_mem>>
      %dma_start3A_207 = arith.constant 0 : i32
      %dma_start3A_208 = tpu.memref_slice %arg6[%arg0, %mul3A_2, %dma_start3A_207] : memref<2x10240x64xbf16, #tpu.memory_space<hbm>> -> memref<1x640x64xbf16, #tpu.memory_space<hbm>>
      %dma_start3A_209 = tpu.memref_squeeze %dma_start3A_208 : memref<1x640x64xbf16, #tpu.memory_space<hbm>> -> memref<640x64xbf16, #tpu.memory_space<hbm>>
      %dma_start3A_210 = arith.constant 0 : i32
      %dma_start3A_211 = tpu.memref_slice %arg19[%mul3A_2, %dma_start3A_210] : memref<10240x64xbf16, #tpu.memory_space<vmem_shared>> -> memref<640x64xbf16, #tpu.memory_space<vmem_shared>>
      tpu.enqueue_dma source(%dma_start3A_211 : memref<640x64xbf16, #tpu.memory_space<vmem_shared>>) target(%dma_start3A_209 : memref<640x64xbf16, #tpu.memory_space<hbm>>) target_semaphore(%run_scoped3A : memref<!tpu.dma_semaphore, #tpu.memory_space<semaphore_mem>>)
      %dma_wait3A_212 = arith.constant 0 : i32
      %dma_wait3A_213 = tpu.memref_slice %arg6[%arg0, %mul3A_2, %dma_wait3A_212] : memref<2x10240x64xbf16, #tpu.memory_space<hbm>> -> memref<1x640x64xbf16, #tpu.memory_space<hbm>>
      %dma_wait3A_214 = tpu.memref_squeeze %dma_wait3A_213 : memref<1x640x64xbf16, #tpu.memory_space<hbm>> -> memref<640x64xbf16, #tpu.memory_space<hbm>>
      %dma_wait3A_215 = arith.constant 0 : i32
      %dma_wait3A_216 = tpu.memref_slice %arg19[%mul3A_2, %dma_wait3A_215] : memref<10240x64xbf16, #tpu.memory_space<vmem_shared>> -> memref<640x64xbf16, #tpu.memory_space<vmem_shared>>
      tpu.wait_dma2 semaphore(%run_scoped3A : memref<!tpu.dma_semaphore, #tpu.memory_space<semaphore_mem>>) src(%dma_wait3A_216 : memref<640x64xbf16, #tpu.memory_space<vmem_shared>>) dst(%dma_wait3A_214 : memref<640x64xbf16, #tpu.memory_space<hbm>>)
      tpu.yield
    }) : () -> ()
    return
  }
}

#map = affine_map<(d0, d1) -> (0)>
#map1 = affine_map<(d0, d1) -> (0, 0)>
module attributes {stable_mosaic.version = 14 : i64} {
  func.func @deg_kernel(%arg0: i32, %arg1: i32, %arg2: memref<327680xi32, #tpu.memory_space<hbm>>, %arg3: memref<327680xi32, #tpu.memory_space<hbm>>, %arg4: memref<10240xf32, #tpu.memory_space<hbm>>, %arg5: memref<2x10240xf32, #tpu.memory_space<hbm>>, %arg6: memref<2x10240xf32, #tpu.memory_space<hbm>>, %arg7: memref<256xi32, #tpu.memory_space<vmem>>, %arg8: memref<256xi32, #tpu.memory_space<vmem>>, %arg9: memref<256xi32, #tpu.memory_space<vmem>>, %arg10: memref<256xi32, #tpu.memory_space<vmem>>, %arg11: memref<256xi32, #tpu.memory_space<vmem>>, %arg12: memref<256xi32, #tpu.memory_space<vmem>>, %arg13: memref<256xi32, #tpu.memory_space<vmem>>, %arg14: memref<256xi32, #tpu.memory_space<vmem>>, %arg15: memref<256xf32, #tpu.memory_space<vmem>>, %arg16: memref<10240xf32, #tpu.memory_space<vmem_shared>>, %arg17: memref<10240xf32, #tpu.memory_space<vmem_shared>>, %arg18: memref<!tpu.dma_semaphore, #tpu.memory_space<semaphore_mem>>, %arg19: memref<!tpu.dma_semaphore, #tpu.memory_space<semaphore_mem>>, %arg20: memref<!tpu.dma_semaphore, #tpu.memory_space<semaphore_mem>>, %arg21: memref<!tpu.dma_semaphore, #tpu.memory_space<semaphore_mem>>, %arg22: memref<!tpu.dma_semaphore, #tpu.memory_space<semaphore_mem>>) attributes {dimension_semantics = [#tpu.dimension_semantics<core_parallel>, #tpu.dimension_semantics<subcore_parallel>], iteration_bounds = array<i64: 2, 16>, scalar_prefetch = 0 : i64, scratch_operands = 16 : i64, tpu.core_type = #tpu.core_type<sc_vector_subcore>, window_params = [{transform_indices = #map}, {transform_indices = #map}, {transform_indices = #map}, {transform_indices = #map1}, {transform_indices = #map1}]} {
    %mul3A = arith.constant 16 : i32
    %mul3A_0 = arith.muli %arg0, %mul3A : i32
    %add3A = arith.addi %mul3A_0, %arg1 : i32
    %mul3A_1 = arith.constant 640 : i32
    %mul3A_2 = arith.muli %arg1, %mul3A_1 : i32
    "tpu.region"() ({
      %run_scoped3A = tpu.sem_alloc : memref<!tpu.dma_semaphore, #tpu.memory_space<semaphore_mem>>
      %dma_start3A_140 = tpu.memref_slice %arg16[%mul3A_2] : memref<10240xf32, #tpu.memory_space<vmem_shared>> -> memref<640xf32, #tpu.memory_space<vmem_shared>>
      %dma_start3A_141 = tpu.memref_slice %arg4[%mul3A_2] : memref<10240xf32, #tpu.memory_space<hbm>> -> memref<640xf32, #tpu.memory_space<hbm>>
      tpu.enqueue_dma source(%dma_start3A_141 : memref<640xf32, #tpu.memory_space<hbm>>) target(%dma_start3A_140 : memref<640xf32, #tpu.memory_space<vmem_shared>>) target_semaphore(%run_scoped3A : memref<!tpu.dma_semaphore, #tpu.memory_space<semaphore_mem>>)
      %dma_wait3A_142 = tpu.memref_slice %arg16[%mul3A_2] : memref<10240xf32, #tpu.memory_space<vmem_shared>> -> memref<640xf32, #tpu.memory_space<vmem_shared>>
      %dma_wait3A_143 = tpu.memref_slice %arg4[%mul3A_2] : memref<10240xf32, #tpu.memory_space<hbm>> -> memref<640xf32, #tpu.memory_space<hbm>>
      tpu.wait_dma2 semaphore(%run_scoped3A : memref<!tpu.dma_semaphore, #tpu.memory_space<semaphore_mem>>) src(%dma_wait3A_143 : memref<640xf32, #tpu.memory_space<hbm>>) dst(%dma_wait3A_142 : memref<640xf32, #tpu.memory_space<vmem_shared>>)
      tpu.yield
    }) : () -> ()
    "tpu.region"() ({
      %run_scoped3A = tpu.sem_alloc : memref<!tpu.dma_semaphore, #tpu.memory_space<semaphore_mem>>
      %dma_start3A_140 = tpu.memref_slice %arg17[%mul3A_2] : memref<10240xf32, #tpu.memory_space<vmem_shared>> -> memref<640xf32, #tpu.memory_space<vmem_shared>>
      %dma_start3A_141 = tpu.memref_slice %arg4[%mul3A_2] : memref<10240xf32, #tpu.memory_space<hbm>> -> memref<640xf32, #tpu.memory_space<hbm>>
      tpu.enqueue_dma source(%dma_start3A_141 : memref<640xf32, #tpu.memory_space<hbm>>) target(%dma_start3A_140 : memref<640xf32, #tpu.memory_space<vmem_shared>>) target_semaphore(%run_scoped3A : memref<!tpu.dma_semaphore, #tpu.memory_space<semaphore_mem>>)
      %dma_wait3A_142 = tpu.memref_slice %arg17[%mul3A_2] : memref<10240xf32, #tpu.memory_space<vmem_shared>> -> memref<640xf32, #tpu.memory_space<vmem_shared>>
      %dma_wait3A_143 = tpu.memref_slice %arg4[%mul3A_2] : memref<10240xf32, #tpu.memory_space<hbm>> -> memref<640xf32, #tpu.memory_space<hbm>>
      tpu.wait_dma2 semaphore(%run_scoped3A : memref<!tpu.dma_semaphore, #tpu.memory_space<semaphore_mem>>) src(%dma_wait3A_143 : memref<640xf32, #tpu.memory_space<hbm>>) dst(%dma_wait3A_142 : memref<640xf32, #tpu.memory_space<vmem_shared>>)
      tpu.yield
    }) : () -> ()
    %broadcast_in_dim3A = arith.constant 1.000000e+00 : f32
    %broadcast_in_dim3A_3 = vector.broadcast %broadcast_in_dim3A : f32 to vector<16xf32>
    %swap3A = arith.constant 0 : index
    %swap3A_4 = tpu.vector_load %arg15[%swap3A] {strides = array<i32>} : memref<256xf32, #tpu.memory_space<vmem>>, vector<16xf32>,
    %swap3A_5 = vector.shape_cast %swap3A_4 : vector<16xf32> to vector<16xf32>
    %swap3A_6 = vector.shape_cast %broadcast_in_dim3A_3 : vector<16xf32> to vector<16xf32>
    tpu.vector_store %arg15[%swap3A], %swap3A_6 {strides = array<i32>} : memref<256xf32, #tpu.memory_space<vmem>>, vector<16xf32>,
    %broadcast_in_dim3A_7 = arith.constant 1.000000e+00 : f32
    %broadcast_in_dim3A_8 = vector.broadcast %broadcast_in_dim3A_7 : f32 to vector<16xf32>
    %swap3A_9 = arith.constant 16 : index
    %swap3A_10 = tpu.vector_load %arg15[%swap3A_9] {strides = array<i32>} : memref<256xf32, #tpu.memory_space<vmem>>, vector<16xf32>,
    %swap3A_11 = vector.shape_cast %swap3A_10 : vector<16xf32> to vector<16xf32>
    %swap3A_12 = vector.shape_cast %broadcast_in_dim3A_8 : vector<16xf32> to vector<16xf32>
    tpu.vector_store %arg15[%swap3A_9], %swap3A_12 {strides = array<i32>} : memref<256xf32, #tpu.memory_space<vmem>>, vector<16xf32>,
    %broadcast_in_dim3A_13 = arith.constant 1.000000e+00 : f32
    %broadcast_in_dim3A_14 = vector.broadcast %broadcast_in_dim3A_13 : f32 to vector<16xf32>
    %swap3A_15 = arith.constant 32 : index
    %swap3A_16 = tpu.vector_load %arg15[%swap3A_15] {strides = array<i32>} : memref<256xf32, #tpu.memory_space<vmem>>, vector<16xf32>,
    %swap3A_17 = vector.shape_cast %swap3A_16 : vector<16xf32> to vector<16xf32>
    %swap3A_18 = vector.shape_cast %broadcast_in_dim3A_14 : vector<16xf32> to vector<16xf32>
    tpu.vector_store %arg15[%swap3A_15], %swap3A_18 {strides = array<i32>} : memref<256xf32, #tpu.memory_space<vmem>>, vector<16xf32>,
    %broadcast_in_dim3A_19 = arith.constant 1.000000e+00 : f32
    %broadcast_in_dim3A_20 = vector.broadcast %broadcast_in_dim3A_19 : f32 to vector<16xf32>
    %swap3A_21 = arith.constant 48 : index
    %swap3A_22 = tpu.vector_load %arg15[%swap3A_21] {strides = array<i32>} : memref<256xf32, #tpu.memory_space<vmem>>, vector<16xf32>,
    %swap3A_23 = vector.shape_cast %swap3A_22 : vector<16xf32> to vector<16xf32>
    %swap3A_24 = vector.shape_cast %broadcast_in_dim3A_20 : vector<16xf32> to vector<16xf32>
    tpu.vector_store %arg15[%swap3A_21], %swap3A_24 {strides = array<i32>} : memref<256xf32, #tpu.memory_space<vmem>>, vector<16xf32>,
    %broadcast_in_dim3A_25 = arith.constant 1.000000e+00 : f32
    %broadcast_in_dim3A_26 = vector.broadcast %broadcast_in_dim3A_25 : f32 to vector<16xf32>
    %swap3A_27 = arith.constant 64 : index
    %swap3A_28 = tpu.vector_load %arg15[%swap3A_27] {strides = array<i32>} : memref<256xf32, #tpu.memory_space<vmem>>, vector<16xf32>,
    %swap3A_29 = vector.shape_cast %swap3A_28 : vector<16xf32> to vector<16xf32>
    %swap3A_30 = vector.shape_cast %broadcast_in_dim3A_26 : vector<16xf32> to vector<16xf32>
    tpu.vector_store %arg15[%swap3A_27], %swap3A_30 {strides = array<i32>} : memref<256xf32, #tpu.memory_space<vmem>>, vector<16xf32>,
    %broadcast_in_dim3A_31 = arith.constant 1.000000e+00 : f32
    %broadcast_in_dim3A_32 = vector.broadcast %broadcast_in_dim3A_31 : f32 to vector<16xf32>
    %swap3A_33 = arith.constant 80 : index
    %swap3A_34 = tpu.vector_load %arg15[%swap3A_33] {strides = array<i32>} : memref<256xf32, #tpu.memory_space<vmem>>, vector<16xf32>,
    %swap3A_35 = vector.shape_cast %swap3A_34 : vector<16xf32> to vector<16xf32>
    %swap3A_36 = vector.shape_cast %broadcast_in_dim3A_32 : vector<16xf32> to vector<16xf32>
    tpu.vector_store %arg15[%swap3A_33], %swap3A_36 {strides = array<i32>} : memref<256xf32, #tpu.memory_space<vmem>>, vector<16xf32>,
    %broadcast_in_dim3A_37 = arith.constant 1.000000e+00 : f32
    %broadcast_in_dim3A_38 = vector.broadcast %broadcast_in_dim3A_37 : f32 to vector<16xf32>
    %swap3A_39 = arith.constant 96 : index
    %swap3A_40 = tpu.vector_load %arg15[%swap3A_39] {strides = array<i32>} : memref<256xf32, #tpu.memory_space<vmem>>, vector<16xf32>,
    %swap3A_41 = vector.shape_cast %swap3A_40 : vector<16xf32> to vector<16xf32>
    %swap3A_42 = vector.shape_cast %broadcast_in_dim3A_38 : vector<16xf32> to vector<16xf32>
    tpu.vector_store %arg15[%swap3A_39], %swap3A_42 {strides = array<i32>} : memref<256xf32, #tpu.memory_space<vmem>>, vector<16xf32>,
    %broadcast_in_dim3A_43 = arith.constant 1.000000e+00 : f32
    %broadcast_in_dim3A_44 = vector.broadcast %broadcast_in_dim3A_43 : f32 to vector<16xf32>
    %swap3A_45 = arith.constant 112 : index
    %swap3A_46 = tpu.vector_load %arg15[%swap3A_45] {strides = array<i32>} : memref<256xf32, #tpu.memory_space<vmem>>, vector<16xf32>,
    %swap3A_47 = vector.shape_cast %swap3A_46 : vector<16xf32> to vector<16xf32>
    %swap3A_48 = vector.shape_cast %broadcast_in_dim3A_44 : vector<16xf32> to vector<16xf32>
    tpu.vector_store %arg15[%swap3A_45], %swap3A_48 {strides = array<i32>} : memref<256xf32, #tpu.memory_space<vmem>>, vector<16xf32>,
    %broadcast_in_dim3A_49 = arith.constant 1.000000e+00 : f32
    %broadcast_in_dim3A_50 = vector.broadcast %broadcast_in_dim3A_49 : f32 to vector<16xf32>
    %swap3A_51 = arith.constant 128 : index
    %swap3A_52 = tpu.vector_load %arg15[%swap3A_51] {strides = array<i32>} : memref<256xf32, #tpu.memory_space<vmem>>, vector<16xf32>,
    %swap3A_53 = vector.shape_cast %swap3A_52 : vector<16xf32> to vector<16xf32>
    %swap3A_54 = vector.shape_cast %broadcast_in_dim3A_50 : vector<16xf32> to vector<16xf32>
    tpu.vector_store %arg15[%swap3A_51], %swap3A_54 {strides = array<i32>} : memref<256xf32, #tpu.memory_space<vmem>>, vector<16xf32>,
    %broadcast_in_dim3A_55 = arith.constant 1.000000e+00 : f32
    %broadcast_in_dim3A_56 = vector.broadcast %broadcast_in_dim3A_55 : f32 to vector<16xf32>
    %swap3A_57 = arith.constant 144 : index
    %swap3A_58 = tpu.vector_load %arg15[%swap3A_57] {strides = array<i32>} : memref<256xf32, #tpu.memory_space<vmem>>, vector<16xf32>,
    %swap3A_59 = vector.shape_cast %swap3A_58 : vector<16xf32> to vector<16xf32>
    %swap3A_60 = vector.shape_cast %broadcast_in_dim3A_56 : vector<16xf32> to vector<16xf32>
    tpu.vector_store %arg15[%swap3A_57], %swap3A_60 {strides = array<i32>} : memref<256xf32, #tpu.memory_space<vmem>>, vector<16xf32>,
    %broadcast_in_dim3A_61 = arith.constant 1.000000e+00 : f32
    %broadcast_in_dim3A_62 = vector.broadcast %broadcast_in_dim3A_61 : f32 to vector<16xf32>
    %swap3A_63 = arith.constant 160 : index
    %swap3A_64 = tpu.vector_load %arg15[%swap3A_63] {strides = array<i32>} : memref<256xf32, #tpu.memory_space<vmem>>, vector<16xf32>,
    %swap3A_65 = vector.shape_cast %swap3A_64 : vector<16xf32> to vector<16xf32>
    %swap3A_66 = vector.shape_cast %broadcast_in_dim3A_62 : vector<16xf32> to vector<16xf32>
    tpu.vector_store %arg15[%swap3A_63], %swap3A_66 {strides = array<i32>} : memref<256xf32, #tpu.memory_space<vmem>>, vector<16xf32>,
    %broadcast_in_dim3A_67 = arith.constant 1.000000e+00 : f32
    %broadcast_in_dim3A_68 = vector.broadcast %broadcast_in_dim3A_67 : f32 to vector<16xf32>
    %swap3A_69 = arith.constant 176 : index
    %swap3A_70 = tpu.vector_load %arg15[%swap3A_69] {strides = array<i32>} : memref<256xf32, #tpu.memory_space<vmem>>, vector<16xf32>,
    %swap3A_71 = vector.shape_cast %swap3A_70 : vector<16xf32> to vector<16xf32>
    %swap3A_72 = vector.shape_cast %broadcast_in_dim3A_68 : vector<16xf32> to vector<16xf32>
    tpu.vector_store %arg15[%swap3A_69], %swap3A_72 {strides = array<i32>} : memref<256xf32, #tpu.memory_space<vmem>>, vector<16xf32>,
    %broadcast_in_dim3A_73 = arith.constant 1.000000e+00 : f32
    %broadcast_in_dim3A_74 = vector.broadcast %broadcast_in_dim3A_73 : f32 to vector<16xf32>
    %swap3A_75 = arith.constant 192 : index
    %swap3A_76 = tpu.vector_load %arg15[%swap3A_75] {strides = array<i32>} : memref<256xf32, #tpu.memory_space<vmem>>, vector<16xf32>,
    %swap3A_77 = vector.shape_cast %swap3A_76 : vector<16xf32> to vector<16xf32>
    %swap3A_78 = vector.shape_cast %broadcast_in_dim3A_74 : vector<16xf32> to vector<16xf32>
    tpu.vector_store %arg15[%swap3A_75], %swap3A_78 {strides = array<i32>} : memref<256xf32, #tpu.memory_space<vmem>>, vector<16xf32>,
    %broadcast_in_dim3A_79 = arith.constant 1.000000e+00 : f32
    %broadcast_in_dim3A_80 = vector.broadcast %broadcast_in_dim3A_79 : f32 to vector<16xf32>
    %swap3A_81 = arith.constant 208 : index
    %swap3A_82 = tpu.vector_load %arg15[%swap3A_81] {strides = array<i32>} : memref<256xf32, #tpu.memory_space<vmem>>, vector<16xf32>,
    %swap3A_83 = vector.shape_cast %swap3A_82 : vector<16xf32> to vector<16xf32>
    %swap3A_84 = vector.shape_cast %broadcast_in_dim3A_80 : vector<16xf32> to vector<16xf32>
    tpu.vector_store %arg15[%swap3A_81], %swap3A_84 {strides = array<i32>} : memref<256xf32, #tpu.memory_space<vmem>>, vector<16xf32>,
    %broadcast_in_dim3A_85 = arith.constant 1.000000e+00 : f32
    %broadcast_in_dim3A_86 = vector.broadcast %broadcast_in_dim3A_85 : f32 to vector<16xf32>
    %swap3A_87 = arith.constant 224 : index
    %swap3A_88 = tpu.vector_load %arg15[%swap3A_87] {strides = array<i32>} : memref<256xf32, #tpu.memory_space<vmem>>, vector<16xf32>,
    %swap3A_89 = vector.shape_cast %swap3A_88 : vector<16xf32> to vector<16xf32>
    %swap3A_90 = vector.shape_cast %broadcast_in_dim3A_86 : vector<16xf32> to vector<16xf32>
    tpu.vector_store %arg15[%swap3A_87], %swap3A_90 {strides = array<i32>} : memref<256xf32, #tpu.memory_space<vmem>>, vector<16xf32>,
    %broadcast_in_dim3A_91 = arith.constant 1.000000e+00 : f32
    %broadcast_in_dim3A_92 = vector.broadcast %broadcast_in_dim3A_91 : f32 to vector<16xf32>
    %swap3A_93 = arith.constant 240 : index
    %swap3A_94 = tpu.vector_load %arg15[%swap3A_93] {strides = array<i32>} : memref<256xf32, #tpu.memory_space<vmem>>, vector<16xf32>,
    %swap3A_95 = vector.shape_cast %swap3A_94 : vector<16xf32> to vector<16xf32>
    %swap3A_96 = vector.shape_cast %broadcast_in_dim3A_92 : vector<16xf32> to vector<16xf32>
    tpu.vector_store %arg15[%swap3A_93], %swap3A_96 {strides = array<i32>} : memref<256xf32, #tpu.memory_space<vmem>>, vector<16xf32>,
    %barrier3A = arith.constant 0 : index
    tpu.barrier barrier_id(%barrier3A)
    %mul3A_97 = arith.constant 10240 : i32
    %mul3A_98 = arith.muli %add3A, %mul3A_97 : i32
    %min3A = arith.constant 0 : i32
    %min3A_99 = arith.constant 39 : i32
    %min3A_100 = arith.minsi %min3A, %min3A_99 : i32
    %mul3A_101 = arith.constant 256 : i32
    %mul3A_102 = arith.muli %min3A_100, %mul3A_101 : i32
    %add3A_103 = arith.addi %mul3A_98, %mul3A_102 : i32
    %dma_start3A = tpu.memref_slice %arg2[%add3A_103] : memref<327680xi32, #tpu.memory_space<hbm>> -> memref<256xi32, #tpu.memory_space<hbm>>
    %dma_start3A_104 = tpu.memref_slice %arg2[%add3A_103] : memref<327680xi32, #tpu.memory_space<hbm>> -> memref<256xi32, #tpu.memory_space<hbm>>
    tpu.enqueue_dma source(%dma_start3A_104 : memref<256xi32, #tpu.memory_space<hbm>>) target(%arg7 : memref<256xi32, #tpu.memory_space<vmem>>) target_semaphore(%arg18 : memref<!tpu.dma_semaphore, #tpu.memory_space<semaphore_mem>>)
    %dma_start3A_105 = tpu.memref_slice %arg3[%add3A_103] : memref<327680xi32, #tpu.memory_space<hbm>> -> memref<256xi32, #tpu.memory_space<hbm>>
    %dma_start3A_106 = tpu.memref_slice %arg3[%add3A_103] : memref<327680xi32, #tpu.memory_space<hbm>> -> memref<256xi32, #tpu.memory_space<hbm>>
    tpu.enqueue_dma source(%dma_start3A_106 : memref<256xi32, #tpu.memory_space<hbm>>) target(%arg11 : memref<256xi32, #tpu.memory_space<vmem>>) target_semaphore(%arg18 : memref<!tpu.dma_semaphore, #tpu.memory_space<semaphore_mem>>)
    %mul3A_107 = arith.constant 10240 : i32
    %mul3A_108 = arith.muli %add3A, %mul3A_107 : i32
    %min3A_109 = arith.constant 1 : i32
    %min3A_110 = arith.constant 39 : i32
    %min3A_111 = arith.minsi %min3A_109, %min3A_110 : i32
    %mul3A_112 = arith.constant 256 : i32
    %mul3A_113 = arith.muli %min3A_111, %mul3A_112 : i32
    %add3A_114 = arith.addi %mul3A_108, %mul3A_113 : i32
    %dma_start3A_115 = tpu.memref_slice %arg2[%add3A_114] : memref<327680xi32, #tpu.memory_space<hbm>> -> memref<256xi32, #tpu.memory_space<hbm>>
    %dma_start3A_116 = tpu.memref_slice %arg2[%add3A_114] : memref<327680xi32, #tpu.memory_space<hbm>> -> memref<256xi32, #tpu.memory_space<hbm>>
    tpu.enqueue_dma source(%dma_start3A_116 : memref<256xi32, #tpu.memory_space<hbm>>) target(%arg8 : memref<256xi32, #tpu.memory_space<vmem>>) target_semaphore(%arg19 : memref<!tpu.dma_semaphore, #tpu.memory_space<semaphore_mem>>)
    %dma_start3A_117 = tpu.memref_slice %arg3[%add3A_114] : memref<327680xi32, #tpu.memory_space<hbm>> -> memref<256xi32, #tpu.memory_space<hbm>>
    %dma_start3A_118 = tpu.memref_slice %arg3[%add3A_114] : memref<327680xi32, #tpu.memory_space<hbm>> -> memref<256xi32, #tpu.memory_space<hbm>>
    tpu.enqueue_dma source(%dma_start3A_118 : memref<256xi32, #tpu.memory_space<hbm>>) target(%arg12 : memref<256xi32, #tpu.memory_space<vmem>>) target_semaphore(%arg19 : memref<!tpu.dma_semaphore, #tpu.memory_space<semaphore_mem>>)
    %scan3A = arith.constant 0 : i32
    %scan3A_119 = arith.constant 0 : i32
    %scan3A_120 = arith.constant 10 : i32
    %scan3A_121 = arith.addi %scan3A_119, %scan3A_120 : i32
    %scan3A_122 = arith.constant 1 : i32
    scf.for %scan3A_140 = %scan3A_119 to %scan3A_121 step %scan3A_122  : i32 {
      %mul3A_141 = arith.constant 4 : i32
      %mul3A_142 = arith.muli %scan3A_140, %mul3A_141 : i32
      %add3A_143 = arith.constant 0 : i32
      %add3A_144 = arith.addi %mul3A_142, %add3A_143 : i32
      %dma_wait3A_145 = arith.constant 0 : i32
      %dma_wait3A_146 = tpu.memref_slice %arg2[%dma_wait3A_145] : memref<327680xi32, #tpu.memory_space<hbm>> -> memref<256xi32, #tpu.memory_space<hbm>>
      %dma_wait3A_147 = arith.constant 0 : i32
      %dma_wait3A_148 = tpu.memref_slice %arg2[%dma_wait3A_147] : memref<327680xi32, #tpu.memory_space<hbm>> -> memref<256xi32, #tpu.memory_space<hbm>>
      tpu.wait_dma2 semaphore(%arg18 : memref<!tpu.dma_semaphore, #tpu.memory_space<semaphore_mem>>) src(%dma_wait3A_148 : memref<256xi32, #tpu.memory_space<hbm>>) dst(%arg7 : memref<256xi32, #tpu.memory_space<vmem>>)
      %dma_wait3A_149 = arith.constant 0 : i32
      %dma_wait3A_150 = tpu.memref_slice %arg3[%dma_wait3A_149] : memref<327680xi32, #tpu.memory_space<hbm>> -> memref<256xi32, #tpu.memory_space<hbm>>
      %dma_wait3A_151 = arith.constant 0 : i32
      %dma_wait3A_152 = tpu.memref_slice %arg3[%dma_wait3A_151] : memref<327680xi32, #tpu.memory_space<hbm>> -> memref<256xi32, #tpu.memory_space<hbm>>
      tpu.wait_dma2 semaphore(%arg18 : memref<!tpu.dma_semaphore, #tpu.memory_space<semaphore_mem>>) src(%dma_wait3A_152 : memref<256xi32, #tpu.memory_space<hbm>>) dst(%arg11 : memref<256xi32, #tpu.memory_space<vmem>>)
      %add3A_153 = arith.constant 2 : i32
      %add3A_154 = arith.addi %add3A_144, %add3A_153 : i32
      %mul3A_155 = arith.constant 10240 : i32
      %mul3A_156 = arith.muli %add3A, %mul3A_155 : i32
      %min3A_157 = arith.constant 39 : i32
      %min3A_158 = arith.minsi %add3A_154, %min3A_157 : i32
      %mul3A_159 = arith.constant 256 : i32
      %mul3A_160 = arith.muli %min3A_158, %mul3A_159 : i32
      %add3A_161 = arith.addi %mul3A_156, %mul3A_160 : i32
      %dma_start3A_162 = tpu.memref_slice %arg2[%add3A_161] : memref<327680xi32, #tpu.memory_space<hbm>> -> memref<256xi32, #tpu.memory_space<hbm>>
      %dma_start3A_163 = tpu.memref_slice %arg2[%add3A_161] : memref<327680xi32, #tpu.memory_space<hbm>> -> memref<256xi32, #tpu.memory_space<hbm>>
      tpu.enqueue_dma source(%dma_start3A_163 : memref<256xi32, #tpu.memory_space<hbm>>) target(%arg9 : memref<256xi32, #tpu.memory_space<vmem>>) target_semaphore(%arg20 : memref<!tpu.dma_semaphore, #tpu.memory_space<semaphore_mem>>)
      %dma_start3A_164 = tpu.memref_slice %arg3[%add3A_161] : memref<327680xi32, #tpu.memory_space<hbm>> -> memref<256xi32, #tpu.memory_space<hbm>>
      %dma_start3A_165 = tpu.memref_slice %arg3[%add3A_161] : memref<327680xi32, #tpu.memory_space<hbm>> -> memref<256xi32, #tpu.memory_space<hbm>>
      tpu.enqueue_dma source(%dma_start3A_165 : memref<256xi32, #tpu.memory_space<hbm>>) target(%arg13 : memref<256xi32, #tpu.memory_space<vmem>>) target_semaphore(%arg20 : memref<!tpu.dma_semaphore, #tpu.memory_space<semaphore_mem>>)
      %dma_start3A_166 = arith.constant 0 : i32
      %dma_start3A_167 = tpu.memref_slice %arg16[%dma_start3A_166] : memref<10240xf32, #tpu.memory_space<vmem_shared>> -> memref<10240xf32, #tpu.memory_space<vmem_shared>>
      tpu.enqueue_indirect_dma source(%arg15 : memref<256xf32, #tpu.memory_space<vmem>>) target(%dma_start3A_167 : memref<10240xf32, #tpu.memory_space<vmem_shared>>) offsets(%arg7 : memref<256xi32, #tpu.memory_space<vmem>>) semaphore(%arg22 : memref<!tpu.dma_semaphore, #tpu.memory_space<semaphore_mem>>) {add = true}
      "tpu.region"() ({
        %run_scoped3A = tpu.sem_alloc : memref<!tpu.dma_semaphore, #tpu.memory_space<semaphore_mem>>
        %dma_start3A_265 = arith.constant 0 : i32
        %dma_start3A_266 = tpu.memref_slice %arg17[%dma_start3A_265] : memref<10240xf32, #tpu.memory_space<vmem_shared>> -> memref<10240xf32, #tpu.memory_space<vmem_shared>>
        tpu.enqueue_indirect_dma source(%arg15 : memref<256xf32, #tpu.memory_space<vmem>>) target(%dma_start3A_266 : memref<10240xf32, #tpu.memory_space<vmem_shared>>) offsets(%arg11 : memref<256xi32, #tpu.memory_space<vmem>>) semaphore(%run_scoped3A : memref<!tpu.dma_semaphore, #tpu.memory_space<semaphore_mem>>) {add = true}
        %dma_wait3A_267 = arith.constant 0 : i32
        %dma_wait3A_268 = tpu.memref_slice %arg17[%dma_wait3A_267] : memref<10240xf32, #tpu.memory_space<vmem_shared>> -> memref<10240xf32, #tpu.memory_space<vmem_shared>>
        tpu.wait_indirect_dma semaphore(%run_scoped3A : memref<!tpu.dma_semaphore, #tpu.memory_space<semaphore_mem>>) src(%arg15 : memref<256xf32, #tpu.memory_space<vmem>>) dst(%dma_wait3A_268 : memref<10240xf32, #tpu.memory_space<vmem_shared>>)
        tpu.yield
      }) : () -> ()
      %dma_wait3A_168 = arith.constant 0 : i32
      %dma_wait3A_169 = tpu.memref_slice %arg4[%dma_wait3A_168] : memref<10240xf32, #tpu.memory_space<hbm>> -> memref<256xf32, #tpu.memory_space<hbm>>
      %dma_wait3A_170 = arith.constant 0 : i32
      %dma_wait3A_171 = tpu.memref_slice %arg4[%dma_wait3A_170] : memref<10240xf32, #tpu.memory_space<hbm>> -> memref<256xf32, #tpu.memory_space<hbm>>
      tpu.wait_dma2 semaphore(%arg22 : memref<!tpu.dma_semaphore, #tpu.memory_space<semaphore_mem>>) src(%dma_wait3A_171 : memref<256xf32, #tpu.memory_space<hbm>>) dst(%arg15 : memref<256xf32, #tpu.memory_space<vmem>>)
      %mul3A_172 = arith.constant 4 : i32
      %mul3A_173 = arith.muli %scan3A_140, %mul3A_172 : i32
      %add3A_174 = arith.constant 1 : i32
      %add3A_175 = arith.addi %mul3A_173, %add3A_174 : i32
      %dma_wait3A_176 = arith.constant 0 : i32
      %dma_wait3A_177 = tpu.memref_slice %arg2[%dma_wait3A_176] : memref<327680xi32, #tpu.memory_space<hbm>> -> memref<256xi32, #tpu.memory_space<hbm>>
      %dma_wait3A_178 = arith.constant 0 : i32
      %dma_wait3A_179 = tpu.memref_slice %arg2[%dma_wait3A_178] : memref<327680xi32, #tpu.memory_space<hbm>> -> memref<256xi32, #tpu.memory_space<hbm>>
      tpu.wait_dma2 semaphore(%arg19 : memref<!tpu.dma_semaphore, #tpu.memory_space<semaphore_mem>>) src(%dma_wait3A_179 : memref<256xi32, #tpu.memory_space<hbm>>) dst(%arg8 : memref<256xi32, #tpu.memory_space<vmem>>)
      %dma_wait3A_180 = arith.constant 0 : i32
      %dma_wait3A_181 = tpu.memref_slice %arg3[%dma_wait3A_180] : memref<327680xi32, #tpu.memory_space<hbm>> -> memref<256xi32, #tpu.memory_space<hbm>>
      %dma_wait3A_182 = arith.constant 0 : i32
      %dma_wait3A_183 = tpu.memref_slice %arg3[%dma_wait3A_182] : memref<327680xi32, #tpu.memory_space<hbm>> -> memref<256xi32, #tpu.memory_space<hbm>>
      tpu.wait_dma2 semaphore(%arg19 : memref<!tpu.dma_semaphore, #tpu.memory_space<semaphore_mem>>) src(%dma_wait3A_183 : memref<256xi32, #tpu.memory_space<hbm>>) dst(%arg12 : memref<256xi32, #tpu.memory_space<vmem>>)
      %add3A_184 = arith.constant 2 : i32
      %add3A_185 = arith.addi %add3A_175, %add3A_184 : i32
      %mul3A_186 = arith.constant 10240 : i32
      %mul3A_187 = arith.muli %add3A, %mul3A_186 : i32
      %min3A_188 = arith.constant 39 : i32
      %min3A_189 = arith.minsi %add3A_185, %min3A_188 : i32
      %mul3A_190 = arith.constant 256 : i32
      %mul3A_191 = arith.muli %min3A_189, %mul3A_190 : i32
      %add3A_192 = arith.addi %mul3A_187, %mul3A_191 : i32
      %dma_start3A_193 = tpu.memref_slice %arg2[%add3A_192] : memref<327680xi32, #tpu.memory_space<hbm>> -> memref<256xi32, #tpu.memory_space<hbm>>
      %dma_start3A_194 = tpu.memref_slice %arg2[%add3A_192] : memref<327680xi32, #tpu.memory_space<hbm>> -> memref<256xi32, #tpu.memory_space<hbm>>
      tpu.enqueue_dma source(%dma_start3A_194 : memref<256xi32, #tpu.memory_space<hbm>>) target(%arg10 : memref<256xi32, #tpu.memory_space<vmem>>) target_semaphore(%arg21 : memref<!tpu.dma_semaphore, #tpu.memory_space<semaphore_mem>>)
      %dma_start3A_195 = tpu.memref_slice %arg3[%add3A_192] : memref<327680xi32, #tpu.memory_space<hbm>> -> memref<256xi32, #tpu.memory_space<hbm>>
      %dma_start3A_196 = tpu.memref_slice %arg3[%add3A_192] : memref<327680xi32, #tpu.memory_space<hbm>> -> memref<256xi32, #tpu.memory_space<hbm>>
      tpu.enqueue_dma source(%dma_start3A_196 : memref<256xi32, #tpu.memory_space<hbm>>) target(%arg14 : memref<256xi32, #tpu.memory_space<vmem>>) target_semaphore(%arg21 : memref<!tpu.dma_semaphore, #tpu.memory_space<semaphore_mem>>)
      %dma_start3A_197 = arith.constant 0 : i32
      %dma_start3A_198 = tpu.memref_slice %arg16[%dma_start3A_197] : memref<10240xf32, #tpu.memory_space<vmem_shared>> -> memref<10240xf32, #tpu.memory_space<vmem_shared>>
      tpu.enqueue_indirect_dma source(%arg15 : memref<256xf32, #tpu.memory_space<vmem>>) target(%dma_start3A_198 : memref<10240xf32, #tpu.memory_space<vmem_shared>>) offsets(%arg8 : memref<256xi32, #tpu.memory_space<vmem>>) semaphore(%arg22 : memref<!tpu.dma_semaphore, #tpu.memory_space<semaphore_mem>>) {add = true}
      "tpu.region"() ({
        %run_scoped3A = tpu.sem_alloc : memref<!tpu.dma_semaphore, #tpu.memory_space<semaphore_mem>>
        %dma_start3A_265 = arith.constant 0 : i32
        %dma_start3A_266 = tpu.memref_slice %arg17[%dma_start3A_265] : memref<10240xf32, #tpu.memory_space<vmem_shared>> -> memref<10240xf32, #tpu.memory_space<vmem_shared>>
        tpu.enqueue_indirect_dma source(%arg15 : memref<256xf32, #tpu.memory_space<vmem>>) target(%dma_start3A_266 : memref<10240xf32, #tpu.memory_space<vmem_shared>>) offsets(%arg12 : memref<256xi32, #tpu.memory_space<vmem>>) semaphore(%run_scoped3A : memref<!tpu.dma_semaphore, #tpu.memory_space<semaphore_mem>>) {add = true}
        %dma_wait3A_267 = arith.constant 0 : i32
        %dma_wait3A_268 = tpu.memref_slice %arg17[%dma_wait3A_267] : memref<10240xf32, #tpu.memory_space<vmem_shared>> -> memref<10240xf32, #tpu.memory_space<vmem_shared>>
        tpu.wait_indirect_dma semaphore(%run_scoped3A : memref<!tpu.dma_semaphore, #tpu.memory_space<semaphore_mem>>) src(%arg15 : memref<256xf32, #tpu.memory_space<vmem>>) dst(%dma_wait3A_268 : memref<10240xf32, #tpu.memory_space<vmem_shared>>)
        tpu.yield
      }) : () -> ()
      %dma_wait3A_199 = arith.constant 0 : i32
      %dma_wait3A_200 = tpu.memref_slice %arg4[%dma_wait3A_199] : memref<10240xf32, #tpu.memory_space<hbm>> -> memref<256xf32, #tpu.memory_space<hbm>>
      %dma_wait3A_201 = arith.constant 0 : i32
      %dma_wait3A_202 = tpu.memref_slice %arg4[%dma_wait3A_201] : memref<10240xf32, #tpu.memory_space<hbm>> -> memref<256xf32, #tpu.memory_space<hbm>>
      tpu.wait_dma2 semaphore(%arg22 : memref<!tpu.dma_semaphore, #tpu.memory_space<semaphore_mem>>) src(%dma_wait3A_202 : memref<256xf32, #tpu.memory_space<hbm>>) dst(%arg15 : memref<256xf32, #tpu.memory_space<vmem>>)
      %mul3A_203 = arith.constant 4 : i32
      %mul3A_204 = arith.muli %scan3A_140, %mul3A_203 : i32
      %add3A_205 = arith.constant 2 : i32
      %add3A_206 = arith.addi %mul3A_204, %add3A_205 : i32
      %dma_wait3A_207 = arith.constant 0 : i32
      %dma_wait3A_208 = tpu.memref_slice %arg2[%dma_wait3A_207] : memref<327680xi32, #tpu.memory_space<hbm>> -> memref<256xi32, #tpu.memory_space<hbm>>
      %dma_wait3A_209 = arith.constant 0 : i32
      %dma_wait3A_210 = tpu.memref_slice %arg2[%dma_wait3A_209] : memref<327680xi32, #tpu.memory_space<hbm>> -> memref<256xi32, #tpu.memory_space<hbm>>
      tpu.wait_dma2 semaphore(%arg20 : memref<!tpu.dma_semaphore, #tpu.memory_space<semaphore_mem>>) src(%dma_wait3A_210 : memref<256xi32, #tpu.memory_space<hbm>>) dst(%arg9 : memref<256xi32, #tpu.memory_space<vmem>>)
      %dma_wait3A_211 = arith.constant 0 : i32
      %dma_wait3A_212 = tpu.memref_slice %arg3[%dma_wait3A_211] : memref<327680xi32, #tpu.memory_space<hbm>> -> memref<256xi32, #tpu.memory_space<hbm>>
      %dma_wait3A_213 = arith.constant 0 : i32
      %dma_wait3A_214 = tpu.memref_slice %arg3[%dma_wait3A_213] : memref<327680xi32, #tpu.memory_space<hbm>> -> memref<256xi32, #tpu.memory_space<hbm>>
      tpu.wait_dma2 semaphore(%arg20 : memref<!tpu.dma_semaphore, #tpu.memory_space<semaphore_mem>>) src(%dma_wait3A_214 : memref<256xi32, #tpu.memory_space<hbm>>) dst(%arg13 : memref<256xi32, #tpu.memory_space<vmem>>)
      %add3A_215 = arith.constant 2 : i32
      %add3A_216 = arith.addi %add3A_206, %add3A_215 : i32
      %mul3A_217 = arith.constant 10240 : i32
      %mul3A_218 = arith.muli %add3A, %mul3A_217 : i32
      %min3A_219 = arith.constant 39 : i32
      %min3A_220 = arith.minsi %add3A_216, %min3A_219 : i32
      %mul3A_221 = arith.constant 256 : i32
      %mul3A_222 = arith.muli %min3A_220, %mul3A_221 : i32
      %add3A_223 = arith.addi %mul3A_218, %mul3A_222 : i32
      %dma_start3A_224 = tpu.memref_slice %arg2[%add3A_223] : memref<327680xi32, #tpu.memory_space<hbm>> -> memref<256xi32, #tpu.memory_space<hbm>>
      %dma_start3A_225 = tpu.memref_slice %arg2[%add3A_223] : memref<327680xi32, #tpu.memory_space<hbm>> -> memref<256xi32, #tpu.memory_space<hbm>>
      tpu.enqueue_dma source(%dma_start3A_225 : memref<256xi32, #tpu.memory_space<hbm>>) target(%arg7 : memref<256xi32, #tpu.memory_space<vmem>>) target_semaphore(%arg18 : memref<!tpu.dma_semaphore, #tpu.memory_space<semaphore_mem>>)
      %dma_start3A_226 = tpu.memref_slice %arg3[%add3A_223] : memref<327680xi32, #tpu.memory_space<hbm>> -> memref<256xi32, #tpu.memory_space<hbm>>
      %dma_start3A_227 = tpu.memref_slice %arg3[%add3A_223] : memref<327680xi32, #tpu.memory_space<hbm>> -> memref<256xi32, #tpu.memory_space<hbm>>
      tpu.enqueue_dma source(%dma_start3A_227 : memref<256xi32, #tpu.memory_space<hbm>>) target(%arg11 : memref<256xi32, #tpu.memory_space<vmem>>) target_semaphore(%arg18 : memref<!tpu.dma_semaphore, #tpu.memory_space<semaphore_mem>>)
      %dma_start3A_228 = arith.constant 0 : i32
      %dma_start3A_229 = tpu.memref_slice %arg16[%dma_start3A_228] : memref<10240xf32, #tpu.memory_space<vmem_shared>> -> memref<10240xf32, #tpu.memory_space<vmem_shared>>
      tpu.enqueue_indirect_dma source(%arg15 : memref<256xf32, #tpu.memory_space<vmem>>) target(%dma_start3A_229 : memref<10240xf32, #tpu.memory_space<vmem_shared>>) offsets(%arg9 : memref<256xi32, #tpu.memory_space<vmem>>) semaphore(%arg22 : memref<!tpu.dma_semaphore, #tpu.memory_space<semaphore_mem>>) {add = true}
      "tpu.region"() ({
        %run_scoped3A = tpu.sem_alloc : memref<!tpu.dma_semaphore, #tpu.memory_space<semaphore_mem>>
        %dma_start3A_265 = arith.constant 0 : i32
        %dma_start3A_266 = tpu.memref_slice %arg17[%dma_start3A_265] : memref<10240xf32, #tpu.memory_space<vmem_shared>> -> memref<10240xf32, #tpu.memory_space<vmem_shared>>
        tpu.enqueue_indirect_dma source(%arg15 : memref<256xf32, #tpu.memory_space<vmem>>) target(%dma_start3A_266 : memref<10240xf32, #tpu.memory_space<vmem_shared>>) offsets(%arg13 : memref<256xi32, #tpu.memory_space<vmem>>) semaphore(%run_scoped3A : memref<!tpu.dma_semaphore, #tpu.memory_space<semaphore_mem>>) {add = true}
        %dma_wait3A_267 = arith.constant 0 : i32
        %dma_wait3A_268 = tpu.memref_slice %arg17[%dma_wait3A_267] : memref<10240xf32, #tpu.memory_space<vmem_shared>> -> memref<10240xf32, #tpu.memory_space<vmem_shared>>
        tpu.wait_indirect_dma semaphore(%run_scoped3A : memref<!tpu.dma_semaphore, #tpu.memory_space<semaphore_mem>>) src(%arg15 : memref<256xf32, #tpu.memory_space<vmem>>) dst(%dma_wait3A_268 : memref<10240xf32, #tpu.memory_space<vmem_shared>>)
        tpu.yield
      }) : () -> ()
      %dma_wait3A_230 = arith.constant 0 : i32
      %dma_wait3A_231 = tpu.memref_slice %arg4[%dma_wait3A_230] : memref<10240xf32, #tpu.memory_space<hbm>> -> memref<256xf32, #tpu.memory_space<hbm>>
      %dma_wait3A_232 = arith.constant 0 : i32
      %dma_wait3A_233 = tpu.memref_slice %arg4[%dma_wait3A_232] : memref<10240xf32, #tpu.memory_space<hbm>> -> memref<256xf32, #tpu.memory_space<hbm>>
      tpu.wait_dma2 semaphore(%arg22 : memref<!tpu.dma_semaphore, #tpu.memory_space<semaphore_mem>>) src(%dma_wait3A_233 : memref<256xf32, #tpu.memory_space<hbm>>) dst(%arg15 : memref<256xf32, #tpu.memory_space<vmem>>)
      %mul3A_234 = arith.constant 4 : i32
      %mul3A_235 = arith.muli %scan3A_140, %mul3A_234 : i32
      %add3A_236 = arith.constant 3 : i32
      %add3A_237 = arith.addi %mul3A_235, %add3A_236 : i32
      %dma_wait3A_238 = arith.constant 0 : i32
      %dma_wait3A_239 = tpu.memref_slice %arg2[%dma_wait3A_238] : memref<327680xi32, #tpu.memory_space<hbm>> -> memref<256xi32, #tpu.memory_space<hbm>>
      %dma_wait3A_240 = arith.constant 0 : i32
      %dma_wait3A_241 = tpu.memref_slice %arg2[%dma_wait3A_240] : memref<327680xi32, #tpu.memory_space<hbm>> -> memref<256xi32, #tpu.memory_space<hbm>>
      tpu.wait_dma2 semaphore(%arg21 : memref<!tpu.dma_semaphore, #tpu.memory_space<semaphore_mem>>) src(%dma_wait3A_241 : memref<256xi32, #tpu.memory_space<hbm>>) dst(%arg10 : memref<256xi32, #tpu.memory_space<vmem>>)
      %dma_wait3A_242 = arith.constant 0 : i32
      %dma_wait3A_243 = tpu.memref_slice %arg3[%dma_wait3A_242] : memref<327680xi32, #tpu.memory_space<hbm>> -> memref<256xi32, #tpu.memory_space<hbm>>
      %dma_wait3A_244 = arith.constant 0 : i32
      %dma_wait3A_245 = tpu.memref_slice %arg3[%dma_wait3A_244] : memref<327680xi32, #tpu.memory_space<hbm>> -> memref<256xi32, #tpu.memory_space<hbm>>
      tpu.wait_dma2 semaphore(%arg21 : memref<!tpu.dma_semaphore, #tpu.memory_space<semaphore_mem>>) src(%dma_wait3A_245 : memref<256xi32, #tpu.memory_space<hbm>>) dst(%arg14 : memref<256xi32, #tpu.memory_space<vmem>>)
      %add3A_246 = arith.constant 2 : i32
      %add3A_247 = arith.addi %add3A_237, %add3A_246 : i32
      %mul3A_248 = arith.constant 10240 : i32
      %mul3A_249 = arith.muli %add3A, %mul3A_248 : i32
      %min3A_250 = arith.constant 39 : i32
      %min3A_251 = arith.minsi %add3A_247, %min3A_250 : i32
      %mul3A_252 = arith.constant 256 : i32
      %mul3A_253 = arith.muli %min3A_251, %mul3A_252 : i32
      %add3A_254 = arith.addi %mul3A_249, %mul3A_253 : i32
      %dma_start3A_255 = tpu.memref_slice %arg2[%add3A_254] : memref<327680xi32, #tpu.memory_space<hbm>> -> memref<256xi32, #tpu.memory_space<hbm>>
      %dma_start3A_256 = tpu.memref_slice %arg2[%add3A_254] : memref<327680xi32, #tpu.memory_space<hbm>> -> memref<256xi32, #tpu.memory_space<hbm>>
      tpu.enqueue_dma source(%dma_start3A_256 : memref<256xi32, #tpu.memory_space<hbm>>) target(%arg8 : memref<256xi32, #tpu.memory_space<vmem>>) target_semaphore(%arg19 : memref<!tpu.dma_semaphore, #tpu.memory_space<semaphore_mem>>)
      %dma_start3A_257 = tpu.memref_slice %arg3[%add3A_254] : memref<327680xi32, #tpu.memory_space<hbm>> -> memref<256xi32, #tpu.memory_space<hbm>>
      %dma_start3A_258 = tpu.memref_slice %arg3[%add3A_254] : memref<327680xi32, #tpu.memory_space<hbm>> -> memref<256xi32, #tpu.memory_space<hbm>>
      tpu.enqueue_dma source(%dma_start3A_258 : memref<256xi32, #tpu.memory_space<hbm>>) target(%arg12 : memref<256xi32, #tpu.memory_space<vmem>>) target_semaphore(%arg19 : memref<!tpu.dma_semaphore, #tpu.memory_space<semaphore_mem>>)
      %dma_start3A_259 = arith.constant 0 : i32
      %dma_start3A_260 = tpu.memref_slice %arg16[%dma_start3A_259] : memref<10240xf32, #tpu.memory_space<vmem_shared>> -> memref<10240xf32, #tpu.memory_space<vmem_shared>>
      tpu.enqueue_indirect_dma source(%arg15 : memref<256xf32, #tpu.memory_space<vmem>>) target(%dma_start3A_260 : memref<10240xf32, #tpu.memory_space<vmem_shared>>) offsets(%arg10 : memref<256xi32, #tpu.memory_space<vmem>>) semaphore(%arg22 : memref<!tpu.dma_semaphore, #tpu.memory_space<semaphore_mem>>) {add = true}
      "tpu.region"() ({
        %run_scoped3A = tpu.sem_alloc : memref<!tpu.dma_semaphore, #tpu.memory_space<semaphore_mem>>
        %dma_start3A_265 = arith.constant 0 : i32
        %dma_start3A_266 = tpu.memref_slice %arg17[%dma_start3A_265] : memref<10240xf32, #tpu.memory_space<vmem_shared>> -> memref<10240xf32, #tpu.memory_space<vmem_shared>>
        tpu.enqueue_indirect_dma source(%arg15 : memref<256xf32, #tpu.memory_space<vmem>>) target(%dma_start3A_266 : memref<10240xf32, #tpu.memory_space<vmem_shared>>) offsets(%arg14 : memref<256xi32, #tpu.memory_space<vmem>>) semaphore(%run_scoped3A : memref<!tpu.dma_semaphore, #tpu.memory_space<semaphore_mem>>) {add = true}
        %dma_wait3A_267 = arith.constant 0 : i32
        %dma_wait3A_268 = tpu.memref_slice %arg17[%dma_wait3A_267] : memref<10240xf32, #tpu.memory_space<vmem_shared>> -> memref<10240xf32, #tpu.memory_space<vmem_shared>>
        tpu.wait_indirect_dma semaphore(%run_scoped3A : memref<!tpu.dma_semaphore, #tpu.memory_space<semaphore_mem>>) src(%arg15 : memref<256xf32, #tpu.memory_space<vmem>>) dst(%dma_wait3A_268 : memref<10240xf32, #tpu.memory_space<vmem_shared>>)
        tpu.yield
      }) : () -> ()
      %dma_wait3A_261 = arith.constant 0 : i32
      %dma_wait3A_262 = tpu.memref_slice %arg4[%dma_wait3A_261] : memref<10240xf32, #tpu.memory_space<hbm>> -> memref<256xf32, #tpu.memory_space<hbm>>
      %dma_wait3A_263 = arith.constant 0 : i32
      %dma_wait3A_264 = tpu.memref_slice %arg4[%dma_wait3A_263] : memref<10240xf32, #tpu.memory_space<hbm>> -> memref<256xf32, #tpu.memory_space<hbm>>
      tpu.wait_dma2 semaphore(%arg22 : memref<!tpu.dma_semaphore, #tpu.memory_space<semaphore_mem>>) src(%dma_wait3A_264 : memref<256xf32, #tpu.memory_space<hbm>>) dst(%arg15 : memref<256xf32, #tpu.memory_space<vmem>>)
    }
    %scan3A_123 = arith.constant 10 : i32
    %dma_wait3A = arith.constant 0 : i32
    %dma_wait3A_124 = tpu.memref_slice %arg2[%dma_wait3A] : memref<327680xi32, #tpu.memory_space<hbm>> -> memref<256xi32, #tpu.memory_space<hbm>>
    %dma_wait3A_125 = arith.constant 0 : i32
    %dma_wait3A_126 = tpu.memref_slice %arg2[%dma_wait3A_125] : memref<327680xi32, #tpu.memory_space<hbm>> -> memref<256xi32, #tpu.memory_space<hbm>>
    tpu.wait_dma2 semaphore(%arg18 : memref<!tpu.dma_semaphore, #tpu.memory_space<semaphore_mem>>) src(%dma_wait3A_126 : memref<256xi32, #tpu.memory_space<hbm>>) dst(%arg7 : memref<256xi32, #tpu.memory_space<vmem>>)
    %dma_wait3A_127 = arith.constant 0 : i32
    %dma_wait3A_128 = tpu.memref_slice %arg3[%dma_wait3A_127] : memref<327680xi32, #tpu.memory_space<hbm>> -> memref<256xi32, #tpu.memory_space<hbm>>
    %dma_wait3A_129 = arith.constant 0 : i32
    %dma_wait3A_130 = tpu.memref_slice %arg3[%dma_wait3A_129] : memref<327680xi32, #tpu.memory_space<hbm>> -> memref<256xi32, #tpu.memory_space<hbm>>
    tpu.wait_dma2 semaphore(%arg18 : memref<!tpu.dma_semaphore, #tpu.memory_space<semaphore_mem>>) src(%dma_wait3A_130 : memref<256xi32, #tpu.memory_space<hbm>>) dst(%arg11 : memref<256xi32, #tpu.memory_space<vmem>>)
    %dma_wait3A_131 = arith.constant 0 : i32
    %dma_wait3A_132 = tpu.memref_slice %arg2[%dma_wait3A_131] : memref<327680xi32, #tpu.memory_space<hbm>> -> memref<256xi32, #tpu.memory_space<hbm>>
    %dma_wait3A_133 = arith.constant 0 : i32
    %dma_wait3A_134 = tpu.memref_slice %arg2[%dma_wait3A_133] : memref<327680xi32, #tpu.memory_space<hbm>> -> memref<256xi32, #tpu.memory_space<hbm>>
    tpu.wait_dma2 semaphore(%arg19 : memref<!tpu.dma_semaphore, #tpu.memory_space<semaphore_mem>>) src(%dma_wait3A_134 : memref<256xi32, #tpu.memory_space<hbm>>) dst(%arg8 : memref<256xi32, #tpu.memory_space<vmem>>)
    %dma_wait3A_135 = arith.constant 0 : i32
    %dma_wait3A_136 = tpu.memref_slice %arg3[%dma_wait3A_135] : memref<327680xi32, #tpu.memory_space<hbm>> -> memref<256xi32, #tpu.memory_space<hbm>>
    %dma_wait3A_137 = arith.constant 0 : i32
    %dma_wait3A_138 = tpu.memref_slice %arg3[%dma_wait3A_137] : memref<327680xi32, #tpu.memory_space<hbm>> -> memref<256xi32, #tpu.memory_space<hbm>>
    tpu.wait_dma2 semaphore(%arg19 : memref<!tpu.dma_semaphore, #tpu.memory_space<semaphore_mem>>) src(%dma_wait3A_138 : memref<256xi32, #tpu.memory_space<hbm>>) dst(%arg12 : memref<256xi32, #tpu.memory_space<vmem>>)
    %barrier3A_139 = arith.constant 0 : index
    tpu.barrier barrier_id(%barrier3A_139)
    "tpu.region"() ({
      %run_scoped3A = tpu.sem_alloc : memref<!tpu.dma_semaphore, #tpu.memory_space<semaphore_mem>>
      %dma_start3A_140 = tpu.memref_slice %arg5[%arg0, %mul3A_2] : memref<2x10240xf32, #tpu.memory_space<hbm>> -> memref<1x640xf32, #tpu.memory_space<hbm>>
      %dma_start3A_141 = tpu.memref_squeeze %dma_start3A_140 : memref<1x640xf32, #tpu.memory_space<hbm>> -> memref<640xf32, #tpu.memory_space<hbm>>
      %dma_start3A_142 = tpu.memref_slice %arg16[%mul3A_2] : memref<10240xf32, #tpu.memory_space<vmem_shared>> -> memref<640xf32, #tpu.memory_space<vmem_shared>>
      tpu.enqueue_dma source(%dma_start3A_142 : memref<640xf32, #tpu.memory_space<vmem_shared>>) target(%dma_start3A_141 : memref<640xf32, #tpu.memory_space<hbm>>) target_semaphore(%run_scoped3A : memref<!tpu.dma_semaphore, #tpu.memory_space<semaphore_mem>>)
      %dma_wait3A_143 = tpu.memref_slice %arg5[%arg0, %mul3A_2] : memref<2x10240xf32, #tpu.memory_space<hbm>> -> memref<1x640xf32, #tpu.memory_space<hbm>>
      %dma_wait3A_144 = tpu.memref_squeeze %dma_wait3A_143 : memref<1x640xf32, #tpu.memory_space<hbm>> -> memref<640xf32, #tpu.memory_space<hbm>>
      %dma_wait3A_145 = tpu.memref_slice %arg16[%mul3A_2] : memref<10240xf32, #tpu.memory_space<vmem_shared>> -> memref<640xf32, #tpu.memory_space<vmem_shared>>
      tpu.wait_dma2 semaphore(%run_scoped3A : memref<!tpu.dma_semaphore, #tpu.memory_space<semaphore_mem>>) src(%dma_wait3A_145 : memref<640xf32, #tpu.memory_space<vmem_shared>>) dst(%dma_wait3A_144 : memref<640xf32, #tpu.memory_space<hbm>>)
      tpu.yield
    }) : () -> ()
    "tpu.region"() ({
      %run_scoped3A = tpu.sem_alloc : memref<!tpu.dma_semaphore, #tpu.memory_space<semaphore_mem>>
      %dma_start3A_140 = tpu.memref_slice %arg6[%arg0, %mul3A_2] : memref<2x10240xf32, #tpu.memory_space<hbm>> -> memref<1x640xf32, #tpu.memory_space<hbm>>
      %dma_start3A_141 = tpu.memref_squeeze %dma_start3A_140 : memref<1x640xf32, #tpu.memory_space<hbm>> -> memref<640xf32, #tpu.memory_space<hbm>>
      %dma_start3A_142 = tpu.memref_slice %arg17[%mul3A_2] : memref<10240xf32, #tpu.memory_space<vmem_shared>> -> memref<640xf32, #tpu.memory_space<vmem_shared>>
      tpu.enqueue_dma source(%dma_start3A_142 : memref<640xf32, #tpu.memory_space<vmem_shared>>) target(%dma_start3A_141 : memref<640xf32, #tpu.memory_space<hbm>>) target_semaphore(%run_scoped3A : memref<!tpu.dma_semaphore, #tpu.memory_space<semaphore_mem>>)
      %dma_wait3A_143 = tpu.memref_slice %arg6[%arg0, %mul3A_2] : memref<2x10240xf32, #tpu.memory_space<hbm>> -> memref<1x640xf32, #tpu.memory_space<hbm>>
      %dma_wait3A_144 = tpu.memref_squeeze %dma_wait3A_143 : memref<1x640xf32, #tpu.memory_space<hbm>> -> memref<640xf32, #tpu.memory_space<hbm>>
      %dma_wait3A_145 = tpu.memref_slice %arg17[%mul3A_2] : memref<10240xf32, #tpu.memory_space<vmem_shared>> -> memref<640xf32, #tpu.memory_space<vmem_shared>>
      tpu.wait_dma2 semaphore(%run_scoped3A : memref<!tpu.dma_semaphore, #tpu.memory_space<semaphore_mem>>) src(%dma_wait3A_145 : memref<640xf32, #tpu.memory_space<vmem_shared>>) dst(%dma_wait3A_144 : memref<640xf32, #tpu.memory_space<hbm>>)
      tpu.yield
    }) : () -> ()
    return
  }
}

module attributes {stable_mosaic.version = 14 : i64} {
  func.func @_xw_body(%arg0: i32, %arg1: memref<2048x128xf32, #tpu.memory_space<vmem>>, %arg2: memref<128x128xf32, #tpu.memory_space<vmem>>, %arg3: memref<2048x128xf32, #tpu.memory_space<vmem>>) attributes {dimension_semantics = [#tpu.dimension_semantics<arbitrary>], iteration_bounds = array<i64: 5>, scalar_prefetch = 0 : i64, scratch_operands = 0 : i64, tpu.core_type = #tpu.core_type<tc>, window_params = [{transform_indices = @transform_0, window_bounds = array<i64: 2048, 128>}, {pipeline_mode = #tpu.pipeline_mode<synchronous>, transform_indices = @transform_1, window_bounds = array<i64: 128, 128>}, {transform_indices = @transform_2, window_bounds = array<i64: 2048, 128>}]} {
    %get3A = arith.constant 0 : index
    %get3A_0 = arith.constant 0 : index
    %get3A_1 = vector.load %arg1[%get3A, %get3A_0] : memref<2048x128xf32, #tpu.memory_space<vmem>>, vector<2048x128xf32>
    %get3A_2 = arith.constant 0 : index
    %get3A_3 = arith.constant 0 : index
    %get3A_4 = vector.load %arg2[%get3A_2, %get3A_3] : memref<128x128xf32, #tpu.memory_space<vmem>>, vector<128x128xf32>
    %dot_general3A = arith.constant dense<0.000000e+00> : vector<2048x128xf32>
    %dot_general3A_5 = tpu.matmul %get3A_1, %get3A_4, %dot_general3A {dimension_numbers = #tpu.dot_dimension_numbers<[1], [0], [0], [1], [0, 0, 1, 1], [], []>, transpose_lhs_hint = false} : vector<2048x128xf32>, vector<128x128xf32>, vector<2048x128xf32> -> vector<2048x128xf32>
    %swap3A = arith.constant 0 : index
    %swap3A_6 = arith.constant 0 : index
    %swap3A_7 = vector.load %arg3[%swap3A, %swap3A_6] : memref<2048x128xf32, #tpu.memory_space<vmem>>, vector<2048x128xf32>
    tpu.vector_store %arg3[%swap3A, %swap3A_6], %dot_general3A_5 {strides = array<i32>} : memref<2048x128xf32, #tpu.memory_space<vmem>>, vector<2048x128xf32>,
    return
  }
  func.func @transform_0(%arg0: i32) -> (i32, i32) {
    %c0_i32 = arith.constant 0 : i32
    %c0_i32_0 = arith.constant 0 : i32
    return %arg0, %c0_i32 : i32, i32
  }
  func.func @transform_1(%arg0: i32) -> (i32, i32) {
    %c0_i32 = arith.constant 0 : i32
    %c0_i32_0 = arith.constant 0 : i32
    %c0_i32_1 = arith.constant 0 : i32
    return %c0_i32, %c0_i32_0 : i32, i32
  }
  func.func @transform_2(%arg0: i32) -> (i32, i32) {
    %c0_i32 = arith.constant 0 : i32
    %c0_i32_0 = arith.constant 0 : i32
    return %arg0, %c0_i32 : i32, i32
  }
}

module attributes {stable_mosaic.version = 14 : i64} {
  func.func @_layer1_body(%arg0: i32, %arg1: memref<2x2048xf32, #tpu.memory_space<vmem>>, %arg2: memref<2x2048xf32, #tpu.memory_space<vmem>>, %arg3: memref<2048x128xf32, #tpu.memory_space<vmem>>, %arg4: memref<2048xf32, #tpu.memory_space<vmem>>, %arg5: memref<2048xf32, #tpu.memory_space<vmem>>, %arg6: memref<2048x128xbf16, #tpu.memory_space<vmem>>) attributes {dimension_semantics = [#tpu.dimension_semantics<arbitrary>], iteration_bounds = array<i64: 5>, scalar_prefetch = 0 : i64, scratch_operands = 0 : i64, tpu.core_type = #tpu.core_type<tc>, window_params = [{transform_indices = @transform_0, window_bounds = array<i64: 2, 2048>}, {transform_indices = @transform_1, window_bounds = array<i64: 2, 2048>}, {transform_indices = @transform_2, window_bounds = array<i64: 2048, 128>}, {transform_indices = @transform_3, window_bounds = array<i64: 2048>}, {transform_indices = @transform_4, window_bounds = array<i64: 2048>}, {transform_indices = @transform_5, window_bounds = array<i64: 2048, 128>}]} {
    %get3A = arith.constant 0 : index
    %get3A_0 = arith.constant 0 : index
    %get3A_1 = vector.load %arg1[%get3A, %get3A_0] : memref<2x2048xf32, #tpu.memory_space<vmem>>, vector<1x2048xf32>
    %get3A_2 = vector.shape_cast %get3A_1 : vector<1x2048xf32> to vector<2048xf32>
    %get3A_3 = arith.constant 1 : index
    %get3A_4 = arith.constant 0 : index
    %get3A_5 = vector.load %arg1[%get3A_3, %get3A_4] : memref<2x2048xf32, #tpu.memory_space<vmem>>, vector<1x2048xf32>
    %get3A_6 = vector.shape_cast %get3A_5 : vector<1x2048xf32> to vector<2048xf32>
    %add3A = arith.addf %get3A_2, %get3A_6 : vector<2048xf32>
    %max3A = arith.constant 1.000000e+00 : f32
    %max3A_7 = vector.broadcast %max3A : f32 to vector<2048xf32>
    %max3A_8 = arith.maximumf %add3A, %max3A_7 : vector<2048xf32>
    %get3A_9 = arith.constant 0 : index
    %get3A_10 = arith.constant 0 : index
    %get3A_11 = vector.load %arg2[%get3A_9, %get3A_10] : memref<2x2048xf32, #tpu.memory_space<vmem>>, vector<1x2048xf32>
    %get3A_12 = vector.shape_cast %get3A_11 : vector<1x2048xf32> to vector<2048xf32>
    %get3A_13 = arith.constant 1 : index
    %get3A_14 = arith.constant 0 : index
    %get3A_15 = vector.load %arg2[%get3A_13, %get3A_14] : memref<2x2048xf32, #tpu.memory_space<vmem>>, vector<1x2048xf32>
    %get3A_16 = vector.shape_cast %get3A_15 : vector<1x2048xf32> to vector<2048xf32>
    %add3A_17 = arith.addf %get3A_12, %get3A_16 : vector<2048xf32>
    %max3A_18 = arith.constant 1.000000e+00 : f32
    %max3A_19 = vector.broadcast %max3A_18 : f32 to vector<2048xf32>
    %max3A_20 = arith.maximumf %add3A_17, %max3A_19 : vector<2048xf32>
    %rsqrt3A = math.rsqrt %max3A_8 : vector<2048xf32>
    %rsqrt3A_21 = math.rsqrt %max3A_20 : vector<2048xf32>
    %swap3A = arith.constant 0 : index
    %swap3A_22 = vector.load %arg4[%swap3A] : memref<2048xf32, #tpu.memory_space<vmem>>, vector<2048xf32>
    tpu.vector_store %arg4[%swap3A], %rsqrt3A {strides = array<i32>} : memref<2048xf32, #tpu.memory_space<vmem>>, vector<2048xf32>,
    %swap3A_23 = arith.constant 0 : index
    %swap3A_24 = vector.load %arg5[%swap3A_23] : memref<2048xf32, #tpu.memory_space<vmem>>, vector<2048xf32>
    tpu.vector_store %arg5[%swap3A_23], %rsqrt3A_21 {strides = array<i32>} : memref<2048xf32, #tpu.memory_space<vmem>>, vector<2048xf32>,
    %get3A_25 = arith.constant 0 : index
    %get3A_26 = arith.constant 0 : index
    %get3A_27 = vector.load %arg3[%get3A_25, %get3A_26] : memref<2048x128xf32, #tpu.memory_space<vmem>>, vector<2048x128xf32>
    %broadcast_in_dim3A = vector.shape_cast %rsqrt3A : vector<2048xf32> to vector<2048x1xf32>
    %mul3A = vector.broadcast %broadcast_in_dim3A : vector<2048x1xf32> to vector<2048x128xf32>
    %mul3A_28 = arith.mulf %get3A_27, %mul3A : vector<2048x128xf32>
    %convert_element_type3A = arith.truncf %mul3A_28 : vector<2048x128xf32> to vector<2048x128xbf16>
    %swap3A_29 = arith.constant 0 : index
    %swap3A_30 = arith.constant 0 : index
    %swap3A_31 = vector.load %arg6[%swap3A_29, %swap3A_30] : memref<2048x128xbf16, #tpu.memory_space<vmem>>, vector<2048x128xbf16>
    tpu.vector_store %arg6[%swap3A_29, %swap3A_30], %convert_element_type3A {strides = array<i32>} : memref<2048x128xbf16, #tpu.memory_space<vmem>>, vector<2048x128xbf16>,
    return
  }
  func.func @transform_0(%arg0: i32) -> (i32, i32) {
    %c0_i32 = arith.constant 0 : i32
    %c0_i32_0 = arith.constant 0 : i32
    return %c0_i32, %arg0 : i32, i32
  }
  func.func @transform_1(%arg0: i32) -> (i32, i32) {
    %c0_i32 = arith.constant 0 : i32
    %c0_i32_0 = arith.constant 0 : i32
    return %c0_i32, %arg0 : i32, i32
  }
  func.func @transform_2(%arg0: i32) -> (i32, i32) {
    %c0_i32 = arith.constant 0 : i32
    %c0_i32_0 = arith.constant 0 : i32
    return %arg0, %c0_i32 : i32, i32
  }
  func.func @transform_3(%arg0: i32) -> i32 {
    %c0_i32 = arith.constant 0 : i32
    return %arg0 : i32
  }
  func.func @transform_4(%arg0: i32) -> i32 {
    %c0_i32 = arith.constant 0 : i32
    return %arg0 : i32
  }
  func.func @transform_5(%arg0: i32) -> (i32, i32) {
    %c0_i32 = arith.constant 0 : i32
    %c0_i32_0 = arith.constant 0 : i32
    return %arg0, %c0_i32 : i32, i32
  }
}

module attributes {stable_mosaic.version = 14 : i64} {
  func.func @_layer2_body(%arg0: i32, %arg1: memref<2x2048x128xbf16, #tpu.memory_space<vmem>>, %arg2: memref<2048xf32, #tpu.memory_space<vmem>>, %arg3: memref<2048xf32, #tpu.memory_space<vmem>>, %arg4: memref<128xf32, #tpu.memory_space<vmem>>, %arg5: memref<128x64xf32, #tpu.memory_space<vmem>>, %arg6: memref<2048x64xbf16, #tpu.memory_space<vmem>>) attributes {dimension_semantics = [#tpu.dimension_semantics<arbitrary>], iteration_bounds = array<i64: 5>, scalar_prefetch = 0 : i64, scratch_operands = 0 : i64, tpu.core_type = #tpu.core_type<tc>, window_params = [{transform_indices = @transform_0, window_bounds = array<i64: 2, 2048, 128>}, {transform_indices = @transform_1, window_bounds = array<i64: 2048>}, {transform_indices = @transform_2, window_bounds = array<i64: 2048>}, {pipeline_mode = #tpu.pipeline_mode<synchronous>, transform_indices = @transform_3, window_bounds = array<i64: 128>}, {pipeline_mode = #tpu.pipeline_mode<synchronous>, transform_indices = @transform_4, window_bounds = array<i64: 128, 64>}, {transform_indices = @transform_5, window_bounds = array<i64: 2048, 64>}]} {
    %get3A = arith.constant 0 : index
    %get3A_0 = arith.constant 0 : index
    %get3A_1 = arith.constant 0 : index
    %get3A_2 = vector.load %arg1[%get3A, %get3A_0, %get3A_1] : memref<2x2048x128xbf16, #tpu.memory_space<vmem>>, vector<1x2048x128xbf16>
    %get3A_3 = vector.shape_cast %get3A_2 : vector<1x2048x128xbf16> to vector<2048x128xbf16>
    %convert_element_type3A = arith.extf %get3A_3 : vector<2048x128xbf16> to vector<2048x128xf32>
    %get3A_4 = arith.constant 1 : index
    %get3A_5 = arith.constant 0 : index
    %get3A_6 = arith.constant 0 : index
    %get3A_7 = vector.load %arg1[%get3A_4, %get3A_5, %get3A_6] : memref<2x2048x128xbf16, #tpu.memory_space<vmem>>, vector<1x2048x128xbf16>
    %get3A_8 = vector.shape_cast %get3A_7 : vector<1x2048x128xbf16> to vector<2048x128xbf16>
    %convert_element_type3A_9 = arith.extf %get3A_8 : vector<2048x128xbf16> to vector<2048x128xf32>
    %add3A = arith.addf %convert_element_type3A, %convert_element_type3A_9 : vector<2048x128xf32>
    %get3A_10 = arith.constant 0 : index
    %get3A_11 = vector.load %arg2[%get3A_10] : memref<2048xf32, #tpu.memory_space<vmem>>, vector<2048xf32>
    %broadcast_in_dim3A = vector.shape_cast %get3A_11 : vector<2048xf32> to vector<2048x1xf32>
    %mul3A = vector.broadcast %broadcast_in_dim3A : vector<2048x1xf32> to vector<2048x128xf32>
    %mul3A_12 = arith.mulf %add3A, %mul3A : vector<2048x128xf32>
    %get3A_13 = arith.constant 0 : index
    %get3A_14 = vector.load %arg4[%get3A_13] : memref<128xf32, #tpu.memory_space<vmem>>, vector<128xf32>
    %broadcast_in_dim3A_15 = vector.shape_cast %get3A_14 : vector<128xf32> to vector<1x128xf32>
    %add3A_16 = vector.broadcast %broadcast_in_dim3A_15 : vector<1x128xf32> to vector<2048x128xf32>
    %add3A_17 = arith.addf %mul3A_12, %add3A_16 : vector<2048x128xf32>
    %max3A = arith.constant 0.000000e+00 : f32
    %max3A_18 = vector.broadcast %max3A : f32 to vector<2048x128xf32>
    %max3A_19 = arith.maximumf %add3A_17, %max3A_18 : vector<2048x128xf32>
    %get3A_20 = arith.constant 0 : index
    %get3A_21 = vector.load %arg3[%get3A_20] : memref<2048xf32, #tpu.memory_space<vmem>>, vector<2048xf32>
    %broadcast_in_dim3A_22 = vector.shape_cast %get3A_21 : vector<2048xf32> to vector<2048x1xf32>
    %mul3A_23 = vector.broadcast %broadcast_in_dim3A_22 : vector<2048x1xf32> to vector<2048x128xf32>
    %mul3A_24 = arith.mulf %max3A_19, %mul3A_23 : vector<2048x128xf32>
    %get3A_25 = arith.constant 0 : index
    %get3A_26 = arith.constant 0 : index
    %get3A_27 = vector.load %arg5[%get3A_25, %get3A_26] : memref<128x64xf32, #tpu.memory_space<vmem>>, vector<128x64xf32>
    %dot_general3A = arith.constant dense<0.000000e+00> : vector<2048x64xf32>
    %dot_general3A_28 = tpu.matmul %mul3A_24, %get3A_27, %dot_general3A {dimension_numbers = #tpu.dot_dimension_numbers<[1], [0], [0], [1], [0, 0, 1, 1], [], []>, transpose_lhs_hint = false} : vector<2048x128xf32>, vector<128x64xf32>, vector<2048x64xf32> -> vector<2048x64xf32>
    %convert_element_type3A_29 = arith.truncf %dot_general3A_28 : vector<2048x64xf32> to vector<2048x64xbf16>
    %swap3A = arith.constant 0 : index
    %swap3A_30 = arith.constant 0 : index
    %swap3A_31 = vector.load %arg6[%swap3A, %swap3A_30] : memref<2048x64xbf16, #tpu.memory_space<vmem>>, vector<2048x64xbf16>
    tpu.vector_store %arg6[%swap3A, %swap3A_30], %convert_element_type3A_29 {strides = array<i32>} : memref<2048x64xbf16, #tpu.memory_space<vmem>>, vector<2048x64xbf16>,
    return
  }
  func.func @transform_0(%arg0: i32) -> (i32, i32, i32) {
    %c0_i32 = arith.constant 0 : i32
    %c0_i32_0 = arith.constant 0 : i32
    %c0_i32_1 = arith.constant 0 : i32
    return %c0_i32, %arg0, %c0_i32_0 : i32, i32, i32
  }
  func.func @transform_1(%arg0: i32) -> i32 {
    %c0_i32 = arith.constant 0 : i32
    return %arg0 : i32
  }
  func.func @transform_2(%arg0: i32) -> i32 {
    %c0_i32 = arith.constant 0 : i32
    return %arg0 : i32
  }
  func.func @transform_3(%arg0: i32) -> i32 {
    %c0_i32 = arith.constant 0 : i32
    %c0_i32_0 = arith.constant 0 : i32
    return %c0_i32 : i32
  }
  func.func @transform_4(%arg0: i32) -> (i32, i32) {
    %c0_i32 = arith.constant 0 : i32
    %c0_i32_0 = arith.constant 0 : i32
    %c0_i32_1 = arith.constant 0 : i32
    return %c0_i32, %c0_i32_0 : i32, i32
  }
  func.func @transform_5(%arg0: i32) -> (i32, i32) {
    %c0_i32 = arith.constant 0 : i32
    %c0_i32_0 = arith.constant 0 : i32
    return %arg0, %c0_i32 : i32, i32
  }
}

module attributes {stable_mosaic.version = 14 : i64} {
  func.func @_final_body(%arg0: i32, %arg1: memref<2x2048x64xbf16, #tpu.memory_space<vmem>>, %arg2: memref<2048xf32, #tpu.memory_space<vmem>>, %arg3: memref<64xf32, #tpu.memory_space<vmem>>, %arg4: memref<2048x64xf32, #tpu.memory_space<vmem>>) attributes {dimension_semantics = [#tpu.dimension_semantics<arbitrary>], iteration_bounds = array<i64: 5>, scalar_prefetch = 0 : i64, scratch_operands = 0 : i64, tpu.core_type = #tpu.core_type<tc>, window_params = [{transform_indices = @transform_0, window_bounds = array<i64: 2, 2048, 64>}, {transform_indices = @transform_1, window_bounds = array<i64: 2048>}, {pipeline_mode = #tpu.pipeline_mode<synchronous>, transform_indices = @transform_2, window_bounds = array<i64: 64>}, {transform_indices = @transform_3, window_bounds = array<i64: 2048, 64>}]} {
    %get3A = arith.constant 0 : index
    %get3A_0 = arith.constant 0 : index
    %get3A_1 = arith.constant 0 : index
    %get3A_2 = vector.load %arg1[%get3A, %get3A_0, %get3A_1] : memref<2x2048x64xbf16, #tpu.memory_space<vmem>>, vector<1x2048x64xbf16>
    %get3A_3 = vector.shape_cast %get3A_2 : vector<1x2048x64xbf16> to vector<2048x64xbf16>
    %convert_element_type3A = arith.extf %get3A_3 : vector<2048x64xbf16> to vector<2048x64xf32>
    %get3A_4 = arith.constant 1 : index
    %get3A_5 = arith.constant 0 : index
    %get3A_6 = arith.constant 0 : index
    %get3A_7 = vector.load %arg1[%get3A_4, %get3A_5, %get3A_6] : memref<2x2048x64xbf16, #tpu.memory_space<vmem>>, vector<1x2048x64xbf16>
    %get3A_8 = vector.shape_cast %get3A_7 : vector<1x2048x64xbf16> to vector<2048x64xbf16>
    %convert_element_type3A_9 = arith.extf %get3A_8 : vector<2048x64xbf16> to vector<2048x64xf32>
    %add3A = arith.addf %convert_element_type3A, %convert_element_type3A_9 : vector<2048x64xf32>
    %get3A_10 = arith.constant 0 : index
    %get3A_11 = vector.load %arg2[%get3A_10] : memref<2048xf32, #tpu.memory_space<vmem>>, vector<2048xf32>
    %broadcast_in_dim3A = vector.shape_cast %get3A_11 : vector<2048xf32> to vector<2048x1xf32>
    %mul3A = vector.broadcast %broadcast_in_dim3A : vector<2048x1xf32> to vector<2048x64xf32>
    %mul3A_12 = arith.mulf %add3A, %mul3A : vector<2048x64xf32>
    %get3A_13 = arith.constant 0 : index
    %get3A_14 = vector.load %arg3[%get3A_13] : memref<64xf32, #tpu.memory_space<vmem>>, vector<64xf32>
    %broadcast_in_dim3A_15 = vector.shape_cast %get3A_14 : vector<64xf32> to vector<1x64xf32>
    %add3A_16 = vector.broadcast %broadcast_in_dim3A_15 : vector<1x64xf32> to vector<2048x64xf32>
    %add3A_17 = arith.addf %mul3A_12, %add3A_16 : vector<2048x64xf32>
    %swap3A = arith.constant 0 : index
    %swap3A_18 = arith.constant 0 : index
    %swap3A_19 = vector.load %arg4[%swap3A, %swap3A_18] : memref<2048x64xf32, #tpu.memory_space<vmem>>, vector<2048x64xf32>
    tpu.vector_store %arg4[%swap3A, %swap3A_18], %add3A_17 {strides = array<i32>} : memref<2048x64xf32, #tpu.memory_space<vmem>>, vector<2048x64xf32>,
    return
  }
  func.func @transform_0(%arg0: i32) -> (i32, i32, i32) {
    %c0_i32 = arith.constant 0 : i32
    %c0_i32_0 = arith.constant 0 : i32
    %c0_i32_1 = arith.constant 0 : i32
    return %c0_i32, %arg0, %c0_i32_0 : i32, i32, i32
  }
  func.func @transform_1(%arg0: i32) -> i32 {
    %c0_i32 = arith.constant 0 : i32
    return %arg0 : i32
  }
  func.func @transform_2(%arg0: i32) -> i32 {
    %c0_i32 = arith.constant 0 : i32
    %c0_i32_0 = arith.constant 0 : i32
    return %c0_i32 : i32
  }
  func.func @transform_3(%arg0: i32) -> (i32, i32) {
    %c0_i32 = arith.constant 0 : i32
    %c0_i32_0 = arith.constant 0 : i32
    return %arg0, %c0_i32 : i32, i32
  }
}

</mosaic_0001>

<sc_bundles>
// kernel: kernel.12.cloned.1.call-start
scs
__scs_entry_jumppad:
0x0: {  	(pc) =	sbr.rel $0x88, $3  }
0x1: {  	(tag) =	ssettag $0x0;
	lr =	simm.s32 $0x1  }
0x2: {  	[smem:$0x3F9B] =	sst lr;
	_ =	strace $0xD0000000  }
0x3: {  	_ = 	snop  }
0x4: {  	_ = 	snop  }
0x5: {  	_ = 	snop  }
0x6: {  	_ = 	snop  }
0x7: {  	_ = 	snop  }
__scs_overlays_trampoline_lowered:
0x8: {  	[smem:$0x3FAA] =	sst s0  }
0x9: {  	[smem:$0x3FAB] =	sst s1  }
0xa: {  	[smem:$0x3FAC] =	sst s2  }
0xb: {  	[smem:$0x3FAD] =	sst s3  }
0xc: {  	[smem:$0x3FAE] =	sst s4  }
0xd: {  	[smem:$0x3FAF] =	sst s5  }
0xe: {  	[smem:$0x3FB0] =	sst s6  }
0xf: {  	[smem:$0x3FB1] =	sst s7  }
0x10: {  	[smem:$0x3FB2] =	sst s8  }
0x11: {  	[smem:$0x3FB3] =	sst s9;
	s0 =	simm.s32 @!p0 $0x0  }
0x12: {  	s1 =	sld [smem:$0x3F99];
	s0 =	simm.s32 @p0 $0x1  }
0x13: {  	[smem:$0x3FB4] =	sst s0;
	s0 =	simm.s32 @!p1 $0x0  }
0x14: {  	s2 =	sld [smem:$0x3F98];
	s0 =	simm.s32 @p1 $0x1  }
0x15: {  	[smem:$0x3FB5] =	sst s0;
	s0 =	simm.s32 @!p2 $0x0  }
0x16: {  	s3 =	sld [smem:$0x3FDB];
	s0 =	simm.s32 @p2 $0x1  }
0x17: {  	s4 =	simm.s32 $0x1BF5;
	[smem:$0x3FB7] =	sst s0  }
0x18: {  	s0 =	sld [smem:$0x3F9A];
	_ =	swait.ge [sflag:s4], $0x0  }
0x19: {  	s7 =	sld [smem:$0x3F9B]  }
0x1a: {  	s8 =	sadd.s32 $0xFFFFE003, lr  }
0x1b: {  	s9 =	sadd.s32 $0xFFFFFEF7, lr;
	s5 =	simm.s32 $0xFFFFFFFF;
	p2 =	slt.u32 s8, $0xFFFFF086  }
0x1c: {  	p1 =	slt.u32 s9, $0xF7A;
	s5 =	simm.s32 @!p2 $0x0  }
0x1d: {  	s5 =	simm.s32 @p1 $0x1;
	p0 =	seq.s32 s7, s2  }
0x1e: {  	s7 =	smul.u32 @!p0 $0xF7A, s2;
	p2 =	seq.s32 @!p0 s5, $0x0  }
0x1f: {  	s9 =	smul.u32 $0xF7A, s1;
	s8 =	simm.s32 @!p0 $0x1BF5;
	p2 =	por !p2, p0  }
0x20: {  	[sflag:s8] =	ssyncset.s32 @!p0 $0xFFFFF086;
	s6 =	sadd.s32 @!p0 s3, s7;
	s7 =	simm.s32 @!p0 $0x108  }
0x21: {  	s3 =	sadd.s32 s3, s9;
	s6 =	sadd.s32 @!p0 $0x88, s6;
	s7 =	simm.s32 @p2 $0x1082  }
0x22: {  	[simem:s7], [sflag:s8] =	dma.local @!p0 [hbm:s6], $0xF7A  }
0x23: {  	s9 =	sor.u32 $0xD0000000, s2;
	s6 =	simm.s32 $0x108;
	_ =	swait.ge @!p0 [sflag:s8], $0x0  }
0x24: {  	s3 =	sadd.s32 $0x88, s3;
	s6 =	simm.s32 @!p1 $0x1082;
	[sflag:s4] =	ssyncset.s32 $0xFFFFF086  }
0x25: {  	[simem:s6], [sflag:s4] =	dma.local [hbm:s3], $0xF7A  }
0x26: {  	[smem:$0x3F9B] =	sst s1;
	(tag) =	ssettag s2;
	_ =	strace s9  }
0x27: {  	s1 =	sld [smem:$0x3FAB]  }
0x28: {  	s2 =	sld [smem:$0x3FAC]  }
0x29: {  	s4 =	sld [smem:$0x3FAE]  }
0x2a: {  	p0 =	seq.s32 s5, $0x0;
	s5 =	sld [smem:$0x3FAF]  }
0x2b: {  	s6 =	sld [smem:$0x3FB0]  }
0x2c: {  	s7 =	sld [smem:$0x3FB1]  }
0x2d: {  	s3 =	simm.s32 $0x108;
	s8 =	sld [smem:$0x3FB2]  }
0x2e: {  	s3 =	simm.s32 @!p0 $0x1082;
	s9 =	sld [smem:$0x3FB3]  }
0x2f: {  	lr =	sadd.s32 s0, s3;
	s0 =	sld [smem:$0x3FAA]  }
0x30: {  	s3 =	sld [smem:$0x3FAD]  }
0x31: {  	[smem:$0x3FB6] =	sst s10  }
0x32: {  	s10 =	sld [smem:$0x3FB4];
	_ =	sdelay $0x3  }
0x33: {  	p0 =	seq.s32 s10, $0x1;
	s10 =	sld [smem:$0x3FB6];
	_ =	sdelay $0x3  }
0x34: {  	[smem:$0x3FB6] =	sst s10  }
0x35: {  	s10 =	sld [smem:$0x3FB5];
	_ =	sdelay $0x3  }
0x36: {  	p1 =	seq.s32 s10, $0x1;
	s10 =	sld [smem:$0x3FB6];
	_ =	sdelay $0x3  }
0x37: {  	[smem:$0x3FB6] =	sst s10  }
0x38: {  	s10 =	sld [smem:$0x3FB7]  }
0x39: {  	_ = 	snop;
	(pc) =	sbr.ind lr, $3  }
0x3a: {  	_ = 	snop  }
0x3b: {  	_ = 	snop  }
0x3c: {  	p2 =	seq.s32 s10, $0x1;
	s10 =	sld [smem:$0x3FB6]  }
0x3d: {  	_ =	shalt  }
0x3e: {  	_ =	shalt  }
0x3f: {  	_ =	shalt  }
0x40: {  	_ =	shalt  }
0x41: {  	_ =	shalt  }
0x42: {  	_ =	shalt  }
0x43: {  	_ =	shalt  }
0x44: {  	_ =	shalt  }
0x45: {  	_ =	shalt  }
0x46: {  	_ =	shalt  }
0x47: {  	_ =	shalt  }
0x48: {  	_ =	shalt  }
0x49: {  	_ =	shalt  }
0x4a: {  	_ =	shalt  }
0x4b: {  	_ =	shalt  }
0x4c: {  	_ =	shalt  }
0x4d: {  	_ =	shalt  }
0x4e: {  	_ =	shalt  }
0x4f: {  	_ =	shalt  }
0x50: {  	_ =	shalt  }
0x51: {  	_ =	shalt  }
0x52: {  	_ =	shalt  }
0x53: {  	_ =	shalt  }
0x54: {  	_ =	shalt  }
0x55: {  	_ =	shalt  }
0x56: {  	_ =	shalt  }
0x57: {  	_ =	shalt  }
0x58: {  	_ =	shalt  }
0x59: {  	_ =	shalt  }
0x5a: {  	_ =	shalt  }
0x5b: {  	_ =	shalt  }
0x5c: {  	_ =	shalt  }
0x5d: {  	_ =	shalt  }
0x5e: {  	_ =	shalt  }
0x5f: {  	_ =	shalt  }
0x60: {  	_ =	shalt  }
0x61: {  	_ =	shalt  }
0x62: {  	_ =	shalt  }
0x63: {  	_ =	shalt  }
0x64: {  	_ =	shalt  }
0x65: {  	_ =	shalt  }
0x66: {  	_ =	shalt  }
0x67: {  	_ =	shalt  }
0x68: {  	_ =	shalt  }
0x69: {  	_ =	shalt  }
0x6a: {  	_ =	shalt  }
0x6b: {  	_ =	shalt  }
0x6c: {  	_ =	shalt  }
0x6d: {  	_ =	shalt  }
0x6e: {  	_ =	shalt  }
0x6f: {  	_ =	shalt  }
0x70: {  	_ =	shalt  }
0x71: {  	_ =	shalt  }
0x72: {  	_ =	shalt  }
0x73: {  	_ =	shalt  }
0x74: {  	_ =	shalt  }
0x75: {  	_ =	shalt  }
0x76: {  	_ =	shalt  }
0x77: {  	_ =	shalt  }
0x78: {  	_ =	shalt  }
0x79: {  	_ =	shalt  }
0x7a: {  	_ =	shalt  }
0x7b: {  	_ =	shalt  }
0x7c: {  	_ =	shalt  }
0x7d: {  	_ =	shalt  }
0x7e: {  	_ =	shalt  }
0x7f: {  	_ =	shalt  }
0x80: {  	_ =	shalt  }
0x81: {  	_ =	shalt  }
0x82: {  	_ =	shalt  }
0x83: {  	_ =	shalt  }
0x84: {  	_ =	shalt  }
0x85: {  	_ =	shalt  }
0x86: {  	_ =	shalt  }
0x87: {  	_ =	shalt  }
.Lfunc_end0:
.L_simem_size_0:
called_computation.1_lowered:
.L_overlay_start_0:
0x88: {  	s2 =	sld [smem:$0x3FD9]  }
0x89: {  	s3 =	sld [smem:$0x3FFE];
	_ =	sdelay $0x1  }
0x8a: {  	s1 =	srdreg.scid  }
0x8b: {  	s0 =	sand.u32 $0x1, s1  }
0x8c: {  	s17 =	sshll.u32 s0, $0xA;
	s2 =	sadd.s32 s3, s2  }
0x8d: {  	s2 =	sadd.s32 s2, s17  }
0x8e: {  	[smem:$0x3FC2] =	sst s2  }
0x8f: {  	_ = 	snop  }
0x90: {  	s2 =	sld [smem:$0x3FD0];
	(tm) =	ssettm $0x1  }
0x91: {  	s18 =	sld [smem:$0x3FFB];
	_ =	sdelay $0x3  }
0x92: {  	_ =	strace s18  }
0x93: {  	s3 =	sld [smem:$0x3FFC];
	_ =	sdelay $0x3  }
0x94: {  	_ =	strace s3  }
0x95: {  	s3 =	sld [smem:$0x3FFD];
	_ =	sdelay $0x3  }
0x96: {  	_ =	strace s3  }
0x97: {  	_ =	strace $0x8FFFFFFF  }
0x98: {  	s19 =	sld [smem:$0x3FDB];
	_ =	sdelay $0x1  }
0x99: {  	s4 =	simm.s32 $_scs_section_size  }
0x9a: {  	s5 =	simm.s32 $_size__tile_overlayer_lowered;
	s6 =	simm.s32 $_tile_overlayer_lowered  }
0x9b: {  	s22 =	simm.s32 $0x1BFF;
	s21 =	sshll.u32 s6, $0x1;
	s3 =	sadd.s32 s4, s19  }
0x9c: {  	s7 =	simm.s32 $0x0;
	s20 =	sshll.u32 s5, $0x1;
	s5 =	sadd.s32 s21, s3  }
0x9d: {  	[timem:s7], [sflag:s22] =	dma.local [hbm:s5], s20  }
0x9e: {  	_ =	swait.ge [sflag:s22], s20  }
0x9f: {  	s4 =	ssub.s32 $0x0, s20;
	[sflag:s22] =	ssyncset.done $0x0  }
0xa0: {  	[sflag:s22] =	ssyncadd.s32 s4;
	_ =	sdelay $0x1  }
0xa1: {  	s23 =	simm.s32 $0x1B8B  }
0xa2: {  	_ =	swait.ge [sflag:s23], $0x1  }
0xa3: {  	[sflag:s23] =	ssyncset.done $0x0  }
0xa4: {  	s25 =	simm.s32 $0x1B8E;
	s24 =	sld [smem:$0x3FFE];
	[sflag:s23] =	ssyncadd.s32 $0xFFFFFFFF  }
0xa5: {  	s26 =	simm.s32 $execute0_lowered;
	[smem:$0x3FD2] =	sst s25  }
0xa6: {  	s5 =	sshll.u32 s26, $0x1;
	_ =	strace $0x80000049;
	[dreg:$0x1] =	wrdreg $0xFFFFFFFF  }
0xa7: {  	s28 =	simm.s32 $_size_execute0_lowered;
	s3 =	sadd.s32 s3, s5;
	[dreg:$0x0] =	wrdreg $0x0  }
0xa8: {  	s5 =	sshll.u32 s28, $0x1;
	[dreg:$0x2] =	wrdreg s3  }
0xa9: {  	[dreg:$0x3] =	wrdreg s5  }
0xaa: {  	[dreg:$0x4] =	wrdreg $0xC0  }
0xab: {  	_ =	task [dreg:s7], $0x5FFFF  }
0xac: {  	[dreg:$0x1] =	wrdreg $0xFFFFFFFF  }
0xad: {  	[dreg:$0x0] =	wrdreg $0x60  }
0xae: {  	[dreg:$0x2] =	wrdreg s24  }
0xaf: {  	[dreg:$0x3] =	wrdreg s2  }
0xb0: {  	[dreg:$0x4] =	wrdreg $0x14A000  }
0xb1: {  	[dreg:$0x5] =	wrdreg $0x9  }
0xb2: {  	_ =	task.clear_ibuf [dreg:s7], $0x6FFFF;
	_ =	strace $0x90000049  }
0xb3: {  	s29 =	simm.s32 $0x9;
	_ =	strace $0x8000004B  }
0xb4: {  	_ =	swait.ge [sflag:s29], $0x1  }
0xb5: {  	[sflag:s29] =	ssyncadd.s32 $0xFFFFFFFF  }
0xb6: {  	_ =	strace $0x9000004B  }
0xb7: {  	_ =	sfence  }
0xb8: {  	s30 =	sld [smem:$0x0];
	_ =	sdelay $0x2  }
0xb9: {  	s31 =	sshll.u32 s1, $0xD;
	s1 =	sshrl.u32 s1, $0x2  }
0xba: {  	s3 =	sand.u32 $0x4000, s31;
	s1 =	sadd.s32 s1, s30  }
0xbb: {  	s0 =	sor.u32 s3, s0;
	s1 =	sshll.u32 s1, $0x11  }
0xbc: {  	s0 =	sor.u32 s1, s0  }
0xbd: {  	s0 =	sadd.s32 $0x8F2B, s0  }
0xbe: {  	[sflag:s0] =	ssyncadd.remote.s32 $0x1  }
0xbf: {  	_ =	sfence.sel $0xFFFF  }
0xc0: {  	[dreg:$0x0] =	wrdreg $0xFFFFFFFF;
	(pc) =	sbr.abs _section_cstart, $3  }
0xc1: {  	[dreg:$0x1] =	wrdreg $0xFFFFFFFF  }
0xc2: {  	_ =	task.clear_ibuf [dreg:s7], $0x2FFFF;
	_ =	strace $0x9FFFFFFF  }
0xc3: {  	(tm) =	ssettm $0x7FFFFFFF  }
tec
execute0_lowered:
.L_overlay_start_1:
0x0: {  	(tag) =	ssettag $0x1  }
0x1: {  	s0 =	rddreg [dreg:$0x0]  }
0x2: {  	s11 =	rddreg [dreg:$0x1]  }
0x3: {  	s3 =	rddreg [dreg:$0x2];
	s4 =	simm.s32 $0x0  }
0x4: {  	s12 =	stileid.u32;
	s2 =	srdreg.scid;
	s29 =	simm.s32 $0x140  }
0x5: {  	s31 =	simm.s32 $0x1;
	s28 =	simm.s32 $0xA;
	[smem:$0x7FF] =	sst s4  }
0x6: {  	s1 =	smul.u32 $0x14000, s12;
	s2 =	sand.u32 $0x1, s2;
	s23 =	sadd.s32 $0x2400, s0  }
0x7: {  	s6 =	sadd.s32 $0x21E00, s0;
	s20 =	sshll.u32 s12, $0x6;
	_ =	strace $0x8000004A  }
0x8: {  	s7 =	smul.u32 $0x140000, s2;
	s8 =	sshll.u32 s2, $0x4;
	s9 =	ssub.s32 $0x2, s2  }
0x9: {  	s26 =	sor.u32 $0x1C0D, s20;
	s2 =	smul.u32 $0x28000, s2;
	s5 =	sshrl.u32 s1, $0x4  }
0xa: {  	s8 =	sor.u32 s12, s8;
	s10 =	sshrl.u32 s9, $0x1;
	[dreg:$0x8] =	wrdreg s26  }
0xb: {  	s5 =	sadd.s32 s5, s0;
	s7 =	sadd.s32 s1, s7;
	s1 =	sshrl.u32 s1, $0x1  }
0xc: {  	s8 =	smul.u32 $0x2800, s8;
	s7 =	sshrl.u32 s7, $0x4;
	s1 =	sadd.s32 s1, s3  }
0xd: {  	s5 =	sadd.s32 $0xDE00, s5;
	s0 =	sadd.s32 s7, s0;
	[dreg:$0x6] =	wrdreg s1  }
0xe: {  	s7 =	ssub.s32 s9, s10;
	[dreg:$0x7] =	wrdreg s5;
	s20 =	sadd.s32 $0xA00, s8  }
0xf: {  	s21 =	sshrl.u32 s8, $0x3;
	s8 =	sadd.s32 $0xB40, s8;
	[dreg:$0x4] =	wrdreg s20  }
0x10: {  	s10 =	simm.s32 $0x500;
	s22 =	sadd.s32 s23, s21;
	[dreg:$0x5] =	wrdreg s8  }
0x11: {  	s9 =	simm.s32 $0x8;
	s24 =	sadd.s32 s11, s21;
	[dreg:$0x9] =	wrdreg s22  }
0x12: {  	s25 =	sor.u32 $0x28, s21;
	s0 =	sadd.s32 $0x35E00, s0;
	[dreg:$0xa] =	wrdreg s24  }
0x13: {  	s30 =	sor.u32 $0x50, s21;
	s3 =	sadd.s32 s23, s25;
	[dreg:$0x15] =	wrdreg s0  }
0x14: {  	s15 =	sor.u32 $0x78, s21;
	s1 =	sadd.s32 s11, s25;
	[dreg:$0xb] =	wrdreg s3  }
0x15: {  	s16 =	sor.u32 $0xA0, s21;
	s13 =	sadd.s32 s23, s30;
	[dreg:$0xc] =	wrdreg s1  }
0x16: {  	s19 =	sor.u32 $0xC8, s21;
	s14 =	sadd.s32 s11, s30;
	[dreg:$0xd] =	wrdreg s13  }
0x17: {  	s21 =	smul.u32 $0x2800, s12;
	s17 =	sadd.s32 s23, s15;
	[dreg:$0xe] =	wrdreg s14  }
0x18: {  	s8 =	smov.u32 s11;
	s18 =	sadd.s32 s23, s16;
	[dreg:$0xf] =	wrdreg s17  }
0x19: {  	s12 =	simm.s32 $0xAA00;
	s5 =	sadd.s32 s11, s16;
	[dreg:$0x11] =	wrdreg s18  }
0x1a: {  	s22 =	sadd.s32 s23, s19;
	s25 =	smax.u32 s7, $0x1;
	[dreg:$0x12] =	wrdreg s5  }
0x1b: {  	s7 =	simm.s32 $0x2;
	s1 =	sadd.s32 s11, s15;
	[dreg:$0x13] =	wrdreg s22  }
0x1c: {  	s24 =	sadd.s32 s21, s2;
	[dreg:$0x16] =	wrdreg s25;
	s14 =	simm.s32 $0x5A00  }
0x1d: {  	s15 =	simm.s32 $0x280;
	s2 =	simm.s32 $0x780;
	s25 =	simm.s32 $0x6  }
0x1e: {  	s13 =	simm.s32 $0x3;
	s17 =	simm.s32 $0x3C0;
	s18 =	simm.s32 $0x7  }
0x1f: {  	s21 =	simm.s32 $0x9;
	s3 =	simm.s32 $0x0;
	[dreg:$0x10] =	wrdreg s1  }
0x20: {  	s1 =	sadd.s32 s11, s19;
	s30 =	sadd.s32 $0x8C0, s24;
	s0 =	sor.u32 $0x780, s24  }
0x21: {  	s24 =	simm.s32 $0xA00;
	s19 =	simm.s32 $0x4;
	[dreg:$0x14] =	wrdreg s1  }
0x22: {  	s11 =	sshrl.u32 s30, $0x3;
	s16 =	sshrl.u32 s0, $0x3;
	s1 =	simm.s32 $0xD  }
.LBB2_1:
0x23: {  	[dreg:$0x17] =	wrdreg s3  }
0x24: {  	s0 =	rddreg [dreg:$0x6]  }
0x25: {  	s20 =	rddreg [dreg:$0x7];
	s5 =	sshrl.u32 s0, $0x3  }
0x26: {  	[dreg:$0x18] =	wrdreg s5  }
0x27: {  	[spmem:s5], [sflag:s26] =	dma.local [hbm:s20], $0x1400  }
0x28: {  	_ =	swait.ge [sflag:s1], $0x1400  }
0x29: {  	[sflag:s1] =	ssyncset.done $0x0  }
0x2a: {  	[sflag:s1] =	ssyncadd.s32 $0xFFFFEC00  }
0x2b: {  	[bflag:$0x0] =	sbarrier.arrive $0xFFFF  }
0x2c: {  	s22 =	rddreg [dreg:$0x9]  }
0x2d: {  	[tilespmem:s4], [sflag:$0x1] =	stream.linear.gather [hbm4b:s22+s4], $0x140, $0x38;
	[tilespmem:$0x1EA00] =	vst v63  }
0x2e: {  	s26 =	rddreg [dreg:$0xa]  }
0x2f: {  	[tilespmem:s10], [sflag:$0x1] =	stream.linear.gather [hbm4b:s26+s4], $0x140, $0x38;
	[tilespmem:$0x1EA00] =	vst v63  }
0x30: {  	s1 =	rddreg [dreg:$0xb]  }
0x31: {  	[tilespmem:s29], [sflag:$0x2] =	stream.linear.gather [hbm4b:s1+s4], $0x140, $0x38;
	[tilespmem:$0x1EA00] =	vst v63  }
0x32: {  	s5 =	simm.s32 $0x640;
	s3 =	rddreg [dreg:$0xc]  }
0x33: {  	[tilespmem:s5], [sflag:$0x2] =	stream.linear.gather [hbm4b:s3+s4], $0x140, $0x38;
	[tilespmem:$0x1EA00] =	vst v63  }
0x34: {  	_ =	swait.ge [sflag:s31], $0x140  }
0x35: {  	[sflag:s31] =	ssyncset.done $0x0  }
0x36: {  	[sflag:s31] =	ssyncadd.s32 $0xFFFFFEC0  }
0x37: {  	_ =	swait.ge [sflag:s31], $0x140  }
0x38: {  	[sflag:s31] =	ssyncset.done $0x0  }
0x39: {  	s1 =	simm.s32 $0x5;
	[sflag:s31] =	ssyncadd.s32 $0xFFFFFEC0  }
0x3a: {  	[tilespmem:s24], [sflag:$0x5] =	stream.indirect.gather [hbm4b:s6+s29], $0x40, s4, s29, $0xb8;
	[tilespmem:$0x1EA00] =	vst v63  }
0x3b: {  	_ =	swait.ge [sflag:s1], $0x5000  }
0x3c: {  	[sflag:s1] =	ssyncset.done $0x0  }
0x3d: {  	[sflag:s1] =	ssyncadd.s32 $0xFFFFB000  }
0x3e: {  	_ =	swait.ge [sflag:s7], $0x140  }
0x3f: {  	[sflag:s7] =	ssyncset.done $0x0  }
0x40: {  	[sflag:s7] =	ssyncadd.s32 $0xFFFFFEC0  }
0x41: {  	_ =	swait.ge [sflag:s7], $0x140  }
0x42: {  	[sflag:s7] =	ssyncset.done $0x0  }
0x43: {  	[sflag:s7] =	ssyncadd.s32 $0xFFFFFEC0  }
0x44: {  	[tilespmem:s14], [sflag:$0x6] =	stream.indirect.gather [hbm4b:s6+s29], $0x40, s29, s29, $0xb8;
	[tilespmem:$0x1EA00] =	vst v63  }
0x45: {  	s20 =	rddreg [dreg:$0xd]  }
0x46: {  	[tilespmem:s15], [sflag:$0x3] =	stream.linear.gather [hbm4b:s20+s4], $0x140, $0x38;
	[tilespmem:$0x1EA00] =	vst v63  }
0x47: {  	s22 =	rddreg [dreg:$0xe]  }
0x48: {  	[tilespmem:s2], [sflag:$0x3] =	stream.linear.gather [hbm4b:s22+s4], $0x140, $0x38;
	[tilespmem:$0x1EA00] =	vst v63  }
0x49: {  	s22 =	rddreg [dreg:$0x2]  }
0x4a: {  	[spmem:s22] =	stream.indirect.scatter.add.bf16 [tilespmem:s24], [sflag:$0x9], $0x40, s10, s29, $0xb8;
	[tilespmem:$0x1EA00] =	vst v63  }
0x4b: {  	_ =	swait.ge [sflag:s25], $0x5000  }
0x4c: {  	[sflag:s25] =	ssyncset.done $0x0  }
0x4d: {  	[sflag:s25] =	ssyncadd.s32 $0xFFFFB000  }
0x4e: {  	_ =	swait.ge [sflag:s13], $0x140  }
0x4f: {  	[sflag:s13] =	ssyncset.done $0x0  }
0x50: {  	[sflag:s13] =	ssyncadd.s32 $0xFFFFFEC0  }
0x51: {  	_ =	swait.ge [sflag:s13], $0x140  }
0x52: {  	[sflag:s13] =	ssyncset.done $0x0  }
0x53: {  	[sflag:s13] =	ssyncadd.s32 $0xFFFFFEC0  }
0x54: {  	[tilespmem:s12], [sflag:$0x7] =	stream.indirect.gather [hbm4b:s6+s29], $0x40, s15, s29, $0xb8;
	[tilespmem:$0x1EA00] =	vst v63  }
0x55: {  	s26 =	rddreg [dreg:$0xf]  }
0x56: {  	[tilespmem:s17], [sflag:$0x4] =	stream.linear.gather [hbm4b:s26+s4], $0x140, $0x38;
	[tilespmem:$0x1EA00] =	vst v63  }
0x57: {  	s20 =	simm.s32 $0x8C0;
	s3 =	rddreg [dreg:$0x10]  }
0x58: {  	[tilespmem:s20], [sflag:$0x4] =	stream.linear.gather [hbm4b:s3+s4], $0x140, $0x38;
	[tilespmem:$0x1EA00] =	vst v63  }
0x59: {  	_ = 	snop  }
0x5a: {  	[spmem:s22] =	stream.indirect.scatter.add.bf16 [tilespmem:s14], [sflag:$0xA], $0x40, s5, s29, $0xb8;
	[tilespmem:$0x1EA00] =	vst v63  }
0x5b: {  	_ =	swait.ge [sflag:s18], $0x5000  }
0x5c: {  	[sflag:s18] =	ssyncset.done $0x0  }
0x5d: {  	[sflag:s18] =	ssyncadd.s32 $0xFFFFB000  }
0x5e: {  	_ =	swait.ge [sflag:s21], $0x5000  }
0x5f: {  	[sflag:s21] =	ssyncset.done $0x0  }
0x60: {  	[sflag:s21] =	ssyncadd.s32 $0xFFFFB000  }
0x61: {  	_ =	swait.ge [sflag:s19], $0x140  }
0x62: {  	[sflag:s19] =	ssyncset.done $0x0  }
0x63: {  	[sflag:s19] =	ssyncadd.s32 $0xFFFFFEC0  }
0x64: {  	_ =	swait.ge [sflag:s19], $0x140  }
0x65: {  	[sflag:s19] =	ssyncset.done $0x0  }
0x66: {  	s3 =	simm.s32 $0xFA00;
	[sflag:s19] =	ssyncadd.s32 $0xFFFFFEC0  }
0x67: {  	[tilespmem:s3], [sflag:$0x8] =	stream.indirect.gather [hbm4b:s6+s29], $0x40, s17, s29, $0xb8;
	[tilespmem:$0x1EA00] =	vst v63  }
0x68: {  	s26 =	rddreg [dreg:$0x11]  }
0x69: {  	[tilespmem:s4], [sflag:$0x1] =	stream.linear.gather [hbm4b:s26+s4], $0x140, $0x38;
	[tilespmem:$0x1EA00] =	vst v63  }
0x6a: {  	s26 =	rddreg [dreg:$0x12]  }
0x6b: {  	[tilespmem:s10], [sflag:$0x1] =	stream.linear.gather [hbm4b:s26+s4], $0x140, $0x38;
	[tilespmem:$0x1EA00] =	vst v63  }
0x6c: {  	_ = 	snop  }
0x6d: {  	[spmem:s22] =	stream.indirect.scatter.add.bf16 [tilespmem:s12], [sflag:$0xB], $0x40, s2, s29, $0xb8;
	[tilespmem:$0x1EA00] =	vst v63  }
0x6e: {  	_ =	swait.ge [sflag:s9], $0x5000  }
0x6f: {  	[sflag:s9] =	ssyncset.done $0x0  }
0x70: {  	[sflag:s9] =	ssyncadd.s32 $0xFFFFB000  }
0x71: {  	_ =	swait.ge [sflag:s28], $0x5000  }
0x72: {  	[sflag:s28] =	ssyncset.done $0x0  }
0x73: {  	[sflag:s28] =	ssyncadd.s32 $0xFFFFB000  }
0x74: {  	_ =	swait.ge [sflag:s31], $0x140  }
0x75: {  	[sflag:s31] =	ssyncset.done $0x0  }
0x76: {  	[sflag:s31] =	ssyncadd.s32 $0xFFFFFEC0  }
0x77: {  	_ =	swait.ge [sflag:s31], $0x140  }
0x78: {  	[sflag:s31] =	ssyncset.done $0x0  }
0x79: {  	[sflag:s31] =	ssyncadd.s32 $0xFFFFFEC0  }
0x7a: {  	[tilespmem:s24], [sflag:$0x5] =	stream.indirect.gather [hbm4b:s6+s29], $0x40, s4, s29, $0xb8;
	[tilespmem:$0x1EA00] =	vst v63  }
0x7b: {  	s26 =	rddreg [dreg:$0x13]  }
0x7c: {  	[tilespmem:s29], [sflag:$0x2] =	stream.linear.gather [hbm4b:s26+s4], $0x140, $0x38;
	[tilespmem:$0x1EA00] =	vst v63  }
0x7d: {  	s26 =	rddreg [dreg:$0x14]  }
0x7e: {  	[tilespmem:s5], [sflag:$0x2] =	stream.linear.gather [hbm4b:s26+s4], $0x140, $0x38;
	[tilespmem:$0x1EA00] =	vst v63  }
0x7f: {  	_ = 	snop  }
0x80: {  	[spmem:s22] =	stream.indirect.scatter.add.bf16 [tilespmem:s3], [sflag:$0xC], $0x40, s20, s29, $0xb8;
	[tilespmem:$0x1EA00] =	vst v63  }
0x81: {  	_ =	swait.ge [sflag:s1], $0x5000  }
0x82: {  	[sflag:s1] =	ssyncset.done $0x0  }
0x83: {  	[sflag:s1] =	ssyncadd.s32 $0xFFFFB000;
	s1 =	simm.s32 $0xB  }
0x84: {  	_ =	swait.ge [sflag:s1], $0x5000  }
0x85: {  	[sflag:s1] =	ssyncset.done $0x0  }
0x86: {  	[sflag:s1] =	ssyncadd.s32 $0xFFFFB000  }
0x87: {  	_ =	swait.ge [sflag:s7], $0x140  }
0x88: {  	[sflag:s7] =	ssyncset.done $0x0  }
0x89: {  	[sflag:s7] =	ssyncadd.s32 $0xFFFFFEC0  }
0x8a: {  	_ =	swait.ge [sflag:s7], $0x140  }
0x8b: {  	[sflag:s7] =	ssyncset.done $0x0  }
0x8c: {  	[sflag:s7] =	ssyncadd.s32 $0xFFFFFEC0  }
0x8d: {  	[tilespmem:s14], [sflag:$0x6] =	stream.indirect.gather [hbm4b:s6+s29], $0x40, s29, s29, $0xb8;
	[tilespmem:$0x1EA00] =	vst v63  }
0x8e: {  	s26 =	sadd.s32 s23, s16  }
0x8f: {  	[tilespmem:s15], [sflag:$0x3] =	stream.linear.gather [hbm4b:s26+s4], $0x140, $0x38;
	[tilespmem:$0x1EA00] =	vst v63  }
0x90: {  	s0 =	sadd.s32 s8, s16  }
0x91: {  	[tilespmem:s2], [sflag:$0x3] =	stream.linear.gather [hbm4b:s0+s4], $0x140, $0x38;
	[tilespmem:$0x1EA00] =	vst v63  }
0x92: {  	_ = 	snop  }
0x93: {  	[spmem:s22] =	stream.indirect.scatter.add.bf16 [tilespmem:s24], [sflag:$0x9], $0x40, s10, s29, $0xb8;
	[tilespmem:$0x1EA00] =	vst v63  }
0x94: {  	_ =	swait.ge [sflag:s25], $0x5000  }
0x95: {  	[sflag:s25] =	ssyncset.done $0x0  }
0x96: {  	s26 =	simm.s32 $0xC;
	[sflag:s25] =	ssyncadd.s32 $0xFFFFB000  }
0x97: {  	_ =	swait.ge [sflag:s26], $0x5000  }
0x98: {  	[sflag:s26] =	ssyncset.done $0x0  }
0x99: {  	[sflag:s26] =	ssyncadd.s32 $0xFFFFB000  }
0x9a: {  	_ =	swait.ge [sflag:s13], $0x140  }
0x9b: {  	[sflag:s13] =	ssyncset.done $0x0  }
0x9c: {  	[sflag:s13] =	ssyncadd.s32 $0xFFFFFEC0  }
0x9d: {  	_ =	swait.ge [sflag:s13], $0x140  }
0x9e: {  	[sflag:s13] =	ssyncset.done $0x0  }
0x9f: {  	[sflag:s13] =	ssyncadd.s32 $0xFFFFFEC0  }
0xa0: {  	[tilespmem:s12], [sflag:$0x7] =	stream.indirect.gather [hbm4b:s6+s29], $0x40, s15, s29, $0xb8;
	[tilespmem:$0x1EA00] =	vst v63  }
0xa1: {  	s0 =	sadd.s32 s23, s11  }
0xa2: {  	[tilespmem:s17], [sflag:$0x4] =	stream.linear.gather [hbm4b:s0+s4], $0x140, $0x38;
	[tilespmem:$0x1EA00] =	vst v63  }
0xa3: {  	s15 =	sadd.s32 s8, s11  }
0xa4: {  	[tilespmem:s20], [sflag:$0x4] =	stream.linear.gather [hbm4b:s15+s4], $0x140, $0x38;
	[tilespmem:$0x1EA00] =	vst v63  }
0xa5: {  	_ = 	snop  }
0xa6: {  	[spmem:s22] =	stream.indirect.scatter.add.bf16 [tilespmem:s14], [sflag:$0xA], $0x40, s5, s29, $0xb8;
	[tilespmem:$0x1EA00] =	vst v63  }
0xa7: {  	_ =	swait.ge [sflag:s18], $0x5000  }
0xa8: {  	[sflag:s18] =	ssyncset.done $0x0  }
0xa9: {  	[sflag:s18] =	ssyncadd.s32 $0xFFFFB000  }
0xaa: {  	_ =	swait.ge [sflag:s21], $0x5000  }
0xab: {  	[sflag:s21] =	ssyncset.done $0x0  }
0xac: {  	[sflag:s21] =	ssyncadd.s32 $0xFFFFB000  }
0xad: {  	_ =	swait.ge [sflag:s19], $0x140  }
0xae: {  	[sflag:s19] =	ssyncset.done $0x0  }
0xaf: {  	s20 =	smin.u32 s4, $0x17;
	[sflag:s19] =	ssyncadd.s32 $0xFFFFFEC0  }
0xb0: {  	s1 =	smul.u32 $0x140, s20;
	_ =	swait.ge [sflag:s19], $0x140  }
0xb1: {  	[sflag:s19] =	ssyncset.done $0x0;
	s21 =	rddreg [dreg:$0x4]  }
0xb2: {  	[sflag:s19] =	ssyncadd.s32 $0xFFFFFEC0;
	s1 =	sadd.s32 s1, s21  }
0xb3: {  	[tilespmem:s3], [sflag:$0x8] =	stream.indirect.gather [hbm4b:s6+s29], $0x40, s17, s29, $0xb8;
	[tilespmem:$0x1EA00] =	vst v63  }
0xb4: {  	s1 =	sshrl.u32 s1, $0x3  }
0xb5: {  	s25 =	sadd.s32 s23, s1  }
0xb6: {  	[tilespmem:s4], [sflag:$0x1] =	stream.linear.gather [hbm4b:s25+s4], $0x140, $0x38;
	[tilespmem:$0x1EA00] =	vst v63  }
0xb7: {  	s1 =	sadd.s32 s8, s1  }
0xb8: {  	[tilespmem:s10], [sflag:$0x1] =	stream.linear.gather [hbm4b:s1+s4], $0x140, $0x38;
	[tilespmem:$0x1EA00] =	vst v63  }
0xb9: {  	_ = 	snop  }
0xba: {  	[spmem:s22] =	stream.indirect.scatter.add.bf16 [tilespmem:s12], [sflag:$0xB], $0x40, s2, s29, $0xb8;
	[tilespmem:$0x1EA00] =	vst v63  }
0xbb: {  	_ =	swait.ge [sflag:s9], $0x5000  }
0xbc: {  	[sflag:s9] =	ssyncset.done $0x0  }
0xbd: {  	[sflag:s9] =	ssyncadd.s32 $0xFFFFB000  }
0xbe: {  	_ =	swait.ge [sflag:s28], $0x5000  }
0xbf: {  	[sflag:s28] =	ssyncset.done $0x0  }
0xc0: {  	[sflag:s28] =	ssyncadd.s32 $0xFFFFB000  }
0xc1: {  	_ =	swait.ge [sflag:s31], $0x140  }
0xc2: {  	s26 =	smin.u32 s4, $0x16;
	s5 =	smov.u32 s23;
	[sflag:s31] =	ssyncset.done $0x0  }
0xc3: {  	s21 =	simm.s32 $0x7;
	s17 =	simm.s32 $0x6;
	[sflag:s31] =	ssyncadd.s32 $0xFFFFFEC0  }
0xc4: {  	s25 =	simm.s32 $0x9;
	s1 =	smul.u32 $0x140, s26;
	_ =	swait.ge [sflag:s31], $0x140  }
0xc5: {  	s26 =	simm.s32 $0x4;
	[sflag:s31] =	ssyncset.done $0x0;
	s28 =	rddreg [dreg:$0x5]  }
0xc6: {  	s10 =	smov.u32 s8;
	[sflag:s31] =	ssyncadd.s32 $0xFFFFFEC0;
	s1 =	sadd.s32 s1, s28  }
0xc7: {  	[tilespmem:s24], [sflag:$0x5] =	stream.indirect.gather [hbm4b:s6+s29], $0x40, s4, s29, $0xb8;
	[tilespmem:$0x1EA00] =	vst v63  }
0xc8: {  	s2 =	simm.s32 $0xA;
	s9 =	simm.s32 $0x8;
	s1 =	sshrl.u32 s1, $0x3  }
0xc9: {  	s31 =	sadd.s32 s23, s1;
	s30 =	sadd.s32 s8, s1;
	s1 =	smov.u32 s8  }
0xca: {  	[tilespmem:s29], [sflag:$0x2] =	stream.linear.gather [hbm4b:s31+s4], $0x140, $0x38;
	[tilespmem:$0x1EA00] =	vst v63  }
.LBB2_2:
0xcb: {  	s8 =	simm.s32 $0x640;
	s14 =	simm.s32 $0x8C0  }
0xcc: {  	[tilespmem:s8], [sflag:$0x2] =	stream.linear.gather [hbm4b:s30+s4], $0x140, $0x38;
	[tilespmem:$0x1EA00] =	vst v63  }
0xcd: {  	s3 =	simm.s32 $0xFA00;
	s24 =	rddreg [dreg:$0x2];
	s0 =	simm.s32 $0x5  }
0xce: {  	[spmem:s24] =	stream.indirect.scatter.add.bf16 [tilespmem:s3], [sflag:$0xC], $0x40, s14, s29, $0xb8;
	[tilespmem:$0x1EA00] =	vst v63  }
0xcf: {  	_ =	swait.ge [sflag:s0], $0x5000  }
0xd0: {  	[sflag:s0] =	ssyncset.done $0x0  }
0xd1: {  	s12 =	simm.s32 $0xB;
	[sflag:s0] =	ssyncadd.s32 $0xFFFFB000  }
0xd2: {  	_ =	swait.ge [sflag:s12], $0x5000  }
0xd3: {  	[sflag:s12] =	ssyncset.done $0x0  }
0xd4: {  	[sflag:s12] =	ssyncadd.s32 $0xFFFFB000  }
0xd5: {  	_ =	swait.ge [sflag:s7], $0x140  }
0xd6: {  	[sflag:s7] =	ssyncset.done $0x0  }
0xd7: {  	[sflag:s7] =	ssyncadd.s32 $0xFFFFFEC0  }
0xd8: {  	_ =	swait.ge [sflag:s7], $0x140  }
0xd9: {  	[sflag:s7] =	ssyncset.done $0x0  }
0xda: {  	s5 =	sadd.s32 $0xA0, s5;
	s28 =	simm.s32 $0x5A00;
	[sflag:s7] =	ssyncadd.s32 $0xFFFFFEC0  }
0xdb: {  	[tilespmem:s28], [sflag:$0x6] =	stream.indirect.gather [hbm4b:s6+s29], $0x40, s29, s29, $0xb8;
	[tilespmem:$0x1EA00] =	vst v63  }
0xdc: {  	s1 =	sadd.s32 $0xA0, s1;
	s22 =	simm.s32 $0x280;
	s15 =	sadd.s32 s5, s16  }
0xdd: {  	[tilespmem:s22], [sflag:$0x3] =	stream.linear.gather [hbm4b:s15+s4], $0x140, $0x38;
	[tilespmem:$0x1EA00] =	vst v63  }
0xde: {  	s18 =	sadd.s32 s1, s16;
	s15 =	simm.s32 $0x780  }
0xdf: {  	[tilespmem:s15], [sflag:$0x3] =	stream.linear.gather [hbm4b:s18+s4], $0x140, $0x38;
	[tilespmem:$0x1EA00] =	vst v63  }
0xe0: {  	s12 =	simm.s32 $0xA00;
	s18 =	simm.s32 $0x500  }
0xe1: {  	[spmem:s24] =	stream.indirect.scatter.add.bf16 [tilespmem:s12], [sflag:$0x9], $0x40, s18, s29, $0xb8;
	[tilespmem:$0x1EA00] =	vst v63  }
0xe2: {  	_ =	swait.ge [sflag:s17], $0x5000  }
0xe3: {  	[sflag:s17] =	ssyncset.done $0x0  }
0xe4: {  	s20 =	simm.s32 $0xC;
	[sflag:s17] =	ssyncadd.s32 $0xFFFFB000  }
0xe5: {  	_ =	swait.ge [sflag:s20], $0x5000  }
0xe6: {  	[sflag:s20] =	ssyncset.done $0x0  }
0xe7: {  	[sflag:s20] =	ssyncadd.s32 $0xFFFFB000  }
0xe8: {  	_ =	swait.ge [sflag:s13], $0x140  }
0xe9: {  	[sflag:s13] =	ssyncset.done $0x0  }
0xea: {  	[sflag:s13] =	ssyncadd.s32 $0xFFFFFEC0  }
0xeb: {  	_ =	swait.ge [sflag:s13], $0x140  }
0xec: {  	[sflag:s13] =	ssyncset.done $0x0  }
0xed: {  	s20 =	simm.s32 $0xAA00;
	[sflag:s13] =	ssyncadd.s32 $0xFFFFFEC0  }
0xee: {  	[tilespmem:s20], [sflag:$0x7] =	stream.indirect.gather [hbm4b:s6+s29], $0x40, s22, s29, $0xb8;
	[tilespmem:$0x1EA00] =	vst v63  }
0xef: {  	s31 =	simm.s32 $0x3C0;
	s22 =	sadd.s32 s5, s11  }
0xf0: {  	[tilespmem:s31], [sflag:$0x4] =	stream.linear.gather [hbm4b:s22+s4], $0x140, $0x38;
	[tilespmem:$0x1EA00] =	vst v63  }
0xf1: {  	s0 =	sadd.s32 s1, s11  }
0xf2: {  	[tilespmem:s14], [sflag:$0x4] =	stream.linear.gather [hbm4b:s0+s4], $0x140, $0x38;
	[tilespmem:$0x1EA00] =	vst v63  }
0xf3: {  	_ = 	snop  }
0xf4: {  	[spmem:s24] =	stream.indirect.scatter.add.bf16 [tilespmem:s28], [sflag:$0xA], $0x40, s8, s29, $0xb8;
	[tilespmem:$0x1EA00] =	vst v63  }
0xf5: {  	_ =	swait.ge [sflag:s21], $0x5000  }
0xf6: {  	[sflag:s21] =	ssyncset.done $0x0  }
0xf7: {  	[sflag:s21] =	ssyncadd.s32 $0xFFFFB000  }
0xf8: {  	_ =	swait.ge [sflag:s25], $0x5000  }
0xf9: {  	[sflag:s25] =	ssyncset.done $0x0  }
0xfa: {  	[sflag:s25] =	ssyncadd.s32 $0xFFFFB000  }
0xfb: {  	_ =	swait.ge [sflag:s19], $0x140  }
0xfc: {  	s30 =	smov.u32 s26;
	[sflag:s19] =	ssyncset.done $0x0  }
0xfd: {  	s0 =	smin.u32 s30, $0x17;
	[sflag:s19] =	ssyncadd.s32 $0xFFFFFEC0  }
0xfe: {  	s0 =	smul.u32 $0x140, s0;
	_ =	swait.ge [sflag:s19], $0x140  }
0xff: {  	[sflag:s19] =	ssyncset.done $0x0;
	s8 =	rddreg [dreg:$0x4]  }
0x100: {  	[sflag:s19] =	ssyncadd.s32 $0xFFFFFEC0;
	s0 =	sadd.s32 s0, s8  }
0x101: {  	[tilespmem:s3], [sflag:$0x8] =	stream.indirect.gather [hbm4b:s6+s29], $0x40, s31, s29, $0xb8;
	[tilespmem:$0x1EA00] =	vst v63  }
0x102: {  	s0 =	sshrl.u32 s0, $0x3  }
0x103: {  	s3 =	sadd.s32 s23, s0  }
0x104: {  	[tilespmem:s4], [sflag:$0x1] =	stream.linear.gather [hbm4b:s3+s4], $0x140, $0x38;
	[tilespmem:$0x1EA00] =	vst v63  }
0x105: {  	s0 =	sadd.s32 s10, s0  }
0x106: {  	[tilespmem:s18], [sflag:$0x1] =	stream.linear.gather [hbm4b:s0+s4], $0x140, $0x38;
	[tilespmem:$0x1EA00] =	vst v63  }
0x107: {  	_ = 	snop  }
0x108: {  	[spmem:s24] =	stream.indirect.scatter.add.bf16 [tilespmem:s20], [sflag:$0xB], $0x40, s15, s29, $0xb8;
	[tilespmem:$0x1EA00] =	vst v63  }
0x109: {  	_ =	swait.ge [sflag:s9], $0x5000  }
0x10a: {  	[sflag:s9] =	ssyncset.done $0x0  }
0x10b: {  	[sflag:s9] =	ssyncadd.s32 $0xFFFFB000  }
0x10c: {  	_ =	swait.ge [sflag:s2], $0x5000  }
0x10d: {  	[sflag:s2] =	ssyncset.done $0x0  }
0x10e: {  	s31 =	simm.s32 $0x1;
	[sflag:s2] =	ssyncadd.s32 $0xFFFFB000  }
0x10f: {  	_ =	swait.ge [sflag:s31], $0x140  }
0x110: {  	[sflag:s31] =	ssyncset.done $0x0  }
0x111: {  	s18 =	smin.u32 s30, $0x16;
	[sflag:s31] =	ssyncadd.s32 $0xFFFFFEC0  }
0x112: {  	p0 =	sne.s32 s26, $0x18;
	s0 =	smul.u32 $0x140, s18;
	_ =	swait.ge [sflag:s31], $0x140  }
0x113: {  	s26 =	sadd.s32 $0x4, s26;
	[sflag:s31] =	ssyncset.done $0x0;
	s20 =	rddreg [dreg:$0x5]  }
.Ltmp0:
0x114: {  	[sflag:s31] =	ssyncadd.s32 $0xFFFFFEC0;
	s0 =	sadd.s32 s0, s20;
	(pc) =	sbr.rel @p0 .LBB2_2-.Ltmp0, $4  }
0x115: {  	[tilespmem:s12], [sflag:$0x5] =	stream.indirect.gather [hbm4b:s6+s29], $0x40, s4, s29, $0xb8;
	[tilespmem:$0x1EA00] =	vst v63  }
0x116: {  	s22 =	simm.s32 $0x8C0;
	s14 =	simm.s32 $0x640;
	s0 =	sshrl.u32 s0, $0x3  }
0x117: {  	s28 =	simm.s32 $0xFA00;
	s24 =	sadd.s32 s23, s0;
	s30 =	sadd.s32 s10, s0  }
0x118: {  	[tilespmem:s29], [sflag:$0x2] =	stream.linear.gather [hbm4b:s24+s4], $0x140, $0x38;
	[tilespmem:$0x1EA00] =	vst v63  }
0x119: {  	[tilespmem:s14], [sflag:$0x2] =	stream.linear.gather [hbm4b:s30+s4], $0x140, $0x38;
	[tilespmem:$0x1EA00] =	vst v63  }
0x11a: {  	s0 =	rddreg [dreg:$0x2];
	s21 =	simm.s32 $0x5  }
0x11b: {  	[spmem:s0] =	stream.indirect.scatter.add.bf16 [tilespmem:s28], [sflag:$0xC], $0x40, s22, s29, $0xb8;
	[tilespmem:$0x1EA00] =	vst v63  }
0x11c: {  	_ =	swait.ge [sflag:s21], $0x5000  }
0x11d: {  	[sflag:s21] =	ssyncset.done $0x0  }
0x11e: {  	[sflag:s21] =	ssyncadd.s32 $0xFFFFB000  }
0x11f: {  	_ =	swait.ge [sflag:s7], $0x140  }
0x120: {  	[sflag:s7] =	ssyncset.done $0x0  }
0x121: {  	[sflag:s7] =	ssyncadd.s32 $0xFFFFFEC0  }
0x122: {  	_ =	swait.ge [sflag:s7], $0x140  }
0x123: {  	[sflag:s7] =	ssyncset.done $0x0  }
0x124: {  	s22 =	simm.s32 $0xB;
	[sflag:s7] =	ssyncadd.s32 $0xFFFFFEC0  }
0x125: {  	_ =	swait.ge [sflag:s22], $0x5000  }
0x126: {  	[sflag:s22] =	ssyncset.done $0x0  }
0x127: {  	s24 =	simm.s32 $0xC;
	[sflag:s22] =	ssyncadd.s32 $0xFFFFB000  }
0x128: {  	_ =	swait.ge [sflag:s24], $0x5000  }
0x129: {  	[sflag:s24] =	ssyncset.done $0x0  }
0x12a: {  	[sflag:s24] =	ssyncadd.s32 $0xFFFFB000  }
0x12b: {  	[bflag:$0x0] =	sbarrier.arrive $0xFFFF  }
0x12c: {  	s26 =	rddreg [dreg:$0x8]  }
0x12d: {  	s25 =	rddreg [dreg:$0x15]  }
0x12e: {  	s1 =	rddreg [dreg:$0x18]  }
0x12f: {  	[hbm:s25], [sflag:s26] =	dma.local [spmem:s1], $0x1400  }
0x130: {  	s1 =	simm.s32 $0xD  }
0x131: {  	_ =	swait.ge [sflag:s1], $0x1400  }
0x132: {  	s3 =	rddreg [dreg:$0x17]  }
0x133: {  	s30 =	rddreg [dreg:$0x16];
	s3 =	sadd.s32 $0x1, s3  }
0x134: {  	s8 =	smov.u32 s10;
	p0 =	sne.s32 s3, s30  }
.Ltmp1:
0x135: {  	s10 =	simm.s32 $0x500;
	s14 =	simm.s32 $0x5A00;
	(pc) =	sbr.rel @p0 .LBB2_1-.Ltmp1, $4  }
0x136: {  	s15 =	simm.s32 $0x280;
	s2 =	simm.s32 $0x780;
	s12 =	simm.s32 $0xAA00  }
0x137: {  	s17 =	simm.s32 $0x3C0;
	s18 =	simm.s32 $0x7;
	s9 =	simm.s32 $0x8  }
0x138: {  	s28 =	simm.s32 $0xA;
	s21 =	simm.s32 $0x9;
	[sflag:s1] =	ssyncset.done $0x0  }
0x139: {  	s24 =	simm.s32 $0xA00;
	s25 =	simm.s32 $0x6;
	[sflag:s1] =	ssyncadd.s32 $0xFFFFEC00  }
0x13a: {  	_ =	sfence.sel $0x180000  }
0x13b: {  	[bflag:$0x0] =	sbarrier.arrive $0xFFFF  }
0x13c: {  	_ =	strace $0x9000004A  }
0x13d: {  	s0 =	stileid.u32;
	[bflag:$0x2] =	sbarrier.arrive $0xFFFF  }
0x13e: {  	p0 =	sne.s32 s0, $0x0;
	s0 =	rddreg [dreg:$0x3]  }
0x13f: {  	s0 =	sadd.s32 @!p0 $0x100000, s0  }
0x140: {  	[sflag:s0] =	ssyncadd.tile.s32 @!p0 $0x1;
	_ =	shalt  }
.Lfunc_end2:
_tile_overlayer_lowered:
.L_overlay_start_2:
0x141: {  	(tag) =	ssettag $0x2  }
0x142: {  	s0 =	rddreg [dreg:$0x0];
	s2 =	stileid.u32  }
0x143: {  	s1 =	rddreg [dreg:$0x1];
	p0 =	sne.s32 s2, $0x0  }
0x144: {  	s3 =	rddreg [dreg:$0x2];
	[bflag:$0x3] =	sbarrier.arrive $0xFFFF;
	s2 =	simm.s32 @!p0 $0x1C0D  }
0x145: {  	[timem:s3], [sflag:s2] =	dma.local @!p0 [hbm:s0], s1  }
0x146: {  	s0 =	simm.s32 @!p0 $0xD  }
0x147: {  	_ =	swait.ge @!p0 [sflag:s0], s1  }
0x148: {  	s1 =	ssub.s32 @!p0 $0x0, s1;
	[sflag:s0] =	ssyncset.done @!p0 $0x0  }
0x149: {  	[sflag:s0] =	ssyncadd.s32 @!p0 s1  }
0x14a: {  	[bflag:$0x3] =	sbarrier.arrive $0xFFFF  }
0x14b: {  	_ =	shalt  }

// kernel: kernel.15.cloned.1.call-start
scs
__scs_entry_jumppad:
0x0: {  	(pc) =	sbr.rel $0x88, $3  }
0x1: {  	(tag) =	ssettag $0x0;
	lr =	simm.s32 $0x1  }
0x2: {  	[smem:$0x3F9B] =	sst lr;
	_ =	strace $0xD0000000  }
0x3: {  	_ = 	snop  }
0x4: {  	_ = 	snop  }
0x5: {  	_ = 	snop  }
0x6: {  	_ = 	snop  }
0x7: {  	_ = 	snop  }
__scs_overlays_trampoline_lowered:
0x8: {  	[smem:$0x3FAA] =	sst s0  }
0x9: {  	[smem:$0x3FAB] =	sst s1  }
0xa: {  	[smem:$0x3FAC] =	sst s2  }
0xb: {  	[smem:$0x3FAD] =	sst s3  }
0xc: {  	[smem:$0x3FAE] =	sst s4  }
0xd: {  	[smem:$0x3FAF] =	sst s5  }
0xe: {  	[smem:$0x3FB0] =	sst s6  }
0xf: {  	[smem:$0x3FB1] =	sst s7  }
0x10: {  	[smem:$0x3FB2] =	sst s8  }
0x11: {  	[smem:$0x3FB3] =	sst s9;
	s0 =	simm.s32 @!p0 $0x0  }
0x12: {  	s1 =	sld [smem:$0x3F99];
	s0 =	simm.s32 @p0 $0x1  }
0x13: {  	[smem:$0x3FB4] =	sst s0;
	s0 =	simm.s32 @!p1 $0x0  }
0x14: {  	s2 =	sld [smem:$0x3F98];
	s0 =	simm.s32 @p1 $0x1  }
0x15: {  	[smem:$0x3FB5] =	sst s0;
	s0 =	simm.s32 @!p2 $0x0  }
0x16: {  	s3 =	sld [smem:$0x3FDB];
	s0 =	simm.s32 @p2 $0x1  }
0x17: {  	s4 =	simm.s32 $0x1BF5;
	[smem:$0x3FB7] =	sst s0  }
0x18: {  	s0 =	sld [smem:$0x3F9A];
	_ =	swait.ge [sflag:s4], $0x0  }
0x19: {  	s7 =	sld [smem:$0x3F9B]  }
0x1a: {  	s8 =	sadd.s32 $0xFFFFE003, lr  }
0x1b: {  	s9 =	sadd.s32 $0xFFFFFEF7, lr;
	s5 =	simm.s32 $0xFFFFFFFF;
	p2 =	slt.u32 s8, $0xFFFFF086  }
0x1c: {  	p1 =	slt.u32 s9, $0xF7A;
	s5 =	simm.s32 @!p2 $0x0  }
0x1d: {  	s5 =	simm.s32 @p1 $0x1;
	p0 =	seq.s32 s7, s2  }
0x1e: {  	s7 =	smul.u32 @!p0 $0xF7A, s2;
	p2 =	seq.s32 @!p0 s5, $0x0  }
0x1f: {  	s9 =	smul.u32 $0xF7A, s1;
	s8 =	simm.s32 @!p0 $0x1BF5;
	p2 =	por !p2, p0  }
0x20: {  	[sflag:s8] =	ssyncset.s32 @!p0 $0xFFFFF086;
	s6 =	sadd.s32 @!p0 s3, s7;
	s7 =	simm.s32 @!p0 $0x108  }
0x21: {  	s3 =	sadd.s32 s3, s9;
	s6 =	sadd.s32 @!p0 $0x88, s6;
	s7 =	simm.s32 @p2 $0x1082  }
0x22: {  	[simem:s7], [sflag:s8] =	dma.local @!p0 [hbm:s6], $0xF7A  }
0x23: {  	s9 =	sor.u32 $0xD0000000, s2;
	s6 =	simm.s32 $0x108;
	_ =	swait.ge @!p0 [sflag:s8], $0x0  }
0x24: {  	s3 =	sadd.s32 $0x88, s3;
	s6 =	simm.s32 @!p1 $0x1082;
	[sflag:s4] =	ssyncset.s32 $0xFFFFF086  }
0x25: {  	[simem:s6], [sflag:s4] =	dma.local [hbm:s3], $0xF7A  }
0x26: {  	[smem:$0x3F9B] =	sst s1;
	(tag) =	ssettag s2;
	_ =	strace s9  }
0x27: {  	s1 =	sld [smem:$0x3FAB]  }
0x28: {  	s2 =	sld [smem:$0x3FAC]  }
0x29: {  	s4 =	sld [smem:$0x3FAE]  }
0x2a: {  	p0 =	seq.s32 s5, $0x0;
	s5 =	sld [smem:$0x3FAF]  }
0x2b: {  	s6 =	sld [smem:$0x3FB0]  }
0x2c: {  	s7 =	sld [smem:$0x3FB1]  }
0x2d: {  	s3 =	simm.s32 $0x108;
	s8 =	sld [smem:$0x3FB2]  }
0x2e: {  	s3 =	simm.s32 @!p0 $0x1082;
	s9 =	sld [smem:$0x3FB3]  }
0x2f: {  	lr =	sadd.s32 s0, s3;
	s0 =	sld [smem:$0x3FAA]  }
0x30: {  	s3 =	sld [smem:$0x3FAD]  }
0x31: {  	[smem:$0x3FB6] =	sst s10  }
0x32: {  	s10 =	sld [smem:$0x3FB4];
	_ =	sdelay $0x3  }
0x33: {  	p0 =	seq.s32 s10, $0x1;
	s10 =	sld [smem:$0x3FB6];
	_ =	sdelay $0x3  }
0x34: {  	[smem:$0x3FB6] =	sst s10  }
0x35: {  	s10 =	sld [smem:$0x3FB5];
	_ =	sdelay $0x3  }
0x36: {  	p1 =	seq.s32 s10, $0x1;
	s10 =	sld [smem:$0x3FB6];
	_ =	sdelay $0x3  }
0x37: {  	[smem:$0x3FB6] =	sst s10  }
0x38: {  	s10 =	sld [smem:$0x3FB7]  }
0x39: {  	_ = 	snop;
	(pc) =	sbr.ind lr, $3  }
0x3a: {  	_ = 	snop  }
0x3b: {  	_ = 	snop  }
0x3c: {  	p2 =	seq.s32 s10, $0x1;
	s10 =	sld [smem:$0x3FB6]  }
0x3d: {  	_ =	shalt  }
0x3e: {  	_ =	shalt  }
0x3f: {  	_ =	shalt  }
0x40: {  	_ =	shalt  }
0x41: {  	_ =	shalt  }
0x42: {  	_ =	shalt  }
0x43: {  	_ =	shalt  }
0x44: {  	_ =	shalt  }
0x45: {  	_ =	shalt  }
0x46: {  	_ =	shalt  }
0x47: {  	_ =	shalt  }
0x48: {  	_ =	shalt  }
0x49: {  	_ =	shalt  }
0x4a: {  	_ =	shalt  }
0x4b: {  	_ =	shalt  }
0x4c: {  	_ =	shalt  }
0x4d: {  	_ =	shalt  }
0x4e: {  	_ =	shalt  }
0x4f: {  	_ =	shalt  }
0x50: {  	_ =	shalt  }
0x51: {  	_ =	shalt  }
0x52: {  	_ =	shalt  }
0x53: {  	_ =	shalt  }
0x54: {  	_ =	shalt  }
0x55: {  	_ =	shalt  }
0x56: {  	_ =	shalt  }
0x57: {  	_ =	shalt  }
0x58: {  	_ =	shalt  }
0x59: {  	_ =	shalt  }
0x5a: {  	_ =	shalt  }
0x5b: {  	_ =	shalt  }
0x5c: {  	_ =	shalt  }
0x5d: {  	_ =	shalt  }
0x5e: {  	_ =	shalt  }
0x5f: {  	_ =	shalt  }
0x60: {  	_ =	shalt  }
0x61: {  	_ =	shalt  }
0x62: {  	_ =	shalt  }
0x63: {  	_ =	shalt  }
0x64: {  	_ =	shalt  }
0x65: {  	_ =	shalt  }
0x66: {  	_ =	shalt  }
0x67: {  	_ =	shalt  }
0x68: {  	_ =	shalt  }
0x69: {  	_ =	shalt  }
0x6a: {  	_ =	shalt  }
0x6b: {  	_ =	shalt  }
0x6c: {  	_ =	shalt  }
0x6d: {  	_ =	shalt  }
0x6e: {  	_ =	shalt  }
0x6f: {  	_ =	shalt  }
0x70: {  	_ =	shalt  }
0x71: {  	_ =	shalt  }
0x72: {  	_ =	shalt  }
0x73: {  	_ =	shalt  }
0x74: {  	_ =	shalt  }
0x75: {  	_ =	shalt  }
0x76: {  	_ =	shalt  }
0x77: {  	_ =	shalt  }
0x78: {  	_ =	shalt  }
0x79: {  	_ =	shalt  }
0x7a: {  	_ =	shalt  }
0x7b: {  	_ =	shalt  }
0x7c: {  	_ =	shalt  }
0x7d: {  	_ =	shalt  }
0x7e: {  	_ =	shalt  }
0x7f: {  	_ =	shalt  }
0x80: {  	_ =	shalt  }
0x81: {  	_ =	shalt  }
0x82: {  	_ =	shalt  }
0x83: {  	_ =	shalt  }
0x84: {  	_ =	shalt  }
0x85: {  	_ =	shalt  }
0x86: {  	_ =	shalt  }
0x87: {  	_ =	shalt  }
.Lfunc_end0:
.L_simem_size_0:
called_computation.2_lowered:
.L_overlay_start_0:
0x88: {  	s2 =	sld [smem:$0x3FD9]  }
0x89: {  	s3 =	sld [smem:$0x3FFE];
	_ =	sdelay $0x1  }
0x8a: {  	s1 =	srdreg.scid  }
0x8b: {  	s0 =	sand.u32 $0x1, s1  }
0x8c: {  	s17 =	sshll.u32 s0, $0xA;
	s2 =	sadd.s32 s3, s2  }
0x8d: {  	s2 =	sadd.s32 s2, s17  }
0x8e: {  	[smem:$0x3FC2] =	sst s2  }
0x8f: {  	_ = 	snop  }
0x90: {  	s2 =	sld [smem:$0x3FD0];
	(tm) =	ssettm $0x1  }
0x91: {  	s18 =	sld [smem:$0x3FFB];
	_ =	sdelay $0x3  }
0x92: {  	_ =	strace s18  }
0x93: {  	s3 =	sld [smem:$0x3FFC];
	_ =	sdelay $0x3  }
0x94: {  	_ =	strace s3  }
0x95: {  	s3 =	sld [smem:$0x3FFD];
	_ =	sdelay $0x3  }
0x96: {  	_ =	strace s3  }
0x97: {  	_ =	strace $0x8FFFFFFF  }
0x98: {  	s19 =	sld [smem:$0x3FDB];
	_ =	sdelay $0x1  }
0x99: {  	s4 =	simm.s32 $_scs_section_size  }
0x9a: {  	s5 =	simm.s32 $_size__tile_overlayer_lowered;
	s6 =	simm.s32 $_tile_overlayer_lowered  }
0x9b: {  	s22 =	simm.s32 $0x1BFF;
	s21 =	sshll.u32 s6, $0x1;
	s3 =	sadd.s32 s4, s19  }
0x9c: {  	s7 =	simm.s32 $0x0;
	s20 =	sshll.u32 s5, $0x1;
	s5 =	sadd.s32 s21, s3  }
0x9d: {  	[timem:s7], [sflag:s22] =	dma.local [hbm:s5], s20  }
0x9e: {  	_ =	swait.ge [sflag:s22], s20  }
0x9f: {  	s4 =	ssub.s32 $0x0, s20;
	[sflag:s22] =	ssyncset.done $0x0  }
0xa0: {  	[sflag:s22] =	ssyncadd.s32 s4;
	_ =	sdelay $0x1  }
0xa1: {  	s23 =	simm.s32 $0x1B8B  }
0xa2: {  	_ =	swait.ge [sflag:s23], $0x1  }
0xa3: {  	[sflag:s23] =	ssyncset.done $0x0  }
0xa4: {  	s25 =	simm.s32 $0x1B8E;
	s24 =	sld [smem:$0x3FFE];
	[sflag:s23] =	ssyncadd.s32 $0xFFFFFFFF  }
0xa5: {  	s26 =	simm.s32 $execute0_lowered;
	[smem:$0x3FD2] =	sst s25  }
0xa6: {  	s5 =	sshll.u32 s26, $0x1;
	_ =	strace $0x8000004C;
	[dreg:$0x1] =	wrdreg $0xFFFFFFFF  }
0xa7: {  	s28 =	simm.s32 $_size_execute0_lowered;
	s3 =	sadd.s32 s3, s5;
	[dreg:$0x0] =	wrdreg $0x0  }
0xa8: {  	s5 =	sshll.u32 s28, $0x1;
	[dreg:$0x2] =	wrdreg s3  }
0xa9: {  	[dreg:$0x3] =	wrdreg s5  }
0xaa: {  	[dreg:$0x4] =	wrdreg $0xC0  }
0xab: {  	_ =	task [dreg:s7], $0x5FFFF  }
0xac: {  	[dreg:$0x1] =	wrdreg $0xFFFFFFFF  }
0xad: {  	[dreg:$0x0] =	wrdreg $0x60  }
0xae: {  	[dreg:$0x2] =	wrdreg s24  }
0xaf: {  	[dreg:$0x3] =	wrdreg s2  }
0xb0: {  	[dreg:$0x4] =	wrdreg $0x110000  }
0xb1: {  	[dreg:$0x5] =	wrdreg $0x9  }
0xb2: {  	_ =	task.clear_ibuf [dreg:s7], $0x6FFFF;
	_ =	strace $0x9000004C  }
0xb3: {  	s29 =	simm.s32 $0x9;
	_ =	strace $0x8000004E  }
0xb4: {  	_ =	swait.ge [sflag:s29], $0x1  }
0xb5: {  	[sflag:s29] =	ssyncadd.s32 $0xFFFFFFFF  }
0xb6: {  	_ =	strace $0x9000004E  }
0xb7: {  	_ =	sfence  }
0xb8: {  	s30 =	sld [smem:$0x0];
	_ =	sdelay $0x2  }
0xb9: {  	s31 =	sshll.u32 s1, $0xD;
	s1 =	sshrl.u32 s1, $0x2  }
0xba: {  	s3 =	sand.u32 $0x4000, s31;
	s1 =	sadd.s32 s1, s30  }
0xbb: {  	s0 =	sor.u32 s3, s0;
	s1 =	sshll.u32 s1, $0x11  }
0xbc: {  	s0 =	sor.u32 s1, s0  }
0xbd: {  	s0 =	sadd.s32 $0x8F2B, s0  }
0xbe: {  	[sflag:s0] =	ssyncadd.remote.s32 $0x1  }
0xbf: {  	_ =	sfence.sel $0xFFFF  }
0xc0: {  	[dreg:$0x0] =	wrdreg $0xFFFFFFFF;
	(pc) =	sbr.abs _section_cstart, $3  }
0xc1: {  	[dreg:$0x1] =	wrdreg $0xFFFFFFFF  }
0xc2: {  	_ =	task.clear_ibuf [dreg:s7], $0x2FFFF;
	_ =	strace $0x9FFFFFFF  }
0xc3: {  	(tm) =	ssettm $0x7FFFFFFF  }
tec
execute0_lowered:
.L_overlay_start_1:
0x0: {  	(tag) =	ssettag $0x1  }
0x1: {  	s0 =	rddreg [dreg:$0x0]  }
0x2: {  	s12 =	rddreg [dreg:$0x1]  }
0x3: {  	s3 =	rddreg [dreg:$0x2]  }
0x4: {  	s4 =	simm.s32 $0x0;
	s13 =	stileid.u32;
	s2 =	srdreg.scid  }
0x5: {  	s29 =	simm.s32 $0x200;
	s31 =	simm.s32 $0x1;
	[smem:$0x7FF] =	sst s4  }
0x6: {  	s1 =	smul.u32 $0xA000, s13;
	s2 =	sand.u32 $0x1, s2;
	s5 =	sadd.s32 $0x2400, s0  }
0x7: {  	s6 =	sadd.s32 $0xC400, s0;
	s23 =	sshll.u32 s13, $0x6;
	s8 =	smul.u32 $0xA0000, s2  }
0x8: {  	s9 =	sshll.u32 s2, $0x4;
	s10 =	ssub.s32 $0x2, s2;
	s2 =	smul.u32 $0x28000, s2  }
0x9: {  	_ =	strace $0x8000004D;
	s26 =	sor.u32 $0x1C0D, s23;
	s23 =	smul.u32 $0x2800, s13  }
0xa: {  	[dreg:$0x6] =	wrdreg s5;
	s7 =	sshrl.u32 s1, $0x4;
	s9 =	sor.u32 s13, s9  }
0xb: {  	s11 =	sshrl.u32 s10, $0x1;
	s13 =	simm.s32 $0x3;
	[dreg:$0x9] =	wrdreg s26  }
0xc: {  	s7 =	sadd.s32 s7, s0;
	s8 =	sadd.s32 s1, s8;
	s1 =	sshrl.u32 s1, $0x1  }
0xd: {  	s9 =	smul.u32 $0x2800, s9;
	s8 =	sshrl.u32 s8, $0x4;
	s1 =	sadd.s32 s1, s3  }
0xe: {  	s7 =	sadd.s32 $0x5DE00, s7;
	s0 =	sadd.s32 s8, s0;
	[dreg:$0x7] =	wrdreg s1  }
0xf: {  	s8 =	ssub.s32 s10, s11;
	[dreg:$0x8] =	wrdreg s7;
	s22 =	sadd.s32 $0x1000, s9  }
0x10: {  	s24 =	sshrl.u32 s9, $0x3;
	s9 =	sadd.s32 $0x1200, s9;
	[dreg:$0x4] =	wrdreg s22  }
0x11: {  	s25 =	sadd.s32 s5, s24;
	s28 =	sadd.s32 s12, s24;
	[dreg:$0x5] =	wrdreg s9  }
0x12: {  	s30 =	sor.u32 $0x40, s24;
	s3 =	sor.u32 $0x80, s24;
	[dreg:$0xa] =	wrdreg s25  }
0x13: {  	s17 =	sor.u32 $0xC0, s24;
	s0 =	sadd.s32 $0x16400, s0;
	[dreg:$0xb] =	wrdreg s28  }
0x14: {  	s18 =	sadd.s32 $0x100, s24;
	s14 =	sadd.s32 s5, s30;
	[dreg:$0x16] =	wrdreg s0  }
0x15: {  	s21 =	sadd.s32 $0x140, s24;
	s1 =	sadd.s32 s12, s30;
	[dreg:$0xc] =	wrdreg s14  }
0x16: {  	s9 =	simm.s32 $0x9;
	s15 =	sadd.s32 s5, s3;
	[dreg:$0xd] =	wrdreg s1  }
0x17: {  	s16 =	sadd.s32 s12, s3;
	s19 =	sadd.s32 s5, s17;
	[dreg:$0xe] =	wrdreg s15  }
0x18: {  	s20 =	sadd.s32 s5, s18;
	s7 =	sadd.s32 s12, s18;
	[dreg:$0xf] =	wrdreg s16  }
0x19: {  	s24 =	sadd.s32 s5, s21;
	s25 =	sadd.s32 s23, s2;
	[dreg:$0x10] =	wrdreg s19  }
0x1a: {  	s28 =	smax.u32 s8, $0x1;
	s8 =	simm.s32 $0x800;
	[dreg:$0x12] =	wrdreg s20  }
0x1b: {  	s2 =	simm.s32 $0x400;
	s3 =	simm.s32 $0x8;
	[dreg:$0x13] =	wrdreg s7  }
0x1c: {  	s5 =	simm.s32 $0x0;
	s1 =	sadd.s32 s12, s17;
	[dreg:$0x14] =	wrdreg s24  }
0x1d: {  	[dreg:$0x17] =	wrdreg s28;
	s30 =	sadd.s32 $0xE00, s25;
	s0 =	sadd.s32 $0xC00, s25  }
0x1e: {  	s7 =	simm.s32 $0x2;
	s14 =	simm.s32 $0x5000;
	s15 =	simm.s32 $0x6  }
0x1f: {  	s16 =	simm.s32 $0x9000;
	s17 =	simm.s32 $0x600;
	s20 =	simm.s32 $0x7  }
0x20: {  	s19 =	simm.s32 $0x4;
	s24 =	simm.s32 $0xA;
	[dreg:$0x11] =	wrdreg s1  }
0x21: {  	s1 =	sadd.s32 s12, s21;
	s25 =	sshrl.u32 s30, $0x3;
	s22 =	sshrl.u32 s0, $0x3  }
0x22: {  	s12 =	simm.s32 $0xC00;
	[dreg:$0x15] =	wrdreg s1;
	s1 =	simm.s32 $0xD  }
.LBB2_1:
0x23: {  	[dreg:$0x18] =	wrdreg s5  }
0x24: {  	s0 =	rddreg [dreg:$0x7]  }
0x25: {  	s18 =	rddreg [dreg:$0x8];
	s11 =	sshrl.u32 s0, $0x3  }
0x26: {  	[dreg:$0x19] =	wrdreg s11  }
0x27: {  	[spmem:s11], [sflag:s26] =	dma.local [hbm:s18], $0xA00  }
0x28: {  	_ =	swait.ge [sflag:s1], $0xA00  }
0x29: {  	[sflag:s1] =	ssyncset.done $0x0  }
0x2a: {  	[sflag:s1] =	ssyncadd.s32 $0xFFFFF600  }
0x2b: {  	[bflag:$0x0] =	sbarrier.arrive $0xFFFF  }
0x2c: {  	s21 =	rddreg [dreg:$0xa]  }
0x2d: {  	[tilespmem:s4], [sflag:$0x1] =	stream.linear.gather [hbm4b:s21+s4], $0x200, $0x38;
	[tilespmem:$0x16000] =	vst v63  }
0x2e: {  	s23 =	rddreg [dreg:$0xb]  }
0x2f: {  	[tilespmem:s8], [sflag:$0x1] =	stream.linear.gather [hbm4b:s23+s4], $0x200, $0x38;
	[tilespmem:$0x16000] =	vst v63  }
0x30: {  	s26 =	rddreg [dreg:$0xc]  }
0x31: {  	[tilespmem:s29], [sflag:$0x2] =	stream.linear.gather [hbm4b:s26+s4], $0x200, $0x38;
	[tilespmem:$0x16000] =	vst v63  }
0x32: {  	s10 =	simm.s32 $0xA00;
	s1 =	rddreg [dreg:$0xd]  }
0x33: {  	[tilespmem:s10], [sflag:$0x2] =	stream.linear.gather [hbm4b:s1+s4], $0x200, $0x38;
	[tilespmem:$0x16000] =	vst v63  }
0x34: {  	_ =	swait.ge [sflag:s31], $0x200  }
0x35: {  	[sflag:s31] =	ssyncset.done $0x0  }
0x36: {  	[sflag:s31] =	ssyncadd.s32 $0xFFFFFE00  }
0x37: {  	_ =	swait.ge [sflag:s31], $0x200  }
0x38: {  	[sflag:s31] =	ssyncset.done $0x0  }
0x39: {  	s11 =	simm.s32 $0x1000;
	s1 =	simm.s32 $0x5;
	[sflag:s31] =	ssyncadd.s32 $0xFFFFFE00  }
0x3a: {  	[tilespmem:s11], [sflag:$0x5] =	stream.indirect.gather [hbm4b:s6+s29], $0x20, s4, s29, $0xb8;
	[tilespmem:$0x16000] =	vst v63  }
0x3b: {  	_ =	swait.ge [sflag:s1], $0x4000  }
0x3c: {  	[sflag:s1] =	ssyncset.done $0x0  }
0x3d: {  	[sflag:s1] =	ssyncadd.s32 $0xFFFFC000  }
0x3e: {  	_ =	swait.ge [sflag:s7], $0x200  }
0x3f: {  	[sflag:s7] =	ssyncset.done $0x0  }
0x40: {  	[sflag:s7] =	ssyncadd.s32 $0xFFFFFE00  }
0x41: {  	_ =	swait.ge [sflag:s7], $0x200  }
0x42: {  	[sflag:s7] =	ssyncset.done $0x0  }
0x43: {  	[sflag:s7] =	ssyncadd.s32 $0xFFFFFE00  }
0x44: {  	[tilespmem:s14], [sflag:$0x6] =	stream.indirect.gather [hbm4b:s6+s29], $0x20, s29, s29, $0xb8;
	[tilespmem:$0x16000] =	vst v63  }
0x45: {  	s5 =	rddreg [dreg:$0xe]  }
0x46: {  	[tilespmem:s2], [sflag:$0x3] =	stream.linear.gather [hbm4b:s5+s4], $0x200, $0x38;
	[tilespmem:$0x16000] =	vst v63  }
0x47: {  	s18 =	rddreg [dreg:$0xf]  }
0x48: {  	[tilespmem:s12], [sflag:$0x3] =	stream.linear.gather [hbm4b:s18+s4], $0x200, $0x38;
	[tilespmem:$0x16000] =	vst v63  }
0x49: {  	s5 =	rddreg [dreg:$0x2]  }
0x4a: {  	[spmem:s5] =	stream.indirect.scatter.add.bf16 [tilespmem:s11], [sflag:$0x9], $0x20, s8, s29, $0xb8;
	[tilespmem:$0x16000] =	vst v63  }
0x4b: {  	_ =	swait.ge [sflag:s15], $0x4000  }
0x4c: {  	[sflag:s15] =	ssyncset.done $0x0  }
0x4d: {  	[sflag:s15] =	ssyncadd.s32 $0xFFFFC000  }
0x4e: {  	_ =	swait.ge [sflag:s13], $0x200  }
0x4f: {  	[sflag:s13] =	ssyncset.done $0x0  }
0x50: {  	[sflag:s13] =	ssyncadd.s32 $0xFFFFFE00  }
0x51: {  	_ =	swait.ge [sflag:s13], $0x200  }
0x52: {  	[sflag:s13] =	ssyncset.done $0x0  }
0x53: {  	[sflag:s13] =	ssyncadd.s32 $0xFFFFFE00  }
0x54: {  	[tilespmem:s16], [sflag:$0x7] =	stream.indirect.gather [hbm4b:s6+s29], $0x20, s2, s29, $0xb8;
	[tilespmem:$0x16000] =	vst v63  }
0x55: {  	s21 =	rddreg [dreg:$0x10]  }
0x56: {  	[tilespmem:s17], [sflag:$0x4] =	stream.linear.gather [hbm4b:s21+s4], $0x200, $0x38;
	[tilespmem:$0x16000] =	vst v63  }
0x57: {  	s18 =	simm.s32 $0xE00;
	s23 =	rddreg [dreg:$0x11]  }
0x58: {  	[tilespmem:s18], [sflag:$0x4] =	stream.linear.gather [hbm4b:s23+s4], $0x200, $0x38;
	[tilespmem:$0x16000] =	vst v63  }
0x59: {  	_ = 	snop  }
0x5a: {  	[spmem:s5] =	stream.indirect.scatter.add.bf16 [tilespmem:s14], [sflag:$0xA], $0x20, s10, s29, $0xb8;
	[tilespmem:$0x16000] =	vst v63  }
0x5b: {  	_ =	swait.ge [sflag:s20], $0x4000  }
0x5c: {  	[sflag:s20] =	ssyncset.done $0x0  }
0x5d: {  	[sflag:s20] =	ssyncadd.s32 $0xFFFFC000  }
0x5e: {  	_ =	swait.ge [sflag:s9], $0x4000  }
0x5f: {  	[sflag:s9] =	ssyncset.done $0x0  }
0x60: {  	[sflag:s9] =	ssyncadd.s32 $0xFFFFC000  }
0x61: {  	_ =	swait.ge [sflag:s19], $0x200  }
0x62: {  	[sflag:s19] =	ssyncset.done $0x0  }
0x63: {  	[sflag:s19] =	ssyncadd.s32 $0xFFFFFE00  }
0x64: {  	_ =	swait.ge [sflag:s19], $0x200  }
0x65: {  	[sflag:s19] =	ssyncset.done $0x0  }
0x66: {  	s23 =	simm.s32 $0xD000;
	[sflag:s19] =	ssyncadd.s32 $0xFFFFFE00  }
0x67: {  	[tilespmem:s23], [sflag:$0x8] =	stream.indirect.gather [hbm4b:s6+s29], $0x20, s17, s29, $0xb8;
	[tilespmem:$0x16000] =	vst v63  }
0x68: {  	s26 =	rddreg [dreg:$0x12]  }
0x69: {  	[tilespmem:s4], [sflag:$0x1] =	stream.linear.gather [hbm4b:s26+s4], $0x200, $0x38;
	[tilespmem:$0x16000] =	vst v63  }
0x6a: {  	s21 =	rddreg [dreg:$0x13]  }
0x6b: {  	[tilespmem:s8], [sflag:$0x1] =	stream.linear.gather [hbm4b:s21+s4], $0x200, $0x38;
	[tilespmem:$0x16000] =	vst v63  }
0x6c: {  	_ = 	snop  }
0x6d: {  	[spmem:s5] =	stream.indirect.scatter.add.bf16 [tilespmem:s16], [sflag:$0xB], $0x20, s12, s29, $0xb8;
	[tilespmem:$0x16000] =	vst v63  }
0x6e: {  	_ =	swait.ge [sflag:s3], $0x4000  }
0x6f: {  	[sflag:s3] =	ssyncset.done $0x0  }
0x70: {  	[sflag:s3] =	ssyncadd.s32 $0xFFFFC000  }
0x71: {  	_ =	swait.ge [sflag:s24], $0x4000  }
0x72: {  	[sflag:s24] =	ssyncset.done $0x0  }
0x73: {  	[sflag:s24] =	ssyncadd.s32 $0xFFFFC000  }
0x74: {  	_ =	swait.ge [sflag:s31], $0x200  }
0x75: {  	[sflag:s31] =	ssyncset.done $0x0  }
0x76: {  	[sflag:s31] =	ssyncadd.s32 $0xFFFFFE00  }
0x77: {  	_ =	swait.ge [sflag:s31], $0x200  }
0x78: {  	[sflag:s31] =	ssyncset.done $0x0  }
0x79: {  	[sflag:s31] =	ssyncadd.s32 $0xFFFFFE00  }
0x7a: {  	[tilespmem:s11], [sflag:$0x5] =	stream.indirect.gather [hbm4b:s6+s29], $0x20, s4, s29, $0xb8;
	[tilespmem:$0x16000] =	vst v63  }
0x7b: {  	s26 =	rddreg [dreg:$0x14]  }
0x7c: {  	[tilespmem:s29], [sflag:$0x2] =	stream.linear.gather [hbm4b:s26+s4], $0x200, $0x38;
	[tilespmem:$0x16000] =	vst v63  }
0x7d: {  	s21 =	rddreg [dreg:$0x15]  }
0x7e: {  	[tilespmem:s10], [sflag:$0x2] =	stream.linear.gather [hbm4b:s21+s4], $0x200, $0x38;
	[tilespmem:$0x16000] =	vst v63  }
0x7f: {  	_ = 	snop  }
0x80: {  	[spmem:s5] =	stream.indirect.scatter.add.bf16 [tilespmem:s23], [sflag:$0xC], $0x20, s18, s29, $0xb8;
	[tilespmem:$0x16000] =	vst v63  }
0x81: {  	_ =	swait.ge [sflag:s1], $0x4000  }
0x82: {  	[sflag:s1] =	ssyncset.done $0x0  }
0x83: {  	s26 =	simm.s32 $0xB;
	[sflag:s1] =	ssyncadd.s32 $0xFFFFC000  }
0x84: {  	_ =	swait.ge [sflag:s26], $0x4000  }
0x85: {  	[sflag:s26] =	ssyncset.done $0x0  }
0x86: {  	[sflag:s26] =	ssyncadd.s32 $0xFFFFC000  }
0x87: {  	_ =	swait.ge [sflag:s7], $0x200  }
0x88: {  	[sflag:s7] =	ssyncset.done $0x0  }
0x89: {  	[sflag:s7] =	ssyncadd.s32 $0xFFFFFE00  }
0x8a: {  	_ =	swait.ge [sflag:s7], $0x200  }
0x8b: {  	[sflag:s7] =	ssyncset.done $0x0  }
0x8c: {  	s21 =	rddreg [dreg:$0x6];
	[sflag:s7] =	ssyncadd.s32 $0xFFFFFE00  }
0x8d: {  	[tilespmem:s14], [sflag:$0x6] =	stream.indirect.gather [hbm4b:s6+s29], $0x20, s29, s29, $0xb8;
	[tilespmem:$0x16000] =	vst v63  }
0x8e: {  	s0 =	sadd.s32 s21, s22  }
0x8f: {  	[tilespmem:s2], [sflag:$0x3] =	stream.linear.gather [hbm4b:s0+s4], $0x200, $0x38;
	[tilespmem:$0x16000] =	vst v63  }
0x90: {  	s0 =	rddreg [dreg:$0x1]  }
0x91: {  	s26 =	sadd.s32 s0, s22  }
0x92: {  	[tilespmem:s12], [sflag:$0x3] =	stream.linear.gather [hbm4b:s26+s4], $0x200, $0x38;
	[tilespmem:$0x16000] =	vst v63  }
0x93: {  	_ = 	snop  }
0x94: {  	[spmem:s5] =	stream.indirect.scatter.add.bf16 [tilespmem:s11], [sflag:$0x9], $0x20, s8, s29, $0xb8;
	[tilespmem:$0x16000] =	vst v63  }
0x95: {  	_ =	swait.ge [sflag:s15], $0x4000  }
0x96: {  	[sflag:s15] =	ssyncset.done $0x0  }
0x97: {  	s26 =	simm.s32 $0xC;
	[sflag:s15] =	ssyncadd.s32 $0xFFFFC000  }
0x98: {  	_ =	swait.ge [sflag:s26], $0x4000  }
0x99: {  	[sflag:s26] =	ssyncset.done $0x0  }
0x9a: {  	[sflag:s26] =	ssyncadd.s32 $0xFFFFC000  }
0x9b: {  	_ =	swait.ge [sflag:s13], $0x200  }
0x9c: {  	[sflag:s13] =	ssyncset.done $0x0  }
0x9d: {  	[sflag:s13] =	ssyncadd.s32 $0xFFFFFE00  }
0x9e: {  	_ =	swait.ge [sflag:s13], $0x200  }
0x9f: {  	[sflag:s13] =	ssyncset.done $0x0  }
0xa0: {  	[sflag:s13] =	ssyncadd.s32 $0xFFFFFE00  }
0xa1: {  	[tilespmem:s16], [sflag:$0x7] =	stream.indirect.gather [hbm4b:s6+s29], $0x20, s2, s29, $0xb8;
	[tilespmem:$0x16000] =	vst v63  }
0xa2: {  	s2 =	sadd.s32 s21, s25  }
0xa3: {  	[tilespmem:s17], [sflag:$0x4] =	stream.linear.gather [hbm4b:s2+s4], $0x200, $0x38;
	[tilespmem:$0x16000] =	vst v63  }
0xa4: {  	s11 =	sadd.s32 s0, s25  }
0xa5: {  	[tilespmem:s18], [sflag:$0x4] =	stream.linear.gather [hbm4b:s11+s4], $0x200, $0x38;
	[tilespmem:$0x16000] =	vst v63  }
0xa6: {  	_ = 	snop  }
0xa7: {  	[spmem:s5] =	stream.indirect.scatter.add.bf16 [tilespmem:s14], [sflag:$0xA], $0x20, s10, s29, $0xb8;
	[tilespmem:$0x16000] =	vst v63  }
0xa8: {  	_ =	swait.ge [sflag:s20], $0x4000  }
0xa9: {  	[sflag:s20] =	ssyncset.done $0x0  }
0xaa: {  	[sflag:s20] =	ssyncadd.s32 $0xFFFFC000  }
0xab: {  	_ =	swait.ge [sflag:s9], $0x4000  }
0xac: {  	[sflag:s9] =	ssyncset.done $0x0  }
0xad: {  	[sflag:s9] =	ssyncadd.s32 $0xFFFFC000  }
0xae: {  	_ =	swait.ge [sflag:s19], $0x200  }
0xaf: {  	[sflag:s19] =	ssyncset.done $0x0  }
0xb0: {  	[sflag:s19] =	ssyncadd.s32 $0xFFFFFE00  }
0xb1: {  	s15 =	smin.u32 s4, $0xB;
	_ =	swait.ge [sflag:s19], $0x200  }
0xb2: {  	s1 =	sshll.u32 s15, $0x9;
	[sflag:s19] =	ssyncset.done $0x0;
	s18 =	rddreg [dreg:$0x4]  }
0xb3: {  	[sflag:s19] =	ssyncadd.s32 $0xFFFFFE00;
	s1 =	sadd.s32 s1, s18  }
0xb4: {  	[tilespmem:s23], [sflag:$0x8] =	stream.indirect.gather [hbm4b:s6+s29], $0x20, s17, s29, $0xb8;
	[tilespmem:$0x16000] =	vst v63  }
0xb5: {  	s1 =	sshrl.u32 s1, $0x3  }
0xb6: {  	s20 =	sadd.s32 s21, s1  }
0xb7: {  	[tilespmem:s4], [sflag:$0x1] =	stream.linear.gather [hbm4b:s20+s4], $0x200, $0x38;
	[tilespmem:$0x16000] =	vst v63  }
0xb8: {  	s1 =	sadd.s32 s0, s1  }
0xb9: {  	[tilespmem:s8], [sflag:$0x1] =	stream.linear.gather [hbm4b:s1+s4], $0x200, $0x38;
	[tilespmem:$0x16000] =	vst v63  }
0xba: {  	_ = 	snop  }
0xbb: {  	[spmem:s5] =	stream.indirect.scatter.add.bf16 [tilespmem:s16], [sflag:$0xB], $0x20, s12, s29, $0xb8;
	[tilespmem:$0x16000] =	vst v63  }
0xbc: {  	_ =	swait.ge [sflag:s3], $0x4000  }
0xbd: {  	[sflag:s3] =	ssyncset.done $0x0  }
0xbe: {  	[sflag:s3] =	ssyncadd.s32 $0xFFFFC000  }
0xbf: {  	_ =	swait.ge [sflag:s24], $0x4000  }
0xc0: {  	[sflag:s24] =	ssyncset.done $0x0  }
0xc1: {  	[sflag:s24] =	ssyncadd.s32 $0xFFFFC000  }
0xc2: {  	_ =	swait.ge [sflag:s31], $0x200  }
0xc3: {  	s26 =	simm.s32 $0x4;
	s11 =	smov.u32 s22;
	[sflag:s31] =	ssyncset.done $0x0  }
0xc4: {  	s9 =	simm.s32 $0x9;
	s17 =	simm.s32 $0x6;
	[sflag:s31] =	ssyncadd.s32 $0xFFFFFE00  }
0xc5: {  	s3 =	simm.s32 $0x8;
	s24 =	smin.u32 s4, $0xA;
	_ =	swait.ge [sflag:s31], $0x200  }
0xc6: {  	s28 =	sshll.u32 s24, $0x9;
	s23 =	rddreg [dreg:$0x5];
	[sflag:s31] =	ssyncset.done $0x0  }
0xc7: {  	[sflag:s31] =	ssyncadd.s32 $0xFFFFFE00;
	s1 =	sadd.s32 s28, s23;
	s28 =	sadd.s32 $0x100, s21  }
0xc8: {  	s23 =	simm.s32 $0x7;
	s30 =	sshrl.u32 s1, $0x3;
	s1 =	sadd.s32 $0x100, s0  }
.LBB2_2:
0xc9: {  	s14 =	simm.s32 $0x1000;
	s24 =	rddreg [dreg:$0x6]  }
0xca: {  	[tilespmem:s14], [sflag:$0x5] =	stream.indirect.gather [hbm4b:s6+s29], $0x20, s4, s29, $0xb8;
	[tilespmem:$0x16000] =	vst v63  }
0xcb: {  	s10 =	rddreg [dreg:$0x1];
	s0 =	sadd.s32 s24, s30  }
0xcc: {  	[tilespmem:s29], [sflag:$0x2] =	stream.linear.gather [hbm4b:s0+s4], $0x200, $0x38;
	[tilespmem:$0x16000] =	vst v63  }
0xcd: {  	s15 =	simm.s32 $0xA00;
	s5 =	rddreg [dreg:$0x2];
	s8 =	sadd.s32 s10, s30  }
0xce: {  	[tilespmem:s15], [sflag:$0x2] =	stream.linear.gather [hbm4b:s8+s4], $0x200, $0x38;
	[tilespmem:$0x16000] =	vst v63  }
0xcf: {  	s20 =	simm.s32 $0xD000;
	s22 =	simm.s32 $0x5;
	s8 =	simm.s32 $0xE00  }
0xd0: {  	[spmem:s5] =	stream.indirect.scatter.add.bf16 [tilespmem:s20], [sflag:$0xC], $0x20, s8, s29, $0xb8;
	[tilespmem:$0x16000] =	vst v63  }
0xd1: {  	_ =	swait.ge [sflag:s22], $0x4000  }
0xd2: {  	[sflag:s22] =	ssyncset.done $0x0  }
0xd3: {  	s2 =	simm.s32 $0xB;
	[sflag:s22] =	ssyncadd.s32 $0xFFFFC000  }
0xd4: {  	_ =	swait.ge [sflag:s2], $0x4000  }
0xd5: {  	[sflag:s2] =	ssyncset.done $0x0  }
0xd6: {  	[sflag:s2] =	ssyncadd.s32 $0xFFFFC000  }
0xd7: {  	_ =	swait.ge [sflag:s7], $0x200  }
0xd8: {  	[sflag:s7] =	ssyncset.done $0x0  }
0xd9: {  	[sflag:s7] =	ssyncadd.s32 $0xFFFFFE00  }
0xda: {  	_ =	swait.ge [sflag:s7], $0x200  }
0xdb: {  	[sflag:s7] =	ssyncset.done $0x0  }
0xdc: {  	s21 =	simm.s32 $0x5000;
	[sflag:s7] =	ssyncadd.s32 $0xFFFFFE00  }
0xdd: {  	[tilespmem:s21], [sflag:$0x6] =	stream.indirect.gather [hbm4b:s6+s29], $0x20, s29, s29, $0xb8;
	[tilespmem:$0x16000] =	vst v63  }
0xde: {  	s12 =	sadd.s32 s28, s11;
	s22 =	simm.s32 $0x400  }
0xdf: {  	[tilespmem:s22], [sflag:$0x3] =	stream.linear.gather [hbm4b:s12+s4], $0x200, $0x38;
	[tilespmem:$0x16000] =	vst v63  }
0xe0: {  	s16 =	sadd.s32 s1, s11;
	s2 =	simm.s32 $0xC00  }
0xe1: {  	[tilespmem:s2], [sflag:$0x3] =	stream.linear.gather [hbm4b:s16+s4], $0x200, $0x38;
	[tilespmem:$0x16000] =	vst v63  }
0xe2: {  	s12 =	simm.s32 $0x800  }
0xe3: {  	[spmem:s5] =	stream.indirect.scatter.add.bf16 [tilespmem:s14], [sflag:$0x9], $0x20, s12, s29, $0xb8;
	[tilespmem:$0x16000] =	vst v63  }
0xe4: {  	_ =	swait.ge [sflag:s17], $0x4000  }
0xe5: {  	[sflag:s17] =	ssyncset.done $0x0  }
0xe6: {  	s18 =	simm.s32 $0xC;
	[sflag:s17] =	ssyncadd.s32 $0xFFFFC000  }
0xe7: {  	_ =	swait.ge [sflag:s18], $0x4000  }
0xe8: {  	[sflag:s18] =	ssyncset.done $0x0  }
0xe9: {  	[sflag:s18] =	ssyncadd.s32 $0xFFFFC000  }
0xea: {  	_ =	swait.ge [sflag:s13], $0x200  }
0xeb: {  	[sflag:s13] =	ssyncset.done $0x0  }
0xec: {  	[sflag:s13] =	ssyncadd.s32 $0xFFFFFE00  }
0xed: {  	_ =	swait.ge [sflag:s13], $0x200  }
0xee: {  	[sflag:s13] =	ssyncset.done $0x0  }
0xef: {  	s31 =	simm.s32 $0x9000;
	[sflag:s13] =	ssyncadd.s32 $0xFFFFFE00  }
0xf0: {  	[tilespmem:s31], [sflag:$0x7] =	stream.indirect.gather [hbm4b:s6+s29], $0x20, s22, s29, $0xb8;
	[tilespmem:$0x16000] =	vst v63  }
0xf1: {  	s18 =	simm.s32 $0x600;
	s22 =	sadd.s32 s28, s25  }
0xf2: {  	[tilespmem:s18], [sflag:$0x4] =	stream.linear.gather [hbm4b:s22+s4], $0x200, $0x38;
	[tilespmem:$0x16000] =	vst v63  }
0xf3: {  	s14 =	sadd.s32 s1, s25  }
0xf4: {  	[tilespmem:s8], [sflag:$0x4] =	stream.linear.gather [hbm4b:s14+s4], $0x200, $0x38;
	[tilespmem:$0x16000] =	vst v63  }
0xf5: {  	_ = 	snop  }
0xf6: {  	[spmem:s5] =	stream.indirect.scatter.add.bf16 [tilespmem:s21], [sflag:$0xA], $0x20, s15, s29, $0xb8;
	[tilespmem:$0x16000] =	vst v63  }
0xf7: {  	_ =	swait.ge [sflag:s23], $0x4000  }
0xf8: {  	[sflag:s23] =	ssyncset.done $0x0  }
0xf9: {  	[sflag:s23] =	ssyncadd.s32 $0xFFFFC000  }
0xfa: {  	_ =	swait.ge [sflag:s9], $0x4000  }
0xfb: {  	[sflag:s9] =	ssyncset.done $0x0  }
0xfc: {  	[sflag:s9] =	ssyncadd.s32 $0xFFFFC000  }
0xfd: {  	_ =	swait.ge [sflag:s19], $0x200  }
0xfe: {  	[sflag:s19] =	ssyncset.done $0x0  }
0xff: {  	s30 =	smov.u32 s26;
	[sflag:s19] =	ssyncadd.s32 $0xFFFFFE00  }
0x100: {  	s15 =	smin.u32 s30, $0xB;
	_ =	swait.ge [sflag:s19], $0x200  }
0x101: {  	s0 =	sshll.u32 s15, $0x9;
	[sflag:s19] =	ssyncset.done $0x0;
	s21 =	rddreg [dreg:$0x4]  }
0x102: {  	[sflag:s19] =	ssyncadd.s32 $0xFFFFFE00;
	s0 =	sadd.s32 s0, s21  }
0x103: {  	[tilespmem:s20], [sflag:$0x8] =	stream.indirect.gather [hbm4b:s6+s29], $0x20, s18, s29, $0xb8;
	[tilespmem:$0x16000] =	vst v63  }
0x104: {  	s0 =	sshrl.u32 s0, $0x3  }
0x105: {  	s18 =	sadd.s32 s24, s0  }
0x106: {  	[tilespmem:s4], [sflag:$0x1] =	stream.linear.gather [hbm4b:s18+s4], $0x200, $0x38;
	[tilespmem:$0x16000] =	vst v63  }
0x107: {  	s0 =	sadd.s32 s10, s0  }
0x108: {  	[tilespmem:s12], [sflag:$0x1] =	stream.linear.gather [hbm4b:s0+s4], $0x200, $0x38;
	[tilespmem:$0x16000] =	vst v63  }
0x109: {  	_ = 	snop  }
0x10a: {  	[spmem:s5] =	stream.indirect.scatter.add.bf16 [tilespmem:s31], [sflag:$0xB], $0x20, s2, s29, $0xb8;
	[tilespmem:$0x16000] =	vst v63  }
0x10b: {  	_ =	swait.ge [sflag:s3], $0x4000  }
0x10c: {  	[sflag:s3] =	ssyncset.done $0x0  }
0x10d: {  	s24 =	simm.s32 $0xA;
	[sflag:s3] =	ssyncadd.s32 $0xFFFFC000  }
0x10e: {  	_ =	swait.ge [sflag:s24], $0x4000  }
0x10f: {  	[sflag:s24] =	ssyncset.done $0x0  }
0x110: {  	s31 =	simm.s32 $0x1;
	[sflag:s24] =	ssyncadd.s32 $0xFFFFC000  }
0x111: {  	p0 =	sne.s32 s26, $0xC;
	_ =	swait.ge [sflag:s31], $0x200  }
0x112: {  	s26 =	sadd.s32 $0x4, s26;
	s16 =	simm.s32 $0x1000;
	[sflag:s31] =	ssyncset.done $0x0  }
.Ltmp0:
0x113: {  	s1 =	sadd.s32 $0x100, s1;
	[sflag:s31] =	ssyncadd.s32 $0xFFFFFE00;
	(pc) =	sbr.rel @p0 .LBB2_2-.Ltmp0, $4  }
0x114: {  	s28 =	sadd.s32 $0x100, s28;
	s21 =	smin.u32 s30, $0xA;
	_ =	swait.ge [sflag:s31], $0x200  }
0x115: {  	s22 =	simm.s32 $0xE00;
	s8 =	sshll.u32 s21, $0x9;
	s20 =	rddreg [dreg:$0x5]  }
0x116: {  	s14 =	simm.s32 $0xA00;
	[sflag:s31] =	ssyncset.done $0x0;
	s0 =	sadd.s32 s8, s20  }
0x117: {  	s15 =	simm.s32 $0xD000;
	[sflag:s31] =	ssyncadd.s32 $0xFFFFFE00;
	s30 =	sshrl.u32 s0, $0x3  }
0x118: {  	[tilespmem:s16], [sflag:$0x5] =	stream.indirect.gather [hbm4b:s6+s29], $0x20, s4, s29, $0xb8;
	[tilespmem:$0x16000] =	vst v63  }
0x119: {  	s0 =	rddreg [dreg:$0x6]  }
0x11a: {  	s20 =	rddreg [dreg:$0x1];
	s0 =	sadd.s32 s0, s30  }
0x11b: {  	[tilespmem:s29], [sflag:$0x2] =	stream.linear.gather [hbm4b:s0+s4], $0x200, $0x38;
	[tilespmem:$0x16000] =	vst v63  }
0x11c: {  	s0 =	sadd.s32 s20, s30  }
0x11d: {  	[tilespmem:s14], [sflag:$0x2] =	stream.linear.gather [hbm4b:s0+s4], $0x200, $0x38;
	[tilespmem:$0x16000] =	vst v63  }
0x11e: {  	s21 =	rddreg [dreg:$0x2]  }
0x11f: {  	[spmem:s21] =	stream.indirect.scatter.add.bf16 [tilespmem:s15], [sflag:$0xC], $0x20, s22, s29, $0xb8;
	[tilespmem:$0x16000] =	vst v63  }
0x120: {  	s22 =	simm.s32 $0x5  }
0x121: {  	_ =	swait.ge [sflag:s22], $0x4000  }
0x122: {  	[sflag:s22] =	ssyncset.done $0x0  }
0x123: {  	[sflag:s22] =	ssyncadd.s32 $0xFFFFC000  }
0x124: {  	_ =	swait.ge [sflag:s7], $0x200  }
0x125: {  	[sflag:s7] =	ssyncset.done $0x0  }
0x126: {  	[sflag:s7] =	ssyncadd.s32 $0xFFFFFE00  }
0x127: {  	_ =	swait.ge [sflag:s7], $0x200  }
0x128: {  	[sflag:s7] =	ssyncset.done $0x0  }
0x129: {  	s23 =	simm.s32 $0xB;
	[sflag:s7] =	ssyncadd.s32 $0xFFFFFE00  }
0x12a: {  	_ =	swait.ge [sflag:s23], $0x4000  }
0x12b: {  	[sflag:s23] =	ssyncset.done $0x0  }
0x12c: {  	s26 =	simm.s32 $0xC;
	[sflag:s23] =	ssyncadd.s32 $0xFFFFC000  }
0x12d: {  	_ =	swait.ge [sflag:s26], $0x4000  }
0x12e: {  	[sflag:s26] =	ssyncset.done $0x0  }
0x12f: {  	[sflag:s26] =	ssyncadd.s32 $0xFFFFC000  }
0x130: {  	[bflag:$0x0] =	sbarrier.arrive $0xFFFF  }
0x131: {  	s26 =	rddreg [dreg:$0x9]  }
0x132: {  	s28 =	rddreg [dreg:$0x16]  }
0x133: {  	s1 =	rddreg [dreg:$0x19]  }
0x134: {  	[hbm:s28], [sflag:s26] =	dma.local [spmem:s1], $0xA00  }
0x135: {  	s1 =	simm.s32 $0xD  }
0x136: {  	_ =	swait.ge [sflag:s1], $0xA00  }
0x137: {  	s5 =	rddreg [dreg:$0x18]  }
0x138: {  	s30 =	rddreg [dreg:$0x17];
	s5 =	sadd.s32 $0x1, s5  }
0x139: {  	p0 =	sne.s32 s5, s30  }
.Ltmp1:
0x13a: {  	s8 =	simm.s32 $0x800;
	(pc) =	sbr.rel @p0 .LBB2_1-.Ltmp1, $4  }
0x13b: {  	s2 =	simm.s32 $0x400;
	s12 =	simm.s32 $0xC00;
	s16 =	simm.s32 $0x9000  }
0x13c: {  	s17 =	simm.s32 $0x600;
	s9 =	simm.s32 $0x9;
	s3 =	simm.s32 $0x8  }
0x13d: {  	s20 =	simm.s32 $0x7;
	s14 =	simm.s32 $0x5000;
	[sflag:s1] =	ssyncset.done $0x0  }
0x13e: {  	s15 =	simm.s32 $0x6;
	s22 =	smov.u32 s11;
	[sflag:s1] =	ssyncadd.s32 $0xFFFFF600  }
0x13f: {  	_ =	sfence.sel $0x180000  }
0x140: {  	[bflag:$0x0] =	sbarrier.arrive $0xFFFF  }
0x141: {  	_ =	strace $0x9000004D  }
0x142: {  	s0 =	stileid.u32;
	[bflag:$0x2] =	sbarrier.arrive $0xFFFF  }
0x143: {  	p0 =	sne.s32 s0, $0x0;
	s0 =	rddreg [dreg:$0x3]  }
0x144: {  	s0 =	sadd.s32 @!p0 $0x100000, s0  }
0x145: {  	[sflag:s0] =	ssyncadd.tile.s32 @!p0 $0x1;
	_ =	shalt  }
.Lfunc_end2:
_tile_overlayer_lowered:
.L_overlay_start_2:
0x146: {  	(tag) =	ssettag $0x2  }
0x147: {  	s0 =	rddreg [dreg:$0x0];
	s2 =	stileid.u32  }
0x148: {  	s1 =	rddreg [dreg:$0x1];
	p0 =	sne.s32 s2, $0x0  }
0x149: {  	s3 =	rddreg [dreg:$0x2];
	[bflag:$0x3] =	sbarrier.arrive $0xFFFF;
	s2 =	simm.s32 @!p0 $0x1C0D  }
0x14a: {  	[timem:s3], [sflag:s2] =	dma.local @!p0 [hbm:s0], s1  }
0x14b: {  	s0 =	simm.s32 @!p0 $0xD  }
0x14c: {  	_ =	swait.ge @!p0 [sflag:s0], s1  }
0x14d: {  	s1 =	ssub.s32 @!p0 $0x0, s1;
	[sflag:s0] =	ssyncset.done @!p0 $0x0  }
0x14e: {  	[sflag:s0] =	ssyncadd.s32 @!p0 s1  }
0x14f: {  	[bflag:$0x3] =	sbarrier.arrive $0xFFFF  }
0x150: {  	_ =	shalt  }

// kernel: kernel.9.cloned.1.call-start
scs
__scs_entry_jumppad:
0x0: {  	(pc) =	sbr.rel $0x88, $3  }
0x1: {  	(tag) =	ssettag $0x0;
	lr =	simm.s32 $0x1  }
0x2: {  	[smem:$0x3F9B] =	sst lr;
	_ =	strace $0xD0000000  }
0x3: {  	_ = 	snop  }
0x4: {  	_ = 	snop  }
0x5: {  	_ = 	snop  }
0x6: {  	_ = 	snop  }
0x7: {  	_ = 	snop  }
__scs_overlays_trampoline_lowered:
0x8: {  	[smem:$0x3FAA] =	sst s0  }
0x9: {  	[smem:$0x3FAB] =	sst s1  }
0xa: {  	[smem:$0x3FAC] =	sst s2  }
0xb: {  	[smem:$0x3FAD] =	sst s3  }
0xc: {  	[smem:$0x3FAE] =	sst s4  }
0xd: {  	[smem:$0x3FAF] =	sst s5  }
0xe: {  	[smem:$0x3FB0] =	sst s6  }
0xf: {  	[smem:$0x3FB1] =	sst s7  }
0x10: {  	[smem:$0x3FB2] =	sst s8  }
0x11: {  	[smem:$0x3FB3] =	sst s9;
	s0 =	simm.s32 @!p0 $0x0  }
0x12: {  	s1 =	sld [smem:$0x3F99];
	s0 =	simm.s32 @p0 $0x1  }
0x13: {  	[smem:$0x3FB4] =	sst s0;
	s0 =	simm.s32 @!p1 $0x0  }
0x14: {  	s2 =	sld [smem:$0x3F98];
	s0 =	simm.s32 @p1 $0x1  }
0x15: {  	[smem:$0x3FB5] =	sst s0;
	s0 =	simm.s32 @!p2 $0x0  }
0x16: {  	s3 =	sld [smem:$0x3FDB];
	s0 =	simm.s32 @p2 $0x1  }
0x17: {  	s4 =	simm.s32 $0x1BF5;
	[smem:$0x3FB7] =	sst s0  }
0x18: {  	s0 =	sld [smem:$0x3F9A];
	_ =	swait.ge [sflag:s4], $0x0  }
0x19: {  	s7 =	sld [smem:$0x3F9B]  }
0x1a: {  	s8 =	sadd.s32 $0xFFFFE003, lr  }
0x1b: {  	s9 =	sadd.s32 $0xFFFFFEF7, lr;
	s5 =	simm.s32 $0xFFFFFFFF;
	p2 =	slt.u32 s8, $0xFFFFF086  }
0x1c: {  	p1 =	slt.u32 s9, $0xF7A;
	s5 =	simm.s32 @!p2 $0x0  }
0x1d: {  	s5 =	simm.s32 @p1 $0x1;
	p0 =	seq.s32 s7, s2  }
0x1e: {  	s7 =	smul.u32 @!p0 $0xF7A, s2;
	p2 =	seq.s32 @!p0 s5, $0x0  }
0x1f: {  	s9 =	smul.u32 $0xF7A, s1;
	s8 =	simm.s32 @!p0 $0x1BF5;
	p2 =	por !p2, p0  }
0x20: {  	[sflag:s8] =	ssyncset.s32 @!p0 $0xFFFFF086;
	s6 =	sadd.s32 @!p0 s3, s7;
	s7 =	simm.s32 @!p0 $0x108  }
0x21: {  	s3 =	sadd.s32 s3, s9;
	s6 =	sadd.s32 @!p0 $0x88, s6;
	s7 =	simm.s32 @p2 $0x1082  }
0x22: {  	[simem:s7], [sflag:s8] =	dma.local @!p0 [hbm:s6], $0xF7A  }
0x23: {  	s9 =	sor.u32 $0xD0000000, s2;
	s6 =	simm.s32 $0x108;
	_ =	swait.ge @!p0 [sflag:s8], $0x0  }
0x24: {  	s3 =	sadd.s32 $0x88, s3;
	s6 =	simm.s32 @!p1 $0x1082;
	[sflag:s4] =	ssyncset.s32 $0xFFFFF086  }
0x25: {  	[simem:s6], [sflag:s4] =	dma.local [hbm:s3], $0xF7A  }
0x26: {  	[smem:$0x3F9B] =	sst s1;
	(tag) =	ssettag s2;
	_ =	strace s9  }
0x27: {  	s1 =	sld [smem:$0x3FAB]  }
0x28: {  	s2 =	sld [smem:$0x3FAC]  }
0x29: {  	s4 =	sld [smem:$0x3FAE]  }
0x2a: {  	p0 =	seq.s32 s5, $0x0;
	s5 =	sld [smem:$0x3FAF]  }
0x2b: {  	s6 =	sld [smem:$0x3FB0]  }
0x2c: {  	s7 =	sld [smem:$0x3FB1]  }
0x2d: {  	s3 =	simm.s32 $0x108;
	s8 =	sld [smem:$0x3FB2]  }
0x2e: {  	s3 =	simm.s32 @!p0 $0x1082;
	s9 =	sld [smem:$0x3FB3]  }
0x2f: {  	lr =	sadd.s32 s0, s3;
	s0 =	sld [smem:$0x3FAA]  }
0x30: {  	s3 =	sld [smem:$0x3FAD]  }
0x31: {  	[smem:$0x3FB6] =	sst s10  }
0x32: {  	s10 =	sld [smem:$0x3FB4];
	_ =	sdelay $0x3  }
0x33: {  	p0 =	seq.s32 s10, $0x1;
	s10 =	sld [smem:$0x3FB6];
	_ =	sdelay $0x3  }
0x34: {  	[smem:$0x3FB6] =	sst s10  }
0x35: {  	s10 =	sld [smem:$0x3FB5];
	_ =	sdelay $0x3  }
0x36: {  	p1 =	seq.s32 s10, $0x1;
	s10 =	sld [smem:$0x3FB6];
	_ =	sdelay $0x3  }
0x37: {  	[smem:$0x3FB6] =	sst s10  }
0x38: {  	s10 =	sld [smem:$0x3FB7]  }
0x39: {  	_ = 	snop;
	(pc) =	sbr.ind lr, $3  }
0x3a: {  	_ = 	snop  }
0x3b: {  	_ = 	snop  }
0x3c: {  	p2 =	seq.s32 s10, $0x1;
	s10 =	sld [smem:$0x3FB6]  }
0x3d: {  	_ =	shalt  }
0x3e: {  	_ =	shalt  }
0x3f: {  	_ =	shalt  }
0x40: {  	_ =	shalt  }
0x41: {  	_ =	shalt  }
0x42: {  	_ =	shalt  }
0x43: {  	_ =	shalt  }
0x44: {  	_ =	shalt  }
0x45: {  	_ =	shalt  }
0x46: {  	_ =	shalt  }
0x47: {  	_ =	shalt  }
0x48: {  	_ =	shalt  }
0x49: {  	_ =	shalt  }
0x4a: {  	_ =	shalt  }
0x4b: {  	_ =	shalt  }
0x4c: {  	_ =	shalt  }
0x4d: {  	_ =	shalt  }
0x4e: {  	_ =	shalt  }
0x4f: {  	_ =	shalt  }
0x50: {  	_ =	shalt  }
0x51: {  	_ =	shalt  }
0x52: {  	_ =	shalt  }
0x53: {  	_ =	shalt  }
0x54: {  	_ =	shalt  }
0x55: {  	_ =	shalt  }
0x56: {  	_ =	shalt  }
0x57: {  	_ =	shalt  }
0x58: {  	_ =	shalt  }
0x59: {  	_ =	shalt  }
0x5a: {  	_ =	shalt  }
0x5b: {  	_ =	shalt  }
0x5c: {  	_ =	shalt  }
0x5d: {  	_ =	shalt  }
0x5e: {  	_ =	shalt  }
0x5f: {  	_ =	shalt  }
0x60: {  	_ =	shalt  }
0x61: {  	_ =	shalt  }
0x62: {  	_ =	shalt  }
0x63: {  	_ =	shalt  }
0x64: {  	_ =	shalt  }
0x65: {  	_ =	shalt  }
0x66: {  	_ =	shalt  }
0x67: {  	_ =	shalt  }
0x68: {  	_ =	shalt  }
0x69: {  	_ =	shalt  }
0x6a: {  	_ =	shalt  }
0x6b: {  	_ =	shalt  }
0x6c: {  	_ =	shalt  }
0x6d: {  	_ =	shalt  }
0x6e: {  	_ =	shalt  }
0x6f: {  	_ =	shalt  }
0x70: {  	_ =	shalt  }
0x71: {  	_ =	shalt  }
0x72: {  	_ =	shalt  }
0x73: {  	_ =	shalt  }
0x74: {  	_ =	shalt  }
0x75: {  	_ =	shalt  }
0x76: {  	_ =	shalt  }
0x77: {  	_ =	shalt  }
0x78: {  	_ =	shalt  }
0x79: {  	_ =	shalt  }
0x7a: {  	_ =	shalt  }
0x7b: {  	_ =	shalt  }
0x7c: {  	_ =	shalt  }
0x7d: {  	_ =	shalt  }
0x7e: {  	_ =	shalt  }
0x7f: {  	_ =	shalt  }
0x80: {  	_ =	shalt  }
0x81: {  	_ =	shalt  }
0x82: {  	_ =	shalt  }
0x83: {  	_ =	shalt  }
0x84: {  	_ =	shalt  }
0x85: {  	_ =	shalt  }
0x86: {  	_ =	shalt  }
0x87: {  	_ =	shalt  }
.Lfunc_end0:
.L_simem_size_0:
called_computation_lowered:
.L_overlay_start_0:
0x88: {  	s2 =	sld [smem:$0x3FD9]  }
0x89: {  	s3 =	sld [smem:$0x3FFE];
	_ =	sdelay $0x1  }
0x8a: {  	s1 =	srdreg.scid  }
0x8b: {  	s0 =	sand.u32 $0x1, s1  }
0x8c: {  	s17 =	sshll.u32 s0, $0xA;
	s2 =	sadd.s32 s3, s2  }
0x8d: {  	s2 =	sadd.s32 s2, s17  }
0x8e: {  	[smem:$0x3FC2] =	sst s2  }
0x8f: {  	_ = 	snop  }
0x90: {  	s2 =	sld [smem:$0x3FD0];
	(tm) =	ssettm $0x1  }
0x91: {  	s18 =	sld [smem:$0x3FFB];
	_ =	sdelay $0x3  }
0x92: {  	_ =	strace s18  }
0x93: {  	s3 =	sld [smem:$0x3FFC];
	_ =	sdelay $0x3  }
0x94: {  	_ =	strace s3  }
0x95: {  	s3 =	sld [smem:$0x3FFD];
	_ =	sdelay $0x3  }
0x96: {  	_ =	strace s3  }
0x97: {  	_ =	strace $0x8FFFFFFF  }
0x98: {  	s19 =	sld [smem:$0x3FDB];
	_ =	sdelay $0x1  }
0x99: {  	s4 =	simm.s32 $_scs_section_size  }
0x9a: {  	s5 =	simm.s32 $_size__tile_overlayer_lowered;
	s6 =	simm.s32 $_tile_overlayer_lowered  }
0x9b: {  	s22 =	simm.s32 $0x1BFF;
	s21 =	sshll.u32 s6, $0x1;
	s3 =	sadd.s32 s4, s19  }
0x9c: {  	s7 =	simm.s32 $0x0;
	s20 =	sshll.u32 s5, $0x1;
	s5 =	sadd.s32 s21, s3  }
0x9d: {  	[timem:s7], [sflag:s22] =	dma.local [hbm:s5], s20  }
0x9e: {  	_ =	swait.ge [sflag:s22], s20  }
0x9f: {  	s4 =	ssub.s32 $0x0, s20;
	[sflag:s22] =	ssyncset.done $0x0  }
0xa0: {  	[sflag:s22] =	ssyncadd.s32 s4;
	_ =	sdelay $0x1  }
0xa1: {  	s23 =	simm.s32 $0x1B8B  }
0xa2: {  	_ =	swait.ge [sflag:s23], $0x1  }
0xa3: {  	[sflag:s23] =	ssyncset.done $0x0  }
0xa4: {  	s25 =	simm.s32 $0x1B8E;
	s24 =	sld [smem:$0x3FFE];
	[sflag:s23] =	ssyncadd.s32 $0xFFFFFFFF  }
0xa5: {  	s26 =	simm.s32 $execute0_lowered;
	[smem:$0x3FD2] =	sst s25  }
0xa6: {  	s5 =	sshll.u32 s26, $0x1;
	_ =	strace $0x80000046;
	[dreg:$0x1] =	wrdreg $0xFFFFFFFF  }
0xa7: {  	s28 =	simm.s32 $_size_execute0_lowered;
	s3 =	sadd.s32 s3, s5;
	[dreg:$0x0] =	wrdreg $0x0  }
0xa8: {  	s5 =	sshll.u32 s28, $0x1;
	[dreg:$0x2] =	wrdreg s3  }
0xa9: {  	[dreg:$0x3] =	wrdreg s5  }
0xaa: {  	[dreg:$0x4] =	wrdreg $0xC0  }
0xab: {  	_ =	task [dreg:s7], $0x5FFFF  }
0xac: {  	[dreg:$0x1] =	wrdreg $0xFFFFFFFF  }
0xad: {  	[dreg:$0x0] =	wrdreg $0x60  }
0xae: {  	[dreg:$0x2] =	wrdreg s24  }
0xaf: {  	[dreg:$0x3] =	wrdreg s2  }
0xb0: {  	[dreg:$0x4] =	wrdreg $0x9000  }
0xb1: {  	[dreg:$0x5] =	wrdreg $0xB800  }
0xb2: {  	[dreg:$0x6] =	wrdreg $0x9  }
0xb3: {  	_ =	task.clear_ibuf [dreg:s7], $0x7FFFF;
	_ =	strace $0x90000046  }
0xb4: {  	s29 =	simm.s32 $0x9;
	_ =	strace $0x80000048  }
0xb5: {  	_ =	swait.ge [sflag:s29], $0x1  }
0xb6: {  	[sflag:s29] =	ssyncadd.s32 $0xFFFFFFFF  }
0xb7: {  	_ =	strace $0x90000048  }
0xb8: {  	_ =	sfence  }
0xb9: {  	s30 =	sld [smem:$0x0];
	_ =	sdelay $0x2  }
0xba: {  	s31 =	sshll.u32 s1, $0xD;
	s1 =	sshrl.u32 s1, $0x2  }
0xbb: {  	s3 =	sand.u32 $0x4000, s31;
	s1 =	sadd.s32 s1, s30  }
0xbc: {  	s0 =	sor.u32 s3, s0;
	s1 =	sshll.u32 s1, $0x11  }
0xbd: {  	s0 =	sor.u32 s1, s0  }
0xbe: {  	s0 =	sadd.s32 $0x8F2B, s0  }
0xbf: {  	[sflag:s0] =	ssyncadd.remote.s32 $0x1  }
0xc0: {  	_ =	sfence.sel $0xFFFF  }
0xc1: {  	[dreg:$0x0] =	wrdreg $0xFFFFFFFF;
	(pc) =	sbr.abs _section_cstart, $3  }
0xc2: {  	[dreg:$0x1] =	wrdreg $0xFFFFFFFF  }
0xc3: {  	_ =	task.clear_ibuf [dreg:s7], $0x2FFFF;
	_ =	strace $0x9FFFFFFF  }
0xc4: {  	(tm) =	ssettm $0x7FFFFFFF  }
0xc5: {  	_ =	shalt  }
tec
execute0_lowered:
.L_overlay_start_1:
0x0: {  	(tag) =	ssettag $0x1  }
0x1: {  	s0 =	rddreg [dreg:$0x0]  }
0x2: {  	s14 =	rddreg [dreg:$0x1]  }
0x3: {  	s3 =	rddreg [dreg:$0x2]  }
0x4: {  	s4 =	rddreg [dreg:$0x3];
	s12 =	stileid.u32  }
0x5: {  	s5 =	simm.s32 $0x0;
	s2 =	srdreg.scid;
	s28 =	simm.s32 $0x800  }
0x6: {  	s29 =	simm.s32 $0x5;
	s30 =	simm.s32 $0x2;
	s31 =	simm.s32 $0x300  }
0x7: {  	s1 =	smul.u32 $0x280, s12;
	[smem:$0x7FF] =	sst s5;
	s2 =	sand.u32 $0x1, s2  }
0x8: {  	s15 =	sadd.s32 $0x2400, s0;
	s21 =	smul.u32 $0x2800, s12;
	_ =	strace $0x80000047  }
0x9: {  	s7 =	smul.u32 $0x2800, s2;
	s8 =	sshll.u32 s2, $0x4;
	s9 =	ssub.s32 $0x2, s2  }
0xa: {  	s2 =	smul.u32 $0x28000, s2;
	s6 =	sshrl.u32 s1, $0x3;
	s8 =	sor.u32 s12, s8  }
0xb: {  	s10 =	sshrl.u32 s9, $0x1;
	s6 =	sadd.s32 s6, s0;
	s7 =	sadd.s32 s1, s7  }
0xc: {  	s11 =	smul.u32 $0x2800, s8;
	s26 =	ssub.s32 s9, s10;
	s9 =	sadd.s32 s1, s3  }
0xd: {  	s10 =	sshll.u32 s12, $0x6;
	s1 =	sadd.s32 s1, s4;
	s24 =	sadd.s32 s21, s2  }
0xe: {  	s21 =	simm.s32 $0x400;
	s7 =	sshrl.u32 s7, $0x3;
	[dreg:$0x7] =	wrdreg s9  }
0xf: {  	s6 =	sadd.s32 $0xC400, s6;
	s9 =	sor.u32 $0x1C06, s10;
	[dreg:$0x9] =	wrdreg s1  }
0x10: {  	s25 =	sor.u32 $0x300, s24;
	s26 =	smax.u32 s26, $0x1;
	s10 =	simm.s32 $0x0  }
0x11: {  	s0 =	sadd.s32 s7, s0;
	[dreg:$0x8] =	wrdreg s6;
	s13 =	sshrl.u32 s11, $0x3  }
0x12: {  	s20 =	sor.u32 $0x400, s11;
	s22 =	sor.u32 $0x500, s11;
	[dreg:$0x10] =	wrdreg s26  }
0x13: {  	s26 =	simm.s32 $0x600;
	s7 =	simm.s32 $0x4;
	[dreg:$0x5] =	wrdreg s20  }
0x14: {  	s16 =	sadd.s32 s15, s13;
	s17 =	sadd.s32 s14, s13;
	[dreg:$0x6] =	wrdreg s22  }
0x15: {  	s18 =	sor.u32 $0x20, s13;
	s23 =	sadd.s32 $0xD400, s0;
	[dreg:$0xa] =	wrdreg s16  }
0x16: {  	s0 =	sadd.s32 $0xCA00, s0;
	s20 =	simm.s32 $0x6;
	[dreg:$0xb] =	wrdreg s17  }
0x17: {  	s22 =	simm.s32 $0x100;
	s19 =	sadd.s32 s15, s18;
	[dreg:$0xe] =	wrdreg s23  }
0x18: {  	s1 =	sadd.s32 s14, s18;
	[dreg:$0xf] =	wrdreg s0;
	s18 =	sshrl.u32 s25, $0x3  }
0x19: {  	s23 =	simm.s32 $0x500;
	s25 =	simm.s32 $0x200;
	[dreg:$0xc] =	wrdreg s19  }
0x1a: {  	s0 =	simm.s32 $0x700;
	[dreg:$0xd] =	wrdreg s1;
	s1 =	sor.u32 $0x200, s24  }
0x1b: {  	v0 =	vimm.f32 $1.000000000e+00;
	s24 =	simm.s32 $0x1;
	s19 =	sshrl.u32 s1, $0x3;
	s1 =	simm.s32 $0x3  }
.LBB2_1:
0x1c: {  	s2 =	rddreg [dreg:$0x7]  }
0x1d: {  	s17 =	rddreg [dreg:$0x8];
	s11 =	sshrl.u32 s2, $0x3  }
0x1e: {  	[spmem:s11], [sflag:s9] =	dma.local [hbm:s17], $0x50  }
0x1f: {  	_ =	swait.ge [sflag:s20], $0x50  }
0x20: {  	[sflag:s20] =	ssyncset.done $0x0;
	s6 =	rddreg [dreg:$0x9]  }
0x21: {  	[sflag:s20] =	ssyncadd.s32 $0xFFFFFFB0;
	s12 =	sshrl.u32 s6, $0x3  }
0x22: {  	[spmem:s12], [sflag:s9] =	dma.local [hbm:s17], $0x50  }
0x23: {  	_ =	swait.ge [sflag:s20], $0x50  }
0x24: {  	[sflag:s20] =	ssyncset.done $0x0  }
0x25: {  	[sflag:s20] =	ssyncadd.s32 $0xFFFFFFB0  }
0x26: {  	[tilespmem:$0x800] =	vst v0  }
0x27: {  	[tilespmem:$0x810] =	vst v0  }
0x28: {  	[tilespmem:$0x820] =	vst v0  }
0x29: {  	[tilespmem:$0x830] =	vst v0  }
0x2a: {  	[tilespmem:$0x840] =	vst v0  }
0x2b: {  	[tilespmem:$0x850] =	vst v0  }
0x2c: {  	[tilespmem:$0x860] =	vst v0  }
0x2d: {  	[tilespmem:$0x870] =	vst v0  }
0x2e: {  	[tilespmem:$0x880] =	vst v0  }
0x2f: {  	[tilespmem:$0x890] =	vst v0  }
0x30: {  	[tilespmem:$0x8A0] =	vst v0  }
0x31: {  	[tilespmem:$0x8B0] =	vst v0  }
0x32: {  	[tilespmem:$0x8C0] =	vst v0  }
0x33: {  	[tilespmem:$0x8D0] =	vst v0  }
0x34: {  	[tilespmem:$0x8E0] =	vst v0  }
0x35: {  	[tilespmem:$0x8F0] =	vst v0  }
0x36: {  	[bflag:$0x0] =	sbarrier.arrive $0xFFFF  }
0x37: {  	s6 =	rddreg [dreg:$0xa]  }
0x38: {  	[tilespmem:s5], [sflag:$0x1] =	stream.linear.gather [hbm4b:s6+s5], $0x100, $0x38;
	[tilespmem:$0xE00] =	vst v63  }
0x39: {  	s8 =	rddreg [dreg:$0xb]  }
0x3a: {  	[tilespmem:s21], [sflag:$0x1] =	stream.linear.gather [hbm4b:s8+s5], $0x100, $0x38;
	[tilespmem:$0xE00] =	vst v63  }
0x3b: {  	s13 =	rddreg [dreg:$0xc]  }
0x3c: {  	[tilespmem:s22], [sflag:$0x2] =	stream.linear.gather [hbm4b:s13+s5], $0x100, $0x38;
	[tilespmem:$0xE00] =	vst v63  }
0x3d: {  	s16 =	rddreg [dreg:$0xd]  }
0x3e: {  	[tilespmem:s23], [sflag:$0x2] =	stream.linear.gather [hbm4b:s16+s5], $0x100, $0x38;
	[tilespmem:$0xE00] =	vst v63  }
0x3f: {  	_ =	swait.ge [sflag:s24], $0x100  }
0x40: {  	[sflag:s24] =	ssyncset.done $0x0  }
0x41: {  	[sflag:s24] =	ssyncadd.s32 $0xFFFFFF00  }
0x42: {  	_ =	swait.ge [sflag:s24], $0x100  }
0x43: {  	[sflag:s24] =	ssyncset.done $0x0  }
0x44: {  	s17 =	sadd.s32 s15, s19;
	[sflag:s24] =	ssyncadd.s32 $0xFFFFFF00  }
0x45: {  	[tilespmem:s25], [sflag:$0x3] =	stream.linear.gather [hbm4b:s17+s5], $0x100, $0x38;
	[tilespmem:$0xE00] =	vst v63  }
0x46: {  	s6 =	sadd.s32 s14, s19  }
0x47: {  	[tilespmem:s26], [sflag:$0x3] =	stream.linear.gather [hbm4b:s6+s5], $0x100, $0x38;
	[tilespmem:$0xE00] =	vst v63  }
0x48: {  	_ = 	snop  }
0x49: {  	[spmem:s3] =	stream.indirect.scatter.add.f32 [tilespmem:s28], [sflag:$0x5], $0x1, s5, s22, $0xb8;
	[tilespmem:$0xE00] =	vst v63  }
0x4a: {  	_ = 	snop  }
0x4b: {  	[spmem:s4] =	stream.indirect.scatter.add.f32 [tilespmem:s28], [sflag:$0x6], $0x1, s21, s22, $0xb8;
	[tilespmem:$0xE00] =	vst v63  }
0x4c: {  	_ =	swait.ge [sflag:s20], $0x100  }
0x4d: {  	[sflag:s20] =	ssyncset.done $0x0  }
0x4e: {  	[sflag:s20] =	ssyncadd.s32 $0xFFFFFF00  }
0x4f: {  	_ =	swait.ge [sflag:s29], $0x100  }
0x50: {  	[sflag:s29] =	ssyncset.done $0x0  }
0x51: {  	[sflag:s29] =	ssyncadd.s32 $0xFFFFFF00  }
0x52: {  	_ =	swait.ge [sflag:s30], $0x100  }
0x53: {  	[sflag:s30] =	ssyncset.done $0x0  }
0x54: {  	[sflag:s30] =	ssyncadd.s32 $0xFFFFFF00  }
0x55: {  	_ =	swait.ge [sflag:s30], $0x100  }
0x56: {  	[sflag:s30] =	ssyncset.done $0x0  }
0x57: {  	s8 =	sadd.s32 s15, s18;
	[sflag:s30] =	ssyncadd.s32 $0xFFFFFF00  }
0x58: {  	[tilespmem:s31], [sflag:$0x4] =	stream.linear.gather [hbm4b:s8+s5], $0x100, $0x38;
	[tilespmem:$0xE00] =	vst v63  }
0x59: {  	s13 =	sadd.s32 s14, s18  }
0x5a: {  	[tilespmem:s0], [sflag:$0x4] =	stream.linear.gather [hbm4b:s13+s5], $0x100, $0x38;
	[tilespmem:$0xE00] =	vst v63  }
0x5b: {  	_ = 	snop  }
0x5c: {  	[spmem:s3] =	stream.indirect.scatter.add.f32 [tilespmem:s28], [sflag:$0x5], $0x1, s22, s22, $0xb8;
	[tilespmem:$0xE00] =	vst v63  }
0x5d: {  	_ = 	snop  }
0x5e: {  	[spmem:s4] =	stream.indirect.scatter.add.f32 [tilespmem:s28], [sflag:$0x6], $0x1, s23, s22, $0xb8;
	[tilespmem:$0xE00] =	vst v63  }
0x5f: {  	_ =	swait.ge [sflag:s20], $0x100  }
0x60: {  	[sflag:s20] =	ssyncset.done $0x0  }
0x61: {  	[sflag:s20] =	ssyncadd.s32 $0xFFFFFF00  }
0x62: {  	_ =	swait.ge [sflag:s29], $0x100  }
0x63: {  	[sflag:s29] =	ssyncset.done $0x0  }
0x64: {  	[sflag:s29] =	ssyncadd.s32 $0xFFFFFF00  }
0x65: {  	_ =	swait.ge [sflag:s1], $0x100  }
0x66: {  	[sflag:s1] =	ssyncset.done $0x0  }
0x67: {  	[sflag:s1] =	ssyncadd.s32 $0xFFFFFF00  }
0x68: {  	s17 =	smin.u32 s5, $0x23;
	_ =	swait.ge [sflag:s1], $0x100  }
0x69: {  	s6 =	sshll.u32 s17, $0x8;
	s16 =	rddreg [dreg:$0x5]  }
0x6a: {  	s2 =	sadd.s32 s6, s16  }
0x6b: {  	[sflag:s1] =	ssyncset.done $0x0;
	s2 =	sshrl.u32 s2, $0x3  }
0x6c: {  	[sflag:s1] =	ssyncadd.s32 $0xFFFFFF00;
	s8 =	sadd.s32 s15, s2  }
0x6d: {  	[tilespmem:s5], [sflag:$0x1] =	stream.linear.gather [hbm4b:s8+s5], $0x100, $0x38;
	[tilespmem:$0xE00] =	vst v63  }
0x6e: {  	s2 =	sadd.s32 s14, s2  }
0x6f: {  	[tilespmem:s21], [sflag:$0x1] =	stream.linear.gather [hbm4b:s2+s5], $0x100, $0x38;
	[tilespmem:$0xE00] =	vst v63  }
0x70: {  	_ = 	snop  }
0x71: {  	[spmem:s3] =	stream.indirect.scatter.add.f32 [tilespmem:s28], [sflag:$0x5], $0x1, s25, s22, $0xb8;
	[tilespmem:$0xE00] =	vst v63  }
0x72: {  	_ = 	snop  }
0x73: {  	[spmem:s4] =	stream.indirect.scatter.add.f32 [tilespmem:s28], [sflag:$0x6], $0x1, s26, s22, $0xb8;
	[tilespmem:$0xE00] =	vst v63  }
0x74: {  	_ =	swait.ge [sflag:s20], $0x100  }
0x75: {  	[sflag:s20] =	ssyncset.done $0x0  }
0x76: {  	[sflag:s20] =	ssyncadd.s32 $0xFFFFFF00  }
0x77: {  	_ =	swait.ge [sflag:s29], $0x100  }
0x78: {  	[sflag:s29] =	ssyncset.done $0x0  }
0x79: {  	[sflag:s29] =	ssyncadd.s32 $0xFFFFFF00  }
0x7a: {  	_ =	swait.ge [sflag:s7], $0x100  }
0x7b: {  	[sflag:s7] =	ssyncset.done $0x0  }
0x7c: {  	[sflag:s7] =	ssyncadd.s32 $0xFFFFFF00  }
0x7d: {  	s16 =	smin.u32 s5, $0x22;
	_ =	swait.ge [sflag:s7], $0x100  }
0x7e: {  	s6 =	sshll.u32 s16, $0x8;
	s13 =	rddreg [dreg:$0x6]  }
0x7f: {  	s2 =	sadd.s32 s6, s13  }
0x80: {  	[sflag:s7] =	ssyncset.done $0x0;
	s2 =	sshrl.u32 s2, $0x3  }
0x81: {  	[sflag:s7] =	ssyncadd.s32 $0xFFFFFF00;
	s17 =	sadd.s32 s15, s2  }
0x82: {  	[tilespmem:s22], [sflag:$0x2] =	stream.linear.gather [hbm4b:s17+s5], $0x100, $0x38;
	[tilespmem:$0xE00] =	vst v63  }
0x83: {  	s2 =	sadd.s32 s14, s2  }
0x84: {  	[tilespmem:s23], [sflag:$0x2] =	stream.linear.gather [hbm4b:s2+s5], $0x100, $0x38;
	[tilespmem:$0xE00] =	vst v63  }
0x85: {  	_ = 	snop  }
0x86: {  	[spmem:s3] =	stream.indirect.scatter.add.f32 [tilespmem:s28], [sflag:$0x5], $0x1, s31, s22, $0xb8;
	[tilespmem:$0xE00] =	vst v63  }
0x87: {  	_ = 	snop  }
0x88: {  	[spmem:s4] =	stream.indirect.scatter.add.f32 [tilespmem:s28], [sflag:$0x6], $0x1, s0, s22, $0xb8;
	[tilespmem:$0xE00] =	vst v63  }
0x89: {  	_ =	swait.ge [sflag:s20], $0x100  }
0x8a: {  	[sflag:s20] =	ssyncset.done $0x0  }
0x8b: {  	[sflag:s20] =	ssyncadd.s32 $0xFFFFFF00  }
0x8c: {  	s13 =	simm.s32 $0x4;
	_ =	swait.ge [sflag:s29], $0x100  }
0x8d: {  	s6 =	smov.u32 s15;
	s2 =	smov.u32 s14;
	[sflag:s29] =	ssyncset.done $0x0  }
.LBB2_2:
0x8e: {  	[sflag:s29] =	ssyncadd.s32 $0xFFFFFF00  }
0x8f: {  	_ =	swait.ge [sflag:s24], $0x100  }
0x90: {  	[sflag:s24] =	ssyncset.done $0x0  }
0x91: {  	[sflag:s24] =	ssyncadd.s32 $0xFFFFFF00  }
0x92: {  	_ =	swait.ge [sflag:s24], $0x100  }
0x93: {  	s6 =	sadd.s32 $0x80, s6;
	[sflag:s24] =	ssyncset.done $0x0  }
0x94: {  	s2 =	sadd.s32 $0x80, s2;
	s17 =	sadd.s32 s6, s19;
	[sflag:s24] =	ssyncadd.s32 $0xFFFFFF00  }
0x95: {  	[tilespmem:s25], [sflag:$0x3] =	stream.linear.gather [hbm4b:s17+s5], $0x100, $0x38;
	[tilespmem:$0xE00] =	vst v63  }
0x96: {  	s8 =	sadd.s32 s2, s19  }
0x97: {  	[tilespmem:s26], [sflag:$0x3] =	stream.linear.gather [hbm4b:s8+s5], $0x100, $0x38;
	[tilespmem:$0xE00] =	vst v63  }
0x98: {  	_ = 	snop  }
0x99: {  	[spmem:s3] =	stream.indirect.scatter.add.f32 [tilespmem:s28], [sflag:$0x5], $0x1, s5, s22, $0xb8;
	[tilespmem:$0xE00] =	vst v63  }
0x9a: {  	_ = 	snop  }
0x9b: {  	[spmem:s4] =	stream.indirect.scatter.add.f32 [tilespmem:s28], [sflag:$0x6], $0x1, s21, s22, $0xb8;
	[tilespmem:$0xE00] =	vst v63  }
0x9c: {  	_ =	swait.ge [sflag:s20], $0x100  }
0x9d: {  	[sflag:s20] =	ssyncset.done $0x0  }
0x9e: {  	[sflag:s20] =	ssyncadd.s32 $0xFFFFFF00  }
0x9f: {  	_ =	swait.ge [sflag:s29], $0x100  }
0xa0: {  	[sflag:s29] =	ssyncset.done $0x0  }
0xa1: {  	[sflag:s29] =	ssyncadd.s32 $0xFFFFFF00  }
0xa2: {  	_ =	swait.ge [sflag:s30], $0x100  }
0xa3: {  	[sflag:s30] =	ssyncset.done $0x0  }
0xa4: {  	[sflag:s30] =	ssyncadd.s32 $0xFFFFFF00  }
0xa5: {  	_ =	swait.ge [sflag:s30], $0x100  }
0xa6: {  	[sflag:s30] =	ssyncset.done $0x0  }
0xa7: {  	s8 =	sadd.s32 s6, s18;
	[sflag:s30] =	ssyncadd.s32 $0xFFFFFF00  }
0xa8: {  	[tilespmem:s31], [sflag:$0x4] =	stream.linear.gather [hbm4b:s8+s5], $0x100, $0x38;
	[tilespmem:$0xE00] =	vst v63  }
0xa9: {  	s8 =	sadd.s32 s2, s18  }
0xaa: {  	[tilespmem:s0], [sflag:$0x4] =	stream.linear.gather [hbm4b:s8+s5], $0x100, $0x38;
	[tilespmem:$0xE00] =	vst v63  }
0xab: {  	_ = 	snop  }
0xac: {  	[spmem:s3] =	stream.indirect.scatter.add.f32 [tilespmem:s28], [sflag:$0x5], $0x1, s22, s22, $0xb8;
	[tilespmem:$0xE00] =	vst v63  }
0xad: {  	_ = 	snop  }
0xae: {  	[spmem:s4] =	stream.indirect.scatter.add.f32 [tilespmem:s28], [sflag:$0x6], $0x1, s23, s22, $0xb8;
	[tilespmem:$0xE00] =	vst v63  }
0xaf: {  	_ =	swait.ge [sflag:s20], $0x100  }
0xb0: {  	[sflag:s20] =	ssyncset.done $0x0  }
0xb1: {  	[sflag:s20] =	ssyncadd.s32 $0xFFFFFF00  }
0xb2: {  	_ =	swait.ge [sflag:s29], $0x100  }
0xb3: {  	[sflag:s29] =	ssyncset.done $0x0  }
0xb4: {  	[sflag:s29] =	ssyncadd.s32 $0xFFFFFF00  }
0xb5: {  	_ =	swait.ge [sflag:s1], $0x100  }
0xb6: {  	[sflag:s1] =	ssyncset.done $0x0  }
0xb7: {  	s16 =	smov.u32 s13;
	[sflag:s1] =	ssyncadd.s32 $0xFFFFFF00  }
0xb8: {  	s8 =	smin.u32 s16, $0x23;
	_ =	swait.ge [sflag:s1], $0x100  }
0xb9: {  	s8 =	sshll.u32 s8, $0x8;
	s17 =	rddreg [dreg:$0x5]  }
0xba: {  	s8 =	sadd.s32 s8, s17  }
0xbb: {  	[sflag:s1] =	ssyncset.done $0x0;
	s8 =	sshrl.u32 s8, $0x3  }
0xbc: {  	[sflag:s1] =	ssyncadd.s32 $0xFFFFFF00;
	s17 =	sadd.s32 s15, s8  }
0xbd: {  	[tilespmem:s5], [sflag:$0x1] =	stream.linear.gather [hbm4b:s17+s5], $0x100, $0x38;
	[tilespmem:$0xE00] =	vst v63  }
0xbe: {  	s8 =	sadd.s32 s14, s8  }
0xbf: {  	[tilespmem:s21], [sflag:$0x1] =	stream.linear.gather [hbm4b:s8+s5], $0x100, $0x38;
	[tilespmem:$0xE00] =	vst v63  }
0xc0: {  	_ = 	snop  }
0xc1: {  	[spmem:s3] =	stream.indirect.scatter.add.f32 [tilespmem:s28], [sflag:$0x5], $0x1, s25, s22, $0xb8;
	[tilespmem:$0xE00] =	vst v63  }
0xc2: {  	_ = 	snop  }
0xc3: {  	[spmem:s4] =	stream.indirect.scatter.add.f32 [tilespmem:s28], [sflag:$0x6], $0x1, s26, s22, $0xb8;
	[tilespmem:$0xE00] =	vst v63  }
0xc4: {  	_ =	swait.ge [sflag:s20], $0x100  }
0xc5: {  	[sflag:s20] =	ssyncset.done $0x0  }
0xc6: {  	[sflag:s20] =	ssyncadd.s32 $0xFFFFFF00  }
0xc7: {  	_ =	swait.ge [sflag:s29], $0x100  }
0xc8: {  	[sflag:s29] =	ssyncset.done $0x0  }
0xc9: {  	[sflag:s29] =	ssyncadd.s32 $0xFFFFFF00  }
0xca: {  	_ =	swait.ge [sflag:s7], $0x100  }
0xcb: {  	[sflag:s7] =	ssyncset.done $0x0  }
0xcc: {  	[sflag:s7] =	ssyncadd.s32 $0xFFFFFF00  }
0xcd: {  	s16 =	smin.u32 s16, $0x22;
	_ =	swait.ge [sflag:s7], $0x100  }
0xce: {  	s16 =	sshll.u32 s16, $0x8;
	s17 =	rddreg [dreg:$0x6]  }
0xcf: {  	s8 =	sadd.s32 s16, s17  }
0xd0: {  	[sflag:s7] =	ssyncset.done $0x0;
	s8 =	sshrl.u32 s8, $0x3  }
0xd1: {  	[sflag:s7] =	ssyncadd.s32 $0xFFFFFF00;
	s17 =	sadd.s32 s15, s8  }
0xd2: {  	[tilespmem:s22], [sflag:$0x2] =	stream.linear.gather [hbm4b:s17+s5], $0x100, $0x38;
	[tilespmem:$0xE00] =	vst v63  }
0xd3: {  	s8 =	sadd.s32 s14, s8  }
0xd4: {  	[tilespmem:s23], [sflag:$0x2] =	stream.linear.gather [hbm4b:s8+s5], $0x100, $0x38;
	[tilespmem:$0xE00] =	vst v63  }
0xd5: {  	_ = 	snop  }
0xd6: {  	[spmem:s3] =	stream.indirect.scatter.add.f32 [tilespmem:s28], [sflag:$0x5], $0x1, s31, s22, $0xb8;
	[tilespmem:$0xE00] =	vst v63  }
0xd7: {  	p0 =	sne.s32 s13, $0x24  }
0xd8: {  	[spmem:s4] =	stream.indirect.scatter.add.f32 [tilespmem:s28], [sflag:$0x6], $0x1, s0, s22, $0xb8;
	[tilespmem:$0xE00] =	vst v63  }
.Ltmp0:
0xd9: {  	_ =	swait.ge [sflag:s20], $0x100;
	(pc) =	sbr.rel @p0 .LBB2_2-.Ltmp0, $4  }
0xda: {  	[sflag:s20] =	ssyncset.done $0x0  }
0xdb: {  	[sflag:s20] =	ssyncadd.s32 $0xFFFFFF00  }
0xdc: {  	_ =	swait.ge [sflag:s29], $0x100  }
0xdd: {  	s13 =	sadd.s32 $0x4, s13;
	[sflag:s29] =	ssyncset.done $0x0  }
0xde: {  	[sflag:s29] =	ssyncadd.s32 $0xFFFFFF00  }
0xdf: {  	_ =	swait.ge [sflag:s24], $0x100  }
0xe0: {  	[sflag:s24] =	ssyncset.done $0x0  }
0xe1: {  	[sflag:s24] =	ssyncadd.s32 $0xFFFFFF00  }
0xe2: {  	_ =	swait.ge [sflag:s24], $0x100  }
0xe3: {  	[sflag:s24] =	ssyncset.done $0x0  }
0xe4: {  	[sflag:s24] =	ssyncadd.s32 $0xFFFFFF00  }
0xe5: {  	_ =	swait.ge [sflag:s30], $0x100  }
0xe6: {  	[sflag:s30] =	ssyncset.done $0x0  }
0xe7: {  	[sflag:s30] =	ssyncadd.s32 $0xFFFFFF00  }
0xe8: {  	_ =	swait.ge [sflag:s30], $0x100  }
0xe9: {  	[sflag:s30] =	ssyncset.done $0x0  }
0xea: {  	[sflag:s30] =	ssyncadd.s32 $0xFFFFFF00  }
0xeb: {  	[bflag:$0x0] =	sbarrier.arrive $0xFFFF  }
0xec: {  	s2 =	rddreg [dreg:$0xe]  }
0xed: {  	[hbm:s2], [sflag:s9] =	dma.local [spmem:s11], $0x50  }
0xee: {  	_ =	swait.ge [sflag:s20], $0x50  }
0xef: {  	[sflag:s20] =	ssyncset.done $0x0  }
0xf0: {  	s16 =	rddreg [dreg:$0xf];
	[sflag:s20] =	ssyncadd.s32 $0xFFFFFFB0  }
0xf1: {  	[hbm:s16], [sflag:s9] =	dma.local [spmem:s12], $0x50  }
0xf2: {  	_ =	swait.ge [sflag:s20], $0x50  }
0xf3: {  	s10 =	sadd.s32 $0x1, s10;
	s17 =	rddreg [dreg:$0x10]  }
0xf4: {  	p0 =	sne.s32 s10, s17  }
.Ltmp1:
0xf5: {  	_ = 	snop;
	(pc) =	sbr.rel @p0 .LBB2_1-.Ltmp1, $3  }
0xf6: {  	_ =	sdelay $0x1  }
0xf7: {  	[sflag:s20] =	ssyncset.done $0x0  }
0xf8: {  	[sflag:s20] =	ssyncadd.s32 $0xFFFFFFB0  }
0xf9: {  	_ =	sfence.sel $0x180000  }
0xfa: {  	[bflag:$0x0] =	sbarrier.arrive $0xFFFF  }
0xfb: {  	_ =	strace $0x90000047  }
0xfc: {  	s0 =	stileid.u32;
	[bflag:$0x2] =	sbarrier.arrive $0xFFFF  }
0xfd: {  	p0 =	sne.s32 s0, $0x0;
	s0 =	rddreg [dreg:$0x4]  }
0xfe: {  	s0 =	sadd.s32 @!p0 $0x100000, s0  }
0xff: {  	[sflag:s0] =	ssyncadd.tile.s32 @!p0 $0x1;
	_ =	shalt  }
.Lfunc_end2:
_tile_overlayer_lowered:
.L_overlay_start_2:
0x100: {  	(tag) =	ssettag $0x2  }
0x101: {  	s0 =	rddreg [dreg:$0x0];
	s2 =	stileid.u32  }
0x102: {  	s1 =	rddreg [dreg:$0x1];
	p0 =	sne.s32 s2, $0x0  }
0x103: {  	s3 =	rddreg [dreg:$0x2];
	[bflag:$0x3] =	sbarrier.arrive $0xFFFF;
	s2 =	simm.s32 @!p0 $0x1C06  }
0x104: {  	[timem:s3], [sflag:s2] =	dma.local @!p0 [hbm:s0], s1  }
0x105: {  	s0 =	simm.s32 @!p0 $0x6  }
0x106: {  	_ =	swait.ge @!p0 [sflag:s0], s1  }
0x107: {  	s1 =	ssub.s32 @!p0 $0x0, s1;
	[sflag:s0] =	ssyncset.done @!p0 $0x0  }
0x108: {  	[sflag:s0] =	ssyncadd.s32 @!p0 s1  }
0x109: {  	[bflag:$0x3] =	sbarrier.arrive $0xFFFF  }
0x10a: {  	_ =	shalt  }

</sc_bundles>
